<compile_context>
chip_gen: v7x
topology: tpu7x:2x2x1
jax: 0.10.2.dev20260603
libtpu: 0.0.44.dev20260713+nightly
codegen_flags: <defaults>
</compile_context>

<pallas_src>
import dataclasses
import functools

import jax
import jax.numpy as jnp
from jax import lax
from jax.experimental import pallas as pl
from jax.experimental.pallas import tpu as pltpu
from jax.experimental.pallas import tpu_sc as plsc

NC = 2
NS = 16
L = 16

N = 32768
K = 64
NROWS = 64 * 32
ROWS_PER_TILE = NROWS // (NC * NS)
NVECS = N // L
NACC = 8
LANE_CAP = 64
CAP = LANE_CAP * L

_NEG = float("-inf")


def _sort_desc(v):
    r = plsc.sort_key_val(v, v, descending=True)
    return r[0] if isinstance(r, (list, tuple)) else r


def _merge64(b0, b1, b2, b3, vs):
    t3 = jnp.maximum(b3, lax.rev(vs, (0,)))
    a0 = jnp.maximum(b0, b2)
    a2 = jnp.minimum(b0, b2)
    a1 = jnp.maximum(b1, t3)
    a3 = jnp.minimum(b1, t3)
    c0 = jnp.maximum(a0, a1)
    c1 = jnp.minimum(a0, a1)
    c2 = jnp.maximum(a2, a3)
    c3 = jnp.minimum(a2, a3)
    return _sort_desc(c0), _sort_desc(c1), _sort_desc(c2), _sort_desc(c3)


def _merge32(a, b):
    rb = lax.rev(b, (0,))
    return _sort_desc(jnp.maximum(a, rb)), _sort_desc(jnp.minimum(a, rb))


def _tau_128(acc):
    s = [_sort_desc(a) for a in acc]
    p = [_merge32(s[2 * i], s[2 * i + 1]) for i in range(4)]
    q = []
    for i in range(2):
        (a0, a1), (b0, b1) = p[2 * i], p[2 * i + 1]
        r0, r1 = lax.rev(b1, (0,)), lax.rev(b0, (0,))
        t0, t1 = jnp.maximum(a0, r0), jnp.maximum(a1, r1)
        l0, l1 = jnp.minimum(a0, r0), jnp.minimum(a1, r1)
        hi = (_sort_desc(jnp.maximum(t0, t1)), _sort_desc(jnp.minimum(t0, t1)))
        lo = (_sort_desc(jnp.maximum(l0, l1)), _sort_desc(jnp.minimum(l0, l1)))
        q.append(hi + lo)
    t = [jnp.maximum(q[0][i], lax.rev(q[1][3 - i], (0,))) for i in range(4)]
    return jnp.min(jnp.minimum(jnp.minimum(t[0], t[1]),
                               jnp.minimum(t[2], t[3])))


def _topk_row(buf, cand, outbuf, row):
    neg = jnp.full((L,), _NEG, jnp.float32)

    def g_body(t, acc):
        base = t * (NACC * L)
        return tuple(
            jnp.maximum(acc[j], buf[pl.ds(base + j * L, L)])
            for j in range(NACC))

    acc = lax.fori_loop(0, NVECS // NACC, g_body, (neg,) * NACC, unroll=2)
    tau = _tau_128(acc)

    def z_body(s):
        cand[pl.ds(s * L, L)] = neg

    pl.loop(0, CAP // L, unroll=4)(z_body)

    lane0 = jnp.arange(L, dtype=jnp.int32)
    lane1 = lane0 + (CAP // 2)
    cap0 = lane0 + (LANE_CAP // 2 - 1) * L
    cap1 = lane1 + (LANE_CAP // 2 - 1) * L
    step16 = jnp.full((L,), L, jnp.int32)
    zero16 = jnp.zeros((L,), jnp.int32)
    tauv = tau + jnp.zeros((L,), jnp.float32)

    def c_body(i, carry):
        off0, off1 = carry
        v0 = buf[pl.ds((2 * i) * L, L)]
        v1 = buf[pl.ds((2 * i + 1) * L, L)]
        m0 = v0 >= tauv
        m1 = v1 >= tauv
        plsc.store_scatter(cand, [jnp.minimum(off0, cap0)], v0, mask=m0)
        plsc.store_scatter(cand, [jnp.minimum(off1, cap1)], v1, mask=m1)
        return (off0 + jnp.where(m0, step16, zero16),
                off1 + jnp.where(m1, step16, zero16))

    off0, off1 = lax.fori_loop(0, NVECS // 2, c_body, (lane0, lane1),
                               unroll=8)
    n0 = jnp.minimum(jnp.max(off0 - lane0) // L, LANE_CAP // 2)
    n1 = jnp.minimum(jnp.max(off1 - lane1) // L, LANE_CAP // 2)

    def m_body_at(base_slot):
        def m_body(t, state):
            b0, b1, b2, b3, bmin = state
            v = cand[pl.ds((base_slot + t) * L, L)]

            def do(_):
                q0, q1, q2, q3 = _merge64(b0, b1, b2, b3, _sort_desc(v))
                return q0, q1, q2, q3, jnp.min(q3)

            return lax.cond(jnp.max(v) >= bmin, do, lambda _: state, None)

        return m_body

    state = (neg, neg, neg, neg, jnp.float32(_NEG))
    state = lax.fori_loop(0, n0, m_body_at(0), state)
    b0, b1, b2, b3, _ = lax.fori_loop(0, n1, m_body_at(LANE_CAP // 2), state)
    outbuf[row, pl.ds(0, L)] = b0
    outbuf[row, pl.ds(L, L)] = b1
    outbuf[row, pl.ds(2 * L, L)] = b2
    outbuf[row, pl.ds(3 * L, L)] = b3


@jax.jit
def _topk_sc(x2):
    mesh = plsc.VectorSubcoreMesh(core_axis_name="c", subcore_axis_name="s")
    cp = pltpu.CompilerParams()
    if "needs_layout_passes" in pltpu.CompilerParams.__dataclass_fields__:
        cp = dataclasses.replace(cp, needs_layout_passes=False)

    @functools.partial(
        pl.kernel,
        compiler_params=cp,
        out_type=jax.ShapeDtypeStruct((NROWS, K), jnp.float32),
        mesh=mesh,
        scratch_types=[
            pltpu.VMEM((N,), jnp.float32),
            pltpu.VMEM((N,), jnp.float32),
            pltpu.VMEM((CAP,), jnp.float32),
            pltpu.VMEM((ROWS_PER_TILE, K), jnp.float32),
            pltpu.SemaphoreType.DMA,
            pltpu.SemaphoreType.DMA,
        ],
    )
    def k(x_hbm, out_hbm, buf0, buf1, cand, outbuf, sem0, sem1):
        wid = lax.axis_index("c") * NS + lax.axis_index("s")
        base = wid * ROWS_PER_TILE
        pltpu.async_copy(x_hbm.at[base], buf0, sem0)
        pltpu.async_copy(x_hbm.at[base + 1], buf1, sem1)

        @pl.loop(0, ROWS_PER_TILE, step=2)
        def _(i):
            r0 = base + i
            pltpu.make_async_copy(x_hbm.at[r0], buf0, sem0).wait()
            _topk_row(buf0, cand, outbuf, i)

            @pl.when(i + 2 < ROWS_PER_TILE)
            def _():
                pltpu.async_copy(x_hbm.at[r0 + 2], buf0, sem0)

            r1 = r0 + 1
            pltpu.make_async_copy(x_hbm.at[r1], buf1, sem1).wait()
            _topk_row(buf1, cand, outbuf, i + 1)

            @pl.when(i + 3 < ROWS_PER_TILE)
            def _():
                pltpu.async_copy(x_hbm.at[r1 + 2], buf1, sem1)

        pltpu.sync_copy(outbuf, out_hbm.at[pl.ds(base, ROWS_PER_TILE)])

    return k(x2)


def kernel(x):
    b, c, n = x.shape
    out = _topk_sc(x.reshape(b * c, n))
    return out.reshape(b, c, K)

# --- scband reference (transcript-rebuilt; emitter-appended) ---
"""Pipeline reference for scband-dynamic-max-pool1d-69458211111080 (READ-ONLY COPY).

The authoritative reference and input builder live on the scoring server;
editing this copy changes nothing except your own understanding.
"""

import jax, jax.numpy as jnp
import numpy as np

K = 64

def setup_inputs(seed: int = 0) -> dict:
    key = jax.random.key(seed)
    x = jax.random.normal(key, (64, 32, 32768), dtype=jnp.float32)
    return {"x": x}

def reference(x):
    # DynamicMaxPool1d: k = min(self.k, x.shape[2]); out, _ = x.topk(k, dim=2)
    k = min(K, x.shape[2])
    out = jax.lax.top_k(x, k)[0]  # sorted descending along last dim, matching torch.topk
    return out

if __name__ == "__main__":
    import jax
    _d = setup_inputs()
    print(jax.jit(kernel)(*tuple(_d.values())))

</pallas_src>

<mosaic_0001>
#map = affine_map<(d0, d1) -> (0, 0)>
module attributes {stable_mosaic.version = 14 : i64} {
  func.func @k(%arg0: i32, %arg1: i32, %arg2: memref<2048x32768xf32, #tpu.memory_space<hbm>>, %arg3: memref<2048x64xf32, #tpu.memory_space<hbm>>, %arg4: memref<32768xf32, #tpu.memory_space<vmem>>, %arg5: memref<32768xf32, #tpu.memory_space<vmem>>, %arg6: memref<1024xf32, #tpu.memory_space<vmem>>, %arg7: memref<64x64xf32, #tpu.memory_space<vmem>>, %arg8: memref<!tpu.dma_semaphore, #tpu.memory_space<semaphore_mem>>, %arg9: memref<!tpu.dma_semaphore, #tpu.memory_space<semaphore_mem>>) attributes {dimension_semantics = [#tpu.dimension_semantics<core_parallel>, #tpu.dimension_semantics<subcore_parallel>], iteration_bounds = array<i64: 2, 16>, scalar_prefetch = 0 : i64, scratch_operands = 6 : i64, tpu.core_type = #tpu.core_type<sc_vector_subcore>, window_params = [{transform_indices = #map}, {transform_indices = #map}]} {
    %mul3A = arith.constant 16 : i32
    %mul3A_0 = arith.muli %arg0, %mul3A : i32
    %add3A = arith.addi %mul3A_0, %arg1 : i32
    %mul3A_1 = arith.constant 64 : i32
    %mul3A_2 = arith.muli %add3A, %mul3A_1 : i32
    %dma_start3A = arith.constant 0 : i32
    %dma_start3A_3 = tpu.memref_slice %arg2[%mul3A_2, %dma_start3A] : memref<2048x32768xf32, #tpu.memory_space<hbm>> -> memref<1x32768xf32, #tpu.memory_space<hbm>>
    %dma_start3A_4 = tpu.memref_squeeze %dma_start3A_3 : memref<1x32768xf32, #tpu.memory_space<hbm>> -> memref<32768xf32, #tpu.memory_space<hbm>>
    %dma_start3A_5 = arith.constant 0 : i32
    %dma_start3A_6 = tpu.memref_slice %arg2[%mul3A_2, %dma_start3A_5] : memref<2048x32768xf32, #tpu.memory_space<hbm>> -> memref<1x32768xf32, #tpu.memory_space<hbm>>
    %dma_start3A_7 = tpu.memref_squeeze %dma_start3A_6 : memref<1x32768xf32, #tpu.memory_space<hbm>> -> memref<32768xf32, #tpu.memory_space<hbm>>
    tpu.enqueue_dma source(%dma_start3A_7 : memref<32768xf32, #tpu.memory_space<hbm>>) target(%arg4 : memref<32768xf32, #tpu.memory_space<vmem>>) target_semaphore(%arg8 : memref<!tpu.dma_semaphore, #tpu.memory_space<semaphore_mem>>)
    %add3A_8 = arith.constant 1 : i32
    %add3A_9 = arith.addi %mul3A_2, %add3A_8 : i32
    %dma_start3A_10 = arith.constant 0 : i32
    %dma_start3A_11 = tpu.memref_slice %arg2[%add3A_9, %dma_start3A_10] : memref<2048x32768xf32, #tpu.memory_space<hbm>> -> memref<1x32768xf32, #tpu.memory_space<hbm>>
    %dma_start3A_12 = tpu.memref_squeeze %dma_start3A_11 : memref<1x32768xf32, #tpu.memory_space<hbm>> -> memref<32768xf32, #tpu.memory_space<hbm>>
    %dma_start3A_13 = arith.constant 0 : i32
    %dma_start3A_14 = tpu.memref_slice %arg2[%add3A_9, %dma_start3A_13] : memref<2048x32768xf32, #tpu.memory_space<hbm>> -> memref<1x32768xf32, #tpu.memory_space<hbm>>
    %dma_start3A_15 = tpu.memref_squeeze %dma_start3A_14 : memref<1x32768xf32, #tpu.memory_space<hbm>> -> memref<32768xf32, #tpu.memory_space<hbm>>
    tpu.enqueue_dma source(%dma_start3A_15 : memref<32768xf32, #tpu.memory_space<hbm>>) target(%arg5 : memref<32768xf32, #tpu.memory_space<vmem>>) target_semaphore(%arg9 : memref<!tpu.dma_semaphore, #tpu.memory_space<semaphore_mem>>)
    %scan3A = arith.constant 0 : i32
    %scan3A_16 = arith.constant 32 : i32
    %scan3A_17 = arith.addi %scan3A, %scan3A_16 : i32
    %scan3A_18 = arith.constant 1 : i32
    scf.for %scan3A_20 = %scan3A to %scan3A_17 step %scan3A_18  : i32 {
      %mul3A_21 = arith.constant 2 : i32
      %mul3A_22 = arith.muli %scan3A_20, %mul3A_21 : i32
      %add3A_23 = arith.constant 0 : i32
      %add3A_24 = arith.addi %add3A_23, %mul3A_22 : i32
      %add3A_25 = arith.addi %mul3A_2, %add3A_24 : i32
      %dma_wait3A = arith.constant 0 : i32
      %dma_wait3A_26 = tpu.memref_slice %arg2[%add3A_25, %dma_wait3A] : memref<2048x32768xf32, #tpu.memory_space<hbm>> -> memref<1x32768xf32, #tpu.memory_space<hbm>>
      %dma_wait3A_27 = tpu.memref_squeeze %dma_wait3A_26 : memref<1x32768xf32, #tpu.memory_space<hbm>> -> memref<32768xf32, #tpu.memory_space<hbm>>
      %dma_wait3A_28 = arith.constant 0 : i32
      %dma_wait3A_29 = tpu.memref_slice %arg2[%add3A_25, %dma_wait3A_28] : memref<2048x32768xf32, #tpu.memory_space<hbm>> -> memref<1x32768xf32, #tpu.memory_space<hbm>>
      %dma_wait3A_30 = tpu.memref_squeeze %dma_wait3A_29 : memref<1x32768xf32, #tpu.memory_space<hbm>> -> memref<32768xf32, #tpu.memory_space<hbm>>
      tpu.wait_dma2 semaphore(%arg8 : memref<!tpu.dma_semaphore, #tpu.memory_space<semaphore_mem>>) src(%dma_wait3A_30 : memref<32768xf32, #tpu.memory_space<hbm>>) dst(%arg4 : memref<32768xf32, #tpu.memory_space<vmem>>)
      %broadcast_in_dim3A = arith.constant 0xFF800000 : f32
      %broadcast_in_dim3A_31 = vector.broadcast %broadcast_in_dim3A : f32 to vector<16xf32>
      %scan3A_32 = arith.constant 0 : i32
      %scan3A_33 = arith.constant 256 : i32
      %scan3A_34 = arith.addi %scan3A_32, %scan3A_33 : i32
      %scan3A_35 = arith.constant 2 : i32
      %scan3A_36:8 = scf.for %scan3A_700 = %scan3A_32 to %scan3A_34 step %scan3A_35 iter_args(%scan3A_701 = %broadcast_in_dim3A_31, %scan3A_702 = %broadcast_in_dim3A_31, %scan3A_703 = %broadcast_in_dim3A_31, %scan3A_704 = %broadcast_in_dim3A_31, %scan3A_705 = %broadcast_in_dim3A_31, %scan3A_706 = %broadcast_in_dim3A_31, %scan3A_707 = %broadcast_in_dim3A_31, %scan3A_708 = %broadcast_in_dim3A_31) -> (vector<16xf32>, vector<16xf32>, vector<16xf32>, vector<16xf32>, vector<16xf32>, vector<16xf32>, vector<16xf32>, vector<16xf32>)  : i32 {
        %mul3A_709 = arith.constant 128 : i32
        %mul3A_710 = arith.muli %scan3A_700, %mul3A_709 : i32
        %add3A_711 = arith.constant 0 : i32
        %add3A_712 = arith.addi %mul3A_710, %add3A_711 : i32
        %get3A = arith.index_cast %add3A_712 : i32 to index
        %get3A_713 = tpu.vector_load %arg4[%get3A] {strides = array<i32>} : memref<32768xf32, #tpu.memory_space<vmem>>, vector<16xf32>,
        %max3A_714 = arith.maximumf %scan3A_701, %get3A_713 : vector<16xf32>
        %add3A_715 = arith.constant 16 : i32
        %add3A_716 = arith.addi %mul3A_710, %add3A_715 : i32
        %get3A_717 = arith.index_cast %add3A_716 : i32 to index
        %get3A_718 = tpu.vector_load %arg4[%get3A_717] {strides = array<i32>} : memref<32768xf32, #tpu.memory_space<vmem>>, vector<16xf32>,
        %max3A_719 = arith.maximumf %scan3A_702, %get3A_718 : vector<16xf32>
        %add3A_720 = arith.constant 32 : i32
        %add3A_721 = arith.addi %mul3A_710, %add3A_720 : i32
        %get3A_722 = arith.index_cast %add3A_721 : i32 to index
        %get3A_723 = tpu.vector_load %arg4[%get3A_722] {strides = array<i32>} : memref<32768xf32, #tpu.memory_space<vmem>>, vector<16xf32>,
        %max3A_724 = arith.maximumf %scan3A_703, %get3A_723 : vector<16xf32>
        %add3A_725 = arith.constant 48 : i32
        %add3A_726 = arith.addi %mul3A_710, %add3A_725 : i32
        %get3A_727 = arith.index_cast %add3A_726 : i32 to index
        %get3A_728 = tpu.vector_load %arg4[%get3A_727] {strides = array<i32>} : memref<32768xf32, #tpu.memory_space<vmem>>, vector<16xf32>,
        %max3A_729 = arith.maximumf %scan3A_704, %get3A_728 : vector<16xf32>
        %add3A_730 = arith.constant 64 : i32
        %add3A_731 = arith.addi %mul3A_710, %add3A_730 : i32
        %get3A_732 = arith.index_cast %add3A_731 : i32 to index
        %get3A_733 = tpu.vector_load %arg4[%get3A_732] {strides = array<i32>} : memref<32768xf32, #tpu.memory_space<vmem>>, vector<16xf32>,
        %max3A_734 = arith.maximumf %scan3A_705, %get3A_733 : vector<16xf32>
        %add3A_735 = arith.constant 80 : i32
        %add3A_736 = arith.addi %mul3A_710, %add3A_735 : i32
        %get3A_737 = arith.index_cast %add3A_736 : i32 to index
        %get3A_738 = tpu.vector_load %arg4[%get3A_737] {strides = array<i32>} : memref<32768xf32, #tpu.memory_space<vmem>>, vector<16xf32>,
        %max3A_739 = arith.maximumf %scan3A_706, %get3A_738 : vector<16xf32>
        %add3A_740 = arith.constant 96 : i32
        %add3A_741 = arith.addi %mul3A_710, %add3A_740 : i32
        %get3A_742 = arith.index_cast %add3A_741 : i32 to index
        %get3A_743 = tpu.vector_load %arg4[%get3A_742] {strides = array<i32>} : memref<32768xf32, #tpu.memory_space<vmem>>, vector<16xf32>,
        %max3A_744 = arith.maximumf %scan3A_707, %get3A_743 : vector<16xf32>
        %add3A_745 = arith.constant 112 : i32
        %add3A_746 = arith.addi %mul3A_710, %add3A_745 : i32
        %get3A_747 = arith.index_cast %add3A_746 : i32 to index
        %get3A_748 = tpu.vector_load %arg4[%get3A_747] {strides = array<i32>} : memref<32768xf32, #tpu.memory_space<vmem>>, vector<16xf32>,
        %max3A_749 = arith.maximumf %scan3A_708, %get3A_748 : vector<16xf32>
        %scan3A_750 = arith.constant 1 : i32
        %scan3A_751 = arith.addi %scan3A_700, %scan3A_750 : i32
        %mul3A_752 = arith.constant 128 : i32
        %mul3A_753 = arith.muli %scan3A_751, %mul3A_752 : i32
        %add3A_754 = arith.constant 0 : i32
        %add3A_755 = arith.addi %mul3A_753, %add3A_754 : i32
        %get3A_756 = arith.index_cast %add3A_755 : i32 to index
        %get3A_757 = tpu.vector_load %arg4[%get3A_756] {strides = array<i32>} : memref<32768xf32, #tpu.memory_space<vmem>>, vector<16xf32>,
        %max3A_758 = arith.maximumf %max3A_714, %get3A_757 : vector<16xf32>
        %add3A_759 = arith.constant 16 : i32
        %add3A_760 = arith.addi %mul3A_753, %add3A_759 : i32
        %get3A_761 = arith.index_cast %add3A_760 : i32 to index
        %get3A_762 = tpu.vector_load %arg4[%get3A_761] {strides = array<i32>} : memref<32768xf32, #tpu.memory_space<vmem>>, vector<16xf32>,
        %max3A_763 = arith.maximumf %max3A_719, %get3A_762 : vector<16xf32>
        %add3A_764 = arith.constant 32 : i32
        %add3A_765 = arith.addi %mul3A_753, %add3A_764 : i32
        %get3A_766 = arith.index_cast %add3A_765 : i32 to index
        %get3A_767 = tpu.vector_load %arg4[%get3A_766] {strides = array<i32>} : memref<32768xf32, #tpu.memory_space<vmem>>, vector<16xf32>,
        %max3A_768 = arith.maximumf %max3A_724, %get3A_767 : vector<16xf32>
        %add3A_769 = arith.constant 48 : i32
        %add3A_770 = arith.addi %mul3A_753, %add3A_769 : i32
        %get3A_771 = arith.index_cast %add3A_770 : i32 to index
        %get3A_772 = tpu.vector_load %arg4[%get3A_771] {strides = array<i32>} : memref<32768xf32, #tpu.memory_space<vmem>>, vector<16xf32>,
        %max3A_773 = arith.maximumf %max3A_729, %get3A_772 : vector<16xf32>
        %add3A_774 = arith.constant 64 : i32
        %add3A_775 = arith.addi %mul3A_753, %add3A_774 : i32
        %get3A_776 = arith.index_cast %add3A_775 : i32 to index
        %get3A_777 = tpu.vector_load %arg4[%get3A_776] {strides = array<i32>} : memref<32768xf32, #tpu.memory_space<vmem>>, vector<16xf32>,
        %max3A_778 = arith.maximumf %max3A_734, %get3A_777 : vector<16xf32>
        %add3A_779 = arith.constant 80 : i32
        %add3A_780 = arith.addi %mul3A_753, %add3A_779 : i32
        %get3A_781 = arith.index_cast %add3A_780 : i32 to index
        %get3A_782 = tpu.vector_load %arg4[%get3A_781] {strides = array<i32>} : memref<32768xf32, #tpu.memory_space<vmem>>, vector<16xf32>,
        %max3A_783 = arith.maximumf %max3A_739, %get3A_782 : vector<16xf32>
        %add3A_784 = arith.constant 96 : i32
        %add3A_785 = arith.addi %mul3A_753, %add3A_784 : i32
        %get3A_786 = arith.index_cast %add3A_785 : i32 to index
        %get3A_787 = tpu.vector_load %arg4[%get3A_786] {strides = array<i32>} : memref<32768xf32, #tpu.memory_space<vmem>>, vector<16xf32>,
        %max3A_788 = arith.maximumf %max3A_744, %get3A_787 : vector<16xf32>
        %add3A_789 = arith.constant 112 : i32
        %add3A_790 = arith.addi %mul3A_753, %add3A_789 : i32
        %get3A_791 = arith.index_cast %add3A_790 : i32 to index
        %get3A_792 = tpu.vector_load %arg4[%get3A_791] {strides = array<i32>} : memref<32768xf32, #tpu.memory_space<vmem>>, vector<16xf32>,
        %max3A_793 = arith.maximumf %max3A_749, %get3A_792 : vector<16xf32>
        scf.yield %max3A_758, %max3A_763, %max3A_768, %max3A_773, %max3A_778, %max3A_783, %max3A_788, %max3A_793 : vector<16xf32>, vector<16xf32>, vector<16xf32>, vector<16xf32>, vector<16xf32>, vector<16xf32>, vector<16xf32>, vector<16xf32>
      }
      %scan3A_37 = arith.constant 256 : i32
      %masked_sort3A = arith.constant dense<true> : vector<16xi1>
      %masked_sort3A_38, %masked_sort3A_39, %masked_sort3A_40 = tpu.sort %scan3A_36#0, %scan3A_36#0 masked %masked_sort3A {descending = true} : (vector<16xf32>, vector<16xf32>, vector<16xi1>) -> (vector<16xi1>, vector<16xf32>, vector<16xf32>)
      %masked_sort3A_41 = arith.constant dense<true> : vector<16xi1>
      %masked_sort3A_42, %masked_sort3A_43, %masked_sort3A_44 = tpu.sort %scan3A_36#1, %scan3A_36#1 masked %masked_sort3A_41 {descending = true} : (vector<16xf32>, vector<16xf32>, vector<16xi1>) -> (vector<16xi1>, vector<16xf32>, vector<16xf32>)
      %masked_sort3A_45 = arith.constant dense<true> : vector<16xi1>
      %masked_sort3A_46, %masked_sort3A_47, %masked_sort3A_48 = tpu.sort %scan3A_36#2, %scan3A_36#2 masked %masked_sort3A_45 {descending = true} : (vector<16xf32>, vector<16xf32>, vector<16xi1>) -> (vector<16xi1>, vector<16xf32>, vector<16xf32>)
      %masked_sort3A_49 = arith.constant dense<true> : vector<16xi1>
      %masked_sort3A_50, %masked_sort3A_51, %masked_sort3A_52 = tpu.sort %scan3A_36#3, %scan3A_36#3 masked %masked_sort3A_49 {descending = true} : (vector<16xf32>, vector<16xf32>, vector<16xi1>) -> (vector<16xi1>, vector<16xf32>, vector<16xf32>)
      %masked_sort3A_53 = arith.constant dense<true> : vector<16xi1>
      %masked_sort3A_54, %masked_sort3A_55, %masked_sort3A_56 = tpu.sort %scan3A_36#4, %scan3A_36#4 masked %masked_sort3A_53 {descending = true} : (vector<16xf32>, vector<16xf32>, vector<16xi1>) -> (vector<16xi1>, vector<16xf32>, vector<16xf32>)
      %masked_sort3A_57 = arith.constant dense<true> : vector<16xi1>
      %masked_sort3A_58, %masked_sort3A_59, %masked_sort3A_60 = tpu.sort %scan3A_36#5, %scan3A_36#5 masked %masked_sort3A_57 {descending = true} : (vector<16xf32>, vector<16xf32>, vector<16xi1>) -> (vector<16xi1>, vector<16xf32>, vector<16xf32>)
      %masked_sort3A_61 = arith.constant dense<true> : vector<16xi1>
      %masked_sort3A_62, %masked_sort3A_63, %masked_sort3A_64 = tpu.sort %scan3A_36#6, %scan3A_36#6 masked %masked_sort3A_61 {descending = true} : (vector<16xf32>, vector<16xf32>, vector<16xi1>) -> (vector<16xi1>, vector<16xf32>, vector<16xf32>)
      %masked_sort3A_65 = arith.constant dense<true> : vector<16xi1>
      %masked_sort3A_66, %masked_sort3A_67, %masked_sort3A_68 = tpu.sort %scan3A_36#7, %scan3A_36#7 masked %masked_sort3A_65 {descending = true} : (vector<16xf32>, vector<16xf32>, vector<16xi1>) -> (vector<16xi1>, vector<16xf32>, vector<16xf32>)
      %rev3A = arith.constant 15 : i32
      %rev3A_69 = vector.broadcast %rev3A : i32 to vector<16xi32>
      %rev3A_70 = tpu.iota {dimensions = array<i32: 0>} : vector<16xi32>
      %rev3A_71 = arith.subi %rev3A_69, %rev3A_70 : vector<16xi32>
      %rev3A_72 = tpu.dynamic_gather %masked_sort3A_43[%rev3A_71] in [0] : vector<16xf32>, vector<16xi32> -> vector<16xf32>
      %max3A = arith.maximumf %masked_sort3A_39, %rev3A_72 : vector<16xf32>
      %masked_sort3A_73 = arith.constant dense<true> : vector<16xi1>
      %masked_sort3A_74, %masked_sort3A_75, %masked_sort3A_76 = tpu.sort %max3A, %max3A masked %masked_sort3A_73 {descending = true} : (vector<16xf32>, vector<16xf32>, vector<16xi1>) -> (vector<16xi1>, vector<16xf32>, vector<16xf32>)
      %min3A = arith.minimumf %masked_sort3A_39, %rev3A_72 : vector<16xf32>
      %masked_sort3A_77 = arith.constant dense<true> : vector<16xi1>
      %masked_sort3A_78, %masked_sort3A_79, %masked_sort3A_80 = tpu.sort %min3A, %min3A masked %masked_sort3A_77 {descending = true} : (vector<16xf32>, vector<16xf32>, vector<16xi1>) -> (vector<16xi1>, vector<16xf32>, vector<16xf32>)
      %rev3A_81 = arith.constant 15 : i32
      %rev3A_82 = vector.broadcast %rev3A_81 : i32 to vector<16xi32>
      %rev3A_83 = tpu.iota {dimensions = array<i32: 0>} : vector<16xi32>
      %rev3A_84 = arith.subi %rev3A_82, %rev3A_83 : vector<16xi32>
      %rev3A_85 = tpu.dynamic_gather %masked_sort3A_51[%rev3A_84] in [0] : vector<16xf32>, vector<16xi32> -> vector<16xf32>
      %max3A_86 = arith.maximumf %masked_sort3A_47, %rev3A_85 : vector<16xf32>
      %masked_sort3A_87 = arith.constant dense<true> : vector<16xi1>
      %masked_sort3A_88, %masked_sort3A_89, %masked_sort3A_90 = tpu.sort %max3A_86, %max3A_86 masked %masked_sort3A_87 {descending = true} : (vector<16xf32>, vector<16xf32>, vector<16xi1>) -> (vector<16xi1>, vector<16xf32>, vector<16xf32>)
      %min3A_91 = arith.minimumf %masked_sort3A_47, %rev3A_85 : vector<16xf32>
      %masked_sort3A_92 = arith.constant dense<true> : vector<16xi1>
      %masked_sort3A_93, %masked_sort3A_94, %masked_sort3A_95 = tpu.sort %min3A_91, %min3A_91 masked %masked_sort3A_92 {descending = true} : (vector<16xf32>, vector<16xf32>, vector<16xi1>) -> (vector<16xi1>, vector<16xf32>, vector<16xf32>)
      %rev3A_96 = arith.constant 15 : i32
      %rev3A_97 = vector.broadcast %rev3A_96 : i32 to vector<16xi32>
      %rev3A_98 = tpu.iota {dimensions = array<i32: 0>} : vector<16xi32>
      %rev3A_99 = arith.subi %rev3A_97, %rev3A_98 : vector<16xi32>
      %rev3A_100 = tpu.dynamic_gather %masked_sort3A_59[%rev3A_99] in [0] : vector<16xf32>, vector<16xi32> -> vector<16xf32>
      %max3A_101 = arith.maximumf %masked_sort3A_55, %rev3A_100 : vector<16xf32>
      %masked_sort3A_102 = arith.constant dense<true> : vector<16xi1>
      %masked_sort3A_103, %masked_sort3A_104, %masked_sort3A_105 = tpu.sort %max3A_101, %max3A_101 masked %masked_sort3A_102 {descending = true} : (vector<16xf32>, vector<16xf32>, vector<16xi1>) -> (vector<16xi1>, vector<16xf32>, vector<16xf32>)
      %min3A_106 = arith.minimumf %masked_sort3A_55, %rev3A_100 : vector<16xf32>
      %masked_sort3A_107 = arith.constant dense<true> : vector<16xi1>
      %masked_sort3A_108, %masked_sort3A_109, %masked_sort3A_110 = tpu.sort %min3A_106, %min3A_106 masked %masked_sort3A_107 {descending = true} : (vector<16xf32>, vector<16xf32>, vector<16xi1>) -> (vector<16xi1>, vector<16xf32>, vector<16xf32>)
      %rev3A_111 = arith.constant 15 : i32
      %rev3A_112 = vector.broadcast %rev3A_111 : i32 to vector<16xi32>
      %rev3A_113 = tpu.iota {dimensions = array<i32: 0>} : vector<16xi32>
      %rev3A_114 = arith.subi %rev3A_112, %rev3A_113 : vector<16xi32>
      %rev3A_115 = tpu.dynamic_gather %masked_sort3A_67[%rev3A_114] in [0] : vector<16xf32>, vector<16xi32> -> vector<16xf32>
      %max3A_116 = arith.maximumf %masked_sort3A_63, %rev3A_115 : vector<16xf32>
      %masked_sort3A_117 = arith.constant dense<true> : vector<16xi1>
      %masked_sort3A_118, %masked_sort3A_119, %masked_sort3A_120 = tpu.sort %max3A_116, %max3A_116 masked %masked_sort3A_117 {descending = true} : (vector<16xf32>, vector<16xf32>, vector<16xi1>) -> (vector<16xi1>, vector<16xf32>, vector<16xf32>)
      %min3A_121 = arith.minimumf %masked_sort3A_63, %rev3A_115 : vector<16xf32>
      %masked_sort3A_122 = arith.constant dense<true> : vector<16xi1>
      %masked_sort3A_123, %masked_sort3A_124, %masked_sort3A_125 = tpu.sort %min3A_121, %min3A_121 masked %masked_sort3A_122 {descending = true} : (vector<16xf32>, vector<16xf32>, vector<16xi1>) -> (vector<16xi1>, vector<16xf32>, vector<16xf32>)
      %rev3A_126 = arith.constant 15 : i32
      %rev3A_127 = vector.broadcast %rev3A_126 : i32 to vector<16xi32>
      %rev3A_128 = tpu.iota {dimensions = array<i32: 0>} : vector<16xi32>
      %rev3A_129 = arith.subi %rev3A_127, %rev3A_128 : vector<16xi32>
      %rev3A_130 = tpu.dynamic_gather %masked_sort3A_94[%rev3A_129] in [0] : vector<16xf32>, vector<16xi32> -> vector<16xf32>
      %rev3A_131 = arith.constant 15 : i32
      %rev3A_132 = vector.broadcast %rev3A_131 : i32 to vector<16xi32>
      %rev3A_133 = tpu.iota {dimensions = array<i32: 0>} : vector<16xi32>
      %rev3A_134 = arith.subi %rev3A_132, %rev3A_133 : vector<16xi32>
      %rev3A_135 = tpu.dynamic_gather %masked_sort3A_89[%rev3A_134] in [0] : vector<16xf32>, vector<16xi32> -> vector<16xf32>
      %max3A_136 = arith.maximumf %masked_sort3A_75, %rev3A_130 : vector<16xf32>
      %max3A_137 = arith.maximumf %masked_sort3A_79, %rev3A_135 : vector<16xf32>
      %min3A_138 = arith.minimumf %masked_sort3A_75, %rev3A_130 : vector<16xf32>
      %min3A_139 = arith.minimumf %masked_sort3A_79, %rev3A_135 : vector<16xf32>
      %max3A_140 = arith.maximumf %max3A_136, %max3A_137 : vector<16xf32>
      %masked_sort3A_141 = arith.constant dense<true> : vector<16xi1>
      %masked_sort3A_142, %masked_sort3A_143, %masked_sort3A_144 = tpu.sort %max3A_140, %max3A_140 masked %masked_sort3A_141 {descending = true} : (vector<16xf32>, vector<16xf32>, vector<16xi1>) -> (vector<16xi1>, vector<16xf32>, vector<16xf32>)
      %min3A_145 = arith.minimumf %max3A_136, %max3A_137 : vector<16xf32>
      %masked_sort3A_146 = arith.constant dense<true> : vector<16xi1>
      %masked_sort3A_147, %masked_sort3A_148, %masked_sort3A_149 = tpu.sort %min3A_145, %min3A_145 masked %masked_sort3A_146 {descending = true} : (vector<16xf32>, vector<16xf32>, vector<16xi1>) -> (vector<16xi1>, vector<16xf32>, vector<16xf32>)
      %max3A_150 = arith.maximumf %min3A_138, %min3A_139 : vector<16xf32>
      %masked_sort3A_151 = arith.constant dense<true> : vector<16xi1>
      %masked_sort3A_152, %masked_sort3A_153, %masked_sort3A_154 = tpu.sort %max3A_150, %max3A_150 masked %masked_sort3A_151 {descending = true} : (vector<16xf32>, vector<16xf32>, vector<16xi1>) -> (vector<16xi1>, vector<16xf32>, vector<16xf32>)
      %min3A_155 = arith.minimumf %min3A_138, %min3A_139 : vector<16xf32>
      %masked_sort3A_156 = arith.constant dense<true> : vector<16xi1>
      %masked_sort3A_157, %masked_sort3A_158, %masked_sort3A_159 = tpu.sort %min3A_155, %min3A_155 masked %masked_sort3A_156 {descending = true} : (vector<16xf32>, vector<16xf32>, vector<16xi1>) -> (vector<16xi1>, vector<16xf32>, vector<16xf32>)
      %rev3A_160 = arith.constant 15 : i32
      %rev3A_161 = vector.broadcast %rev3A_160 : i32 to vector<16xi32>
      %rev3A_162 = tpu.iota {dimensions = array<i32: 0>} : vector<16xi32>
      %rev3A_163 = arith.subi %rev3A_161, %rev3A_162 : vector<16xi32>
      %rev3A_164 = tpu.dynamic_gather %masked_sort3A_124[%rev3A_163] in [0] : vector<16xf32>, vector<16xi32> -> vector<16xf32>
      %rev3A_165 = arith.constant 15 : i32
      %rev3A_166 = vector.broadcast %rev3A_165 : i32 to vector<16xi32>
      %rev3A_167 = tpu.iota {dimensions = array<i32: 0>} : vector<16xi32>
      %rev3A_168 = arith.subi %rev3A_166, %rev3A_167 : vector<16xi32>
      %rev3A_169 = tpu.dynamic_gather %masked_sort3A_119[%rev3A_168] in [0] : vector<16xf32>, vector<16xi32> -> vector<16xf32>
      %max3A_170 = arith.maximumf %masked_sort3A_104, %rev3A_164 : vector<16xf32>
      %max3A_171 = arith.maximumf %masked_sort3A_109, %rev3A_169 : vector<16xf32>
      %min3A_172 = arith.minimumf %masked_sort3A_104, %rev3A_164 : vector<16xf32>
      %min3A_173 = arith.minimumf %masked_sort3A_109, %rev3A_169 : vector<16xf32>
      %max3A_174 = arith.maximumf %max3A_170, %max3A_171 : vector<16xf32>
      %masked_sort3A_175 = arith.constant dense<true> : vector<16xi1>
      %masked_sort3A_176, %masked_sort3A_177, %masked_sort3A_178 = tpu.sort %max3A_174, %max3A_174 masked %masked_sort3A_175 {descending = true} : (vector<16xf32>, vector<16xf32>, vector<16xi1>) -> (vector<16xi1>, vector<16xf32>, vector<16xf32>)
      %min3A_179 = arith.minimumf %max3A_170, %max3A_171 : vector<16xf32>
      %masked_sort3A_180 = arith.constant dense<true> : vector<16xi1>
      %masked_sort3A_181, %masked_sort3A_182, %masked_sort3A_183 = tpu.sort %min3A_179, %min3A_179 masked %masked_sort3A_180 {descending = true} : (vector<16xf32>, vector<16xf32>, vector<16xi1>) -> (vector<16xi1>, vector<16xf32>, vector<16xf32>)
      %max3A_184 = arith.maximumf %min3A_172, %min3A_173 : vector<16xf32>
      %masked_sort3A_185 = arith.constant dense<true> : vector<16xi1>
      %masked_sort3A_186, %masked_sort3A_187, %masked_sort3A_188 = tpu.sort %max3A_184, %max3A_184 masked %masked_sort3A_185 {descending = true} : (vector<16xf32>, vector<16xf32>, vector<16xi1>) -> (vector<16xi1>, vector<16xf32>, vector<16xf32>)
      %min3A_189 = arith.minimumf %min3A_172, %min3A_173 : vector<16xf32>
      %masked_sort3A_190 = arith.constant dense<true> : vector<16xi1>
      %masked_sort3A_191, %masked_sort3A_192, %masked_sort3A_193 = tpu.sort %min3A_189, %min3A_189 masked %masked_sort3A_190 {descending = true} : (vector<16xf32>, vector<16xf32>, vector<16xi1>) -> (vector<16xi1>, vector<16xf32>, vector<16xf32>)
      %rev3A_194 = arith.constant 15 : i32
      %rev3A_195 = vector.broadcast %rev3A_194 : i32 to vector<16xi32>
      %rev3A_196 = tpu.iota {dimensions = array<i32: 0>} : vector<16xi32>
      %rev3A_197 = arith.subi %rev3A_195, %rev3A_196 : vector<16xi32>
      %rev3A_198 = tpu.dynamic_gather %masked_sort3A_192[%rev3A_197] in [0] : vector<16xf32>, vector<16xi32> -> vector<16xf32>
      %max3A_199 = arith.maximumf %masked_sort3A_143, %rev3A_198 : vector<16xf32>
      %rev3A_200 = arith.constant 15 : i32
      %rev3A_201 = vector.broadcast %rev3A_200 : i32 to vector<16xi32>
      %rev3A_202 = tpu.iota {dimensions = array<i32: 0>} : vector<16xi32>
      %rev3A_203 = arith.subi %rev3A_201, %rev3A_202 : vector<16xi32>
      %rev3A_204 = tpu.dynamic_gather %masked_sort3A_187[%rev3A_203] in [0] : vector<16xf32>, vector<16xi32> -> vector<16xf32>
      %max3A_205 = arith.maximumf %masked_sort3A_148, %rev3A_204 : vector<16xf32>
      %rev3A_206 = arith.constant 15 : i32
      %rev3A_207 = vector.broadcast %rev3A_206 : i32 to vector<16xi32>
      %rev3A_208 = tpu.iota {dimensions = array<i32: 0>} : vector<16xi32>
      %rev3A_209 = arith.subi %rev3A_207, %rev3A_208 : vector<16xi32>
      %rev3A_210 = tpu.dynamic_gather %masked_sort3A_182[%rev3A_209] in [0] : vector<16xf32>, vector<16xi32> -> vector<16xf32>
      %max3A_211 = arith.maximumf %masked_sort3A_153, %rev3A_210 : vector<16xf32>
      %rev3A_212 = arith.constant 15 : i32
      %rev3A_213 = vector.broadcast %rev3A_212 : i32 to vector<16xi32>
      %rev3A_214 = tpu.iota {dimensions = array<i32: 0>} : vector<16xi32>
      %rev3A_215 = arith.subi %rev3A_213, %rev3A_214 : vector<16xi32>
      %rev3A_216 = tpu.dynamic_gather %masked_sort3A_177[%rev3A_215] in [0] : vector<16xf32>, vector<16xi32> -> vector<16xf32>
      %max3A_217 = arith.maximumf %masked_sort3A_158, %rev3A_216 : vector<16xf32>
      %min3A_218 = arith.minimumf %max3A_199, %max3A_205 : vector<16xf32>
      %min3A_219 = arith.minimumf %max3A_211, %max3A_217 : vector<16xf32>
      %min3A_220 = arith.minimumf %min3A_218, %min3A_219 : vector<16xf32>
      %reduce_min3A = arith.constant true
      %reduce_min3A_221 = vector.broadcast %reduce_min3A : i1 to vector<16xi1>
      %reduce_min3A_222 = tpu.scan <min>, %min3A_220 masked %reduce_min3A_221 : vector<16xf32>, vector<16xi1> -> vector<16xf32>
      %reduce_min3A_223 = vector.extract %reduce_min3A_222[15] : f32 from vector<16xf32>
      %scan3A_224 = arith.constant 0 : i32
      %scan3A_225 = arith.constant 64 : i32
      %scan3A_226 = arith.addi %scan3A_224, %scan3A_225 : i32
      %scan3A_227 = arith.constant 4 : i32
      scf.for %scan3A_700 = %scan3A_224 to %scan3A_226 step %scan3A_227  : i32 {
        %mul3A_701 = arith.constant 1 : i32
        %mul3A_702 = arith.muli %scan3A_700, %mul3A_701 : i32
        %add3A_703 = arith.constant 0 : i32
        %add3A_704 = arith.addi %add3A_703, %mul3A_702 : i32
        %mul3A_705 = arith.constant 16 : i32
        %mul3A_706 = arith.muli %add3A_704, %mul3A_705 : i32
        %swap3A_707 = arith.index_cast %mul3A_706 : i32 to index
        %swap3A_708 = tpu.vector_load %arg6[%swap3A_707] {strides = array<i32>} : memref<1024xf32, #tpu.memory_space<vmem>>, vector<16xf32>,
        tpu.vector_store %arg6[%swap3A_707], %broadcast_in_dim3A_31 {strides = array<i32>} : memref<1024xf32, #tpu.memory_space<vmem>>, vector<16xf32>,
        %scan3A_709 = arith.constant 1 : i32
        %scan3A_710 = arith.addi %scan3A_700, %scan3A_709 : i32
        %mul3A_711 = arith.constant 1 : i32
        %mul3A_712 = arith.muli %scan3A_710, %mul3A_711 : i32
        %add3A_713 = arith.constant 0 : i32
        %add3A_714 = arith.addi %add3A_713, %mul3A_712 : i32
        %mul3A_715 = arith.constant 16 : i32
        %mul3A_716 = arith.muli %add3A_714, %mul3A_715 : i32
        %swap3A_717 = arith.index_cast %mul3A_716 : i32 to index
        %swap3A_718 = tpu.vector_load %arg6[%swap3A_717] {strides = array<i32>} : memref<1024xf32, #tpu.memory_space<vmem>>, vector<16xf32>,
        tpu.vector_store %arg6[%swap3A_717], %broadcast_in_dim3A_31 {strides = array<i32>} : memref<1024xf32, #tpu.memory_space<vmem>>, vector<16xf32>,
        %scan3A_719 = arith.constant 2 : i32
        %scan3A_720 = arith.addi %scan3A_700, %scan3A_719 : i32
        %mul3A_721 = arith.constant 1 : i32
        %mul3A_722 = arith.muli %scan3A_720, %mul3A_721 : i32
        %add3A_723 = arith.constant 0 : i32
        %add3A_724 = arith.addi %add3A_723, %mul3A_722 : i32
        %mul3A_725 = arith.constant 16 : i32
        %mul3A_726 = arith.muli %add3A_724, %mul3A_725 : i32
        %swap3A_727 = arith.index_cast %mul3A_726 : i32 to index
        %swap3A_728 = tpu.vector_load %arg6[%swap3A_727] {strides = array<i32>} : memref<1024xf32, #tpu.memory_space<vmem>>, vector<16xf32>,
        tpu.vector_store %arg6[%swap3A_727], %broadcast_in_dim3A_31 {strides = array<i32>} : memref<1024xf32, #tpu.memory_space<vmem>>, vector<16xf32>,
        %scan3A_729 = arith.constant 3 : i32
        %scan3A_730 = arith.addi %scan3A_700, %scan3A_729 : i32
        %mul3A_731 = arith.constant 1 : i32
        %mul3A_732 = arith.muli %scan3A_730, %mul3A_731 : i32
        %add3A_733 = arith.constant 0 : i32
        %add3A_734 = arith.addi %add3A_733, %mul3A_732 : i32
        %mul3A_735 = arith.constant 16 : i32
        %mul3A_736 = arith.muli %add3A_734, %mul3A_735 : i32
        %swap3A_737 = arith.index_cast %mul3A_736 : i32 to index
        %swap3A_738 = tpu.vector_load %arg6[%swap3A_737] {strides = array<i32>} : memref<1024xf32, #tpu.memory_space<vmem>>, vector<16xf32>,
        tpu.vector_store %arg6[%swap3A_737], %broadcast_in_dim3A_31 {strides = array<i32>} : memref<1024xf32, #tpu.memory_space<vmem>>, vector<16xf32>,
      }
      %scan3A_228 = arith.constant 64 : i32
      %iota3A = tpu.iota {dimensions = array<i32: 0>} : vector<16xi32>
      %add3A_229 = arith.constant 512 : i32
      %add3A_230 = vector.broadcast %add3A_229 : i32 to vector<16xi32>
      %add3A_231 = arith.addi %iota3A, %add3A_230 : vector<16xi32>
      %add3A_232 = arith.constant 496 : i32
      %add3A_233 = vector.broadcast %add3A_232 : i32 to vector<16xi32>
      %add3A_234 = arith.addi %iota3A, %add3A_233 : vector<16xi32>
      %add3A_235 = arith.constant 496 : i32
      %add3A_236 = vector.broadcast %add3A_235 : i32 to vector<16xi32>
      %add3A_237 = arith.addi %add3A_231, %add3A_236 : vector<16xi32>
      %broadcast_in_dim3A_238 = arith.constant 16 : i32
      %broadcast_in_dim3A_239 = vector.broadcast %broadcast_in_dim3A_238 : i32 to vector<16xi32>
      %broadcast_in_dim3A_240 = arith.constant 0 : i32
      %broadcast_in_dim3A_241 = vector.broadcast %broadcast_in_dim3A_240 : i32 to vector<16xi32>
      %broadcast_in_dim3A_242 = arith.constant 0.000000e+00 : f32
      %broadcast_in_dim3A_243 = vector.broadcast %broadcast_in_dim3A_242 : f32 to vector<16xf32>
      %add3A_244 = vector.broadcast %reduce_min3A_223 : f32 to vector<16xf32>
      %add3A_245 = arith.addf %add3A_244, %broadcast_in_dim3A_243 : vector<16xf32>
      %scan3A_246 = arith.constant 0 : i32
      %scan3A_247 = arith.constant 1024 : i32
      %scan3A_248 = arith.addi %scan3A_246, %scan3A_247 : i32
      %scan3A_249 = arith.constant 8 : i32
      %scan3A_250:2 = scf.for %scan3A_700 = %scan3A_246 to %scan3A_248 step %scan3A_249 iter_args(%scan3A_701 = %iota3A, %scan3A_702 = %add3A_231) -> (vector<16xi32>, vector<16xi32>)  : i32 {
        %mul3A_703 = arith.constant 2 : i32
        %mul3A_704 = arith.muli %mul3A_703, %scan3A_700 : i32
        %mul3A_705 = arith.constant 16 : i32
        %mul3A_706 = arith.muli %mul3A_704, %mul3A_705 : i32
        %get3A = arith.index_cast %mul3A_706 : i32 to index
        %get3A_707 = tpu.vector_load %arg4[%get3A] {strides = array<i32>} : memref<32768xf32, #tpu.memory_space<vmem>>, vector<16xf32>,
        %mul3A_708 = arith.constant 2 : i32
        %mul3A_709 = arith.muli %mul3A_708, %scan3A_700 : i32
        %add3A_710 = arith.constant 1 : i32
        %add3A_711 = arith.addi %mul3A_709, %add3A_710 : i32
        %mul3A_712 = arith.constant 16 : i32
        %mul3A_713 = arith.muli %add3A_711, %mul3A_712 : i32
        %get3A_714 = arith.index_cast %mul3A_713 : i32 to index
        %get3A_715 = tpu.vector_load %arg4[%get3A_714] {strides = array<i32>} : memref<32768xf32, #tpu.memory_space<vmem>>, vector<16xf32>,
        %ge3A = arith.cmpf oge, %get3A_707, %add3A_245 : vector<16xf32>
        %ge3A_716 = arith.cmpf oge, %get3A_715, %add3A_245 : vector<16xf32>
        %min3A_717 = arith.minsi %scan3A_701, %add3A_234 : vector<16xi32>
        tpu.vector_store_idx %arg6[%min3A_717], %get3A_707 masked %ge3A : memref<1024xf32, #tpu.memory_space<vmem>>[vector<16xi32>], vector<16xf32>, vector<16xi1>
        %min3A_718 = arith.minsi %scan3A_702, %add3A_237 : vector<16xi32>
        tpu.vector_store_idx %arg6[%min3A_718], %get3A_715 masked %ge3A_716 : memref<1024xf32, #tpu.memory_space<vmem>>[vector<16xi32>], vector<16xf32>, vector<16xi1>
        %select_n3A_719 = arith.select %ge3A, %broadcast_in_dim3A_239, %broadcast_in_dim3A_241 : vector<16xi1>, vector<16xi32>
        %add3A_720 = arith.addi %scan3A_701, %select_n3A_719 : vector<16xi32>
        %select_n3A_721 = arith.select %ge3A_716, %broadcast_in_dim3A_239, %broadcast_in_dim3A_241 : vector<16xi1>, vector<16xi32>
        %add3A_722 = arith.addi %scan3A_702, %select_n3A_721 : vector<16xi32>
        %scan3A_723 = arith.constant 1 : i32
        %scan3A_724 = arith.addi %scan3A_700, %scan3A_723 : i32
        %mul3A_725 = arith.constant 2 : i32
        %mul3A_726 = arith.muli %mul3A_725, %scan3A_724 : i32
        %mul3A_727 = arith.constant 16 : i32
        %mul3A_728 = arith.muli %mul3A_726, %mul3A_727 : i32
        %get3A_729 = arith.index_cast %mul3A_728 : i32 to index
        %get3A_730 = tpu.vector_load %arg4[%get3A_729] {strides = array<i32>} : memref<32768xf32, #tpu.memory_space<vmem>>, vector<16xf32>,
        %mul3A_731 = arith.constant 2 : i32
        %mul3A_732 = arith.muli %mul3A_731, %scan3A_724 : i32
        %add3A_733 = arith.constant 1 : i32
        %add3A_734 = arith.addi %mul3A_732, %add3A_733 : i32
        %mul3A_735 = arith.constant 16 : i32
        %mul3A_736 = arith.muli %add3A_734, %mul3A_735 : i32
        %get3A_737 = arith.index_cast %mul3A_736 : i32 to index
        %get3A_738 = tpu.vector_load %arg4[%get3A_737] {strides = array<i32>} : memref<32768xf32, #tpu.memory_space<vmem>>, vector<16xf32>,
        %ge3A_739 = arith.cmpf oge, %get3A_730, %add3A_245 : vector<16xf32>
        %ge3A_740 = arith.cmpf oge, %get3A_738, %add3A_245 : vector<16xf32>
        %min3A_741 = arith.minsi %add3A_720, %add3A_234 : vector<16xi32>
        tpu.vector_store_idx %arg6[%min3A_741], %get3A_730 masked %ge3A_739 : memref<1024xf32, #tpu.memory_space<vmem>>[vector<16xi32>], vector<16xf32>, vector<16xi1>
        %min3A_742 = arith.minsi %add3A_722, %add3A_237 : vector<16xi32>
        tpu.vector_store_idx %arg6[%min3A_742], %get3A_738 masked %ge3A_740 : memref<1024xf32, #tpu.memory_space<vmem>>[vector<16xi32>], vector<16xf32>, vector<16xi1>
        %select_n3A_743 = arith.select %ge3A_739, %broadcast_in_dim3A_239, %broadcast_in_dim3A_241 : vector<16xi1>, vector<16xi32>
        %add3A_744 = arith.addi %add3A_720, %select_n3A_743 : vector<16xi32>
        %select_n3A_745 = arith.select %ge3A_740, %broadcast_in_dim3A_239, %broadcast_in_dim3A_241 : vector<16xi1>, vector<16xi32>
        %add3A_746 = arith.addi %add3A_722, %select_n3A_745 : vector<16xi32>
        %scan3A_747 = arith.constant 2 : i32
        %scan3A_748 = arith.addi %scan3A_700, %scan3A_747 : i32
        %mul3A_749 = arith.constant 2 : i32
        %mul3A_750 = arith.muli %mul3A_749, %scan3A_748 : i32
        %mul3A_751 = arith.constant 16 : i32
        %mul3A_752 = arith.muli %mul3A_750, %mul3A_751 : i32
        %get3A_753 = arith.index_cast %mul3A_752 : i32 to index
        %get3A_754 = tpu.vector_load %arg4[%get3A_753] {strides = array<i32>} : memref<32768xf32, #tpu.memory_space<vmem>>, vector<16xf32>,
        %mul3A_755 = arith.constant 2 : i32
        %mul3A_756 = arith.muli %mul3A_755, %scan3A_748 : i32
        %add3A_757 = arith.constant 1 : i32
        %add3A_758 = arith.addi %mul3A_756, %add3A_757 : i32
        %mul3A_759 = arith.constant 16 : i32
        %mul3A_760 = arith.muli %add3A_758, %mul3A_759 : i32
        %get3A_761 = arith.index_cast %mul3A_760 : i32 to index
        %get3A_762 = tpu.vector_load %arg4[%get3A_761] {strides = array<i32>} : memref<32768xf32, #tpu.memory_space<vmem>>, vector<16xf32>,
        %ge3A_763 = arith.cmpf oge, %get3A_754, %add3A_245 : vector<16xf32>
        %ge3A_764 = arith.cmpf oge, %get3A_762, %add3A_245 : vector<16xf32>
        %min3A_765 = arith.minsi %add3A_744, %add3A_234 : vector<16xi32>
        tpu.vector_store_idx %arg6[%min3A_765], %get3A_754 masked %ge3A_763 : memref<1024xf32, #tpu.memory_space<vmem>>[vector<16xi32>], vector<16xf32>, vector<16xi1>
        %min3A_766 = arith.minsi %add3A_746, %add3A_237 : vector<16xi32>
        tpu.vector_store_idx %arg6[%min3A_766], %get3A_762 masked %ge3A_764 : memref<1024xf32, #tpu.memory_space<vmem>>[vector<16xi32>], vector<16xf32>, vector<16xi1>
        %select_n3A_767 = arith.select %ge3A_763, %broadcast_in_dim3A_239, %broadcast_in_dim3A_241 : vector<16xi1>, vector<16xi32>
        %add3A_768 = arith.addi %add3A_744, %select_n3A_767 : vector<16xi32>
        %select_n3A_769 = arith.select %ge3A_764, %broadcast_in_dim3A_239, %broadcast_in_dim3A_241 : vector<16xi1>, vector<16xi32>
        %add3A_770 = arith.addi %add3A_746, %select_n3A_769 : vector<16xi32>
        %scan3A_771 = arith.constant 3 : i32
        %scan3A_772 = arith.addi %scan3A_700, %scan3A_771 : i32
        %mul3A_773 = arith.constant 2 : i32
        %mul3A_774 = arith.muli %mul3A_773, %scan3A_772 : i32
        %mul3A_775 = arith.constant 16 : i32
        %mul3A_776 = arith.muli %mul3A_774, %mul3A_775 : i32
        %get3A_777 = arith.index_cast %mul3A_776 : i32 to index
        %get3A_778 = tpu.vector_load %arg4[%get3A_777] {strides = array<i32>} : memref<32768xf32, #tpu.memory_space<vmem>>, vector<16xf32>,
        %mul3A_779 = arith.constant 2 : i32
        %mul3A_780 = arith.muli %mul3A_779, %scan3A_772 : i32
        %add3A_781 = arith.constant 1 : i32
        %add3A_782 = arith.addi %mul3A_780, %add3A_781 : i32
        %mul3A_783 = arith.constant 16 : i32
        %mul3A_784 = arith.muli %add3A_782, %mul3A_783 : i32
        %get3A_785 = arith.index_cast %mul3A_784 : i32 to index
        %get3A_786 = tpu.vector_load %arg4[%get3A_785] {strides = array<i32>} : memref<32768xf32, #tpu.memory_space<vmem>>, vector<16xf32>,
        %ge3A_787 = arith.cmpf oge, %get3A_778, %add3A_245 : vector<16xf32>
        %ge3A_788 = arith.cmpf oge, %get3A_786, %add3A_245 : vector<16xf32>
        %min3A_789 = arith.minsi %add3A_768, %add3A_234 : vector<16xi32>
        tpu.vector_store_idx %arg6[%min3A_789], %get3A_778 masked %ge3A_787 : memref<1024xf32, #tpu.memory_space<vmem>>[vector<16xi32>], vector<16xf32>, vector<16xi1>
        %min3A_790 = arith.minsi %add3A_770, %add3A_237 : vector<16xi32>
        tpu.vector_store_idx %arg6[%min3A_790], %get3A_786 masked %ge3A_788 : memref<1024xf32, #tpu.memory_space<vmem>>[vector<16xi32>], vector<16xf32>, vector<16xi1>
        %select_n3A_791 = arith.select %ge3A_787, %broadcast_in_dim3A_239, %broadcast_in_dim3A_241 : vector<16xi1>, vector<16xi32>
        %add3A_792 = arith.addi %add3A_768, %select_n3A_791 : vector<16xi32>
        %select_n3A_793 = arith.select %ge3A_788, %broadcast_in_dim3A_239, %broadcast_in_dim3A_241 : vector<16xi1>, vector<16xi32>
        %add3A_794 = arith.addi %add3A_770, %select_n3A_793 : vector<16xi32>
        %scan3A_795 = arith.constant 4 : i32
        %scan3A_796 = arith.addi %scan3A_700, %scan3A_795 : i32
        %mul3A_797 = arith.constant 2 : i32
        %mul3A_798 = arith.muli %mul3A_797, %scan3A_796 : i32
        %mul3A_799 = arith.constant 16 : i32
        %mul3A_800 = arith.muli %mul3A_798, %mul3A_799 : i32
        %get3A_801 = arith.index_cast %mul3A_800 : i32 to index
        %get3A_802 = tpu.vector_load %arg4[%get3A_801] {strides = array<i32>} : memref<32768xf32, #tpu.memory_space<vmem>>, vector<16xf32>,
        %mul3A_803 = arith.constant 2 : i32
        %mul3A_804 = arith.muli %mul3A_803, %scan3A_796 : i32
        %add3A_805 = arith.constant 1 : i32
        %add3A_806 = arith.addi %mul3A_804, %add3A_805 : i32
        %mul3A_807 = arith.constant 16 : i32
        %mul3A_808 = arith.muli %add3A_806, %mul3A_807 : i32
        %get3A_809 = arith.index_cast %mul3A_808 : i32 to index
        %get3A_810 = tpu.vector_load %arg4[%get3A_809] {strides = array<i32>} : memref<32768xf32, #tpu.memory_space<vmem>>, vector<16xf32>,
        %ge3A_811 = arith.cmpf oge, %get3A_802, %add3A_245 : vector<16xf32>
        %ge3A_812 = arith.cmpf oge, %get3A_810, %add3A_245 : vector<16xf32>
        %min3A_813 = arith.minsi %add3A_792, %add3A_234 : vector<16xi32>
        tpu.vector_store_idx %arg6[%min3A_813], %get3A_802 masked %ge3A_811 : memref<1024xf32, #tpu.memory_space<vmem>>[vector<16xi32>], vector<16xf32>, vector<16xi1>
        %min3A_814 = arith.minsi %add3A_794, %add3A_237 : vector<16xi32>
        tpu.vector_store_idx %arg6[%min3A_814], %get3A_810 masked %ge3A_812 : memref<1024xf32, #tpu.memory_space<vmem>>[vector<16xi32>], vector<16xf32>, vector<16xi1>
        %select_n3A_815 = arith.select %ge3A_811, %broadcast_in_dim3A_239, %broadcast_in_dim3A_241 : vector<16xi1>, vector<16xi32>
        %add3A_816 = arith.addi %add3A_792, %select_n3A_815 : vector<16xi32>
        %select_n3A_817 = arith.select %ge3A_812, %broadcast_in_dim3A_239, %broadcast_in_dim3A_241 : vector<16xi1>, vector<16xi32>
        %add3A_818 = arith.addi %add3A_794, %select_n3A_817 : vector<16xi32>
        %scan3A_819 = arith.constant 5 : i32
        %scan3A_820 = arith.addi %scan3A_700, %scan3A_819 : i32
        %mul3A_821 = arith.constant 2 : i32
        %mul3A_822 = arith.muli %mul3A_821, %scan3A_820 : i32
        %mul3A_823 = arith.constant 16 : i32
        %mul3A_824 = arith.muli %mul3A_822, %mul3A_823 : i32
        %get3A_825 = arith.index_cast %mul3A_824 : i32 to index
        %get3A_826 = tpu.vector_load %arg4[%get3A_825] {strides = array<i32>} : memref<32768xf32, #tpu.memory_space<vmem>>, vector<16xf32>,
        %mul3A_827 = arith.constant 2 : i32
        %mul3A_828 = arith.muli %mul3A_827, %scan3A_820 : i32
        %add3A_829 = arith.constant 1 : i32
        %add3A_830 = arith.addi %mul3A_828, %add3A_829 : i32
        %mul3A_831 = arith.constant 16 : i32
        %mul3A_832 = arith.muli %add3A_830, %mul3A_831 : i32
        %get3A_833 = arith.index_cast %mul3A_832 : i32 to index
        %get3A_834 = tpu.vector_load %arg4[%get3A_833] {strides = array<i32>} : memref<32768xf32, #tpu.memory_space<vmem>>, vector<16xf32>,
        %ge3A_835 = arith.cmpf oge, %get3A_826, %add3A_245 : vector<16xf32>
        %ge3A_836 = arith.cmpf oge, %get3A_834, %add3A_245 : vector<16xf32>
        %min3A_837 = arith.minsi %add3A_816, %add3A_234 : vector<16xi32>
        tpu.vector_store_idx %arg6[%min3A_837], %get3A_826 masked %ge3A_835 : memref<1024xf32, #tpu.memory_space<vmem>>[vector<16xi32>], vector<16xf32>, vector<16xi1>
        %min3A_838 = arith.minsi %add3A_818, %add3A_237 : vector<16xi32>
        tpu.vector_store_idx %arg6[%min3A_838], %get3A_834 masked %ge3A_836 : memref<1024xf32, #tpu.memory_space<vmem>>[vector<16xi32>], vector<16xf32>, vector<16xi1>
        %select_n3A_839 = arith.select %ge3A_835, %broadcast_in_dim3A_239, %broadcast_in_dim3A_241 : vector<16xi1>, vector<16xi32>
        %add3A_840 = arith.addi %add3A_816, %select_n3A_839 : vector<16xi32>
        %select_n3A_841 = arith.select %ge3A_836, %broadcast_in_dim3A_239, %broadcast_in_dim3A_241 : vector<16xi1>, vector<16xi32>
        %add3A_842 = arith.addi %add3A_818, %select_n3A_841 : vector<16xi32>
        %scan3A_843 = arith.constant 6 : i32
        %scan3A_844 = arith.addi %scan3A_700, %scan3A_843 : i32
        %mul3A_845 = arith.constant 2 : i32
        %mul3A_846 = arith.muli %mul3A_845, %scan3A_844 : i32
        %mul3A_847 = arith.constant 16 : i32
        %mul3A_848 = arith.muli %mul3A_846, %mul3A_847 : i32
        %get3A_849 = arith.index_cast %mul3A_848 : i32 to index
        %get3A_850 = tpu.vector_load %arg4[%get3A_849] {strides = array<i32>} : memref<32768xf32, #tpu.memory_space<vmem>>, vector<16xf32>,
        %mul3A_851 = arith.constant 2 : i32
        %mul3A_852 = arith.muli %mul3A_851, %scan3A_844 : i32
        %add3A_853 = arith.constant 1 : i32
        %add3A_854 = arith.addi %mul3A_852, %add3A_853 : i32
        %mul3A_855 = arith.constant 16 : i32
        %mul3A_856 = arith.muli %add3A_854, %mul3A_855 : i32
        %get3A_857 = arith.index_cast %mul3A_856 : i32 to index
        %get3A_858 = tpu.vector_load %arg4[%get3A_857] {strides = array<i32>} : memref<32768xf32, #tpu.memory_space<vmem>>, vector<16xf32>,
        %ge3A_859 = arith.cmpf oge, %get3A_850, %add3A_245 : vector<16xf32>
        %ge3A_860 = arith.cmpf oge, %get3A_858, %add3A_245 : vector<16xf32>
        %min3A_861 = arith.minsi %add3A_840, %add3A_234 : vector<16xi32>
        tpu.vector_store_idx %arg6[%min3A_861], %get3A_850 masked %ge3A_859 : memref<1024xf32, #tpu.memory_space<vmem>>[vector<16xi32>], vector<16xf32>, vector<16xi1>
        %min3A_862 = arith.minsi %add3A_842, %add3A_237 : vector<16xi32>
        tpu.vector_store_idx %arg6[%min3A_862], %get3A_858 masked %ge3A_860 : memref<1024xf32, #tpu.memory_space<vmem>>[vector<16xi32>], vector<16xf32>, vector<16xi1>
        %select_n3A_863 = arith.select %ge3A_859, %broadcast_in_dim3A_239, %broadcast_in_dim3A_241 : vector<16xi1>, vector<16xi32>
        %add3A_864 = arith.addi %add3A_840, %select_n3A_863 : vector<16xi32>
        %select_n3A_865 = arith.select %ge3A_860, %broadcast_in_dim3A_239, %broadcast_in_dim3A_241 : vector<16xi1>, vector<16xi32>
        %add3A_866 = arith.addi %add3A_842, %select_n3A_865 : vector<16xi32>
        %scan3A_867 = arith.constant 7 : i32
        %scan3A_868 = arith.addi %scan3A_700, %scan3A_867 : i32
        %mul3A_869 = arith.constant 2 : i32
        %mul3A_870 = arith.muli %mul3A_869, %scan3A_868 : i32
        %mul3A_871 = arith.constant 16 : i32
        %mul3A_872 = arith.muli %mul3A_870, %mul3A_871 : i32
        %get3A_873 = arith.index_cast %mul3A_872 : i32 to index
        %get3A_874 = tpu.vector_load %arg4[%get3A_873] {strides = array<i32>} : memref<32768xf32, #tpu.memory_space<vmem>>, vector<16xf32>,
        %mul3A_875 = arith.constant 2 : i32
        %mul3A_876 = arith.muli %mul3A_875, %scan3A_868 : i32
        %add3A_877 = arith.constant 1 : i32
        %add3A_878 = arith.addi %mul3A_876, %add3A_877 : i32
        %mul3A_879 = arith.constant 16 : i32
        %mul3A_880 = arith.muli %add3A_878, %mul3A_879 : i32
        %get3A_881 = arith.index_cast %mul3A_880 : i32 to index
        %get3A_882 = tpu.vector_load %arg4[%get3A_881] {strides = array<i32>} : memref<32768xf32, #tpu.memory_space<vmem>>, vector<16xf32>,
        %ge3A_883 = arith.cmpf oge, %get3A_874, %add3A_245 : vector<16xf32>
        %ge3A_884 = arith.cmpf oge, %get3A_882, %add3A_245 : vector<16xf32>
        %min3A_885 = arith.minsi %add3A_864, %add3A_234 : vector<16xi32>
        tpu.vector_store_idx %arg6[%min3A_885], %get3A_874 masked %ge3A_883 : memref<1024xf32, #tpu.memory_space<vmem>>[vector<16xi32>], vector<16xf32>, vector<16xi1>
        %min3A_886 = arith.minsi %add3A_866, %add3A_237 : vector<16xi32>
        tpu.vector_store_idx %arg6[%min3A_886], %get3A_882 masked %ge3A_884 : memref<1024xf32, #tpu.memory_space<vmem>>[vector<16xi32>], vector<16xf32>, vector<16xi1>
        %select_n3A_887 = arith.select %ge3A_883, %broadcast_in_dim3A_239, %broadcast_in_dim3A_241 : vector<16xi1>, vector<16xi32>
        %add3A_888 = arith.addi %add3A_864, %select_n3A_887 : vector<16xi32>
        %select_n3A_889 = arith.select %ge3A_884, %broadcast_in_dim3A_239, %broadcast_in_dim3A_241 : vector<16xi1>, vector<16xi32>
        %add3A_890 = arith.addi %add3A_866, %select_n3A_889 : vector<16xi32>
        scf.yield %add3A_888, %add3A_890 : vector<16xi32>, vector<16xi32>
      }
      %scan3A_251 = arith.constant 1024 : i32
      %sub3A = arith.subi %scan3A_250#0, %iota3A : vector<16xi32>
      %reduce_max3A = arith.constant true
      %reduce_max3A_252 = vector.broadcast %reduce_max3A : i1 to vector<16xi1>
      %reduce_max3A_253 = arith.constant -2147483648 : i32
      %reduce_max3A_254 = vector.broadcast %reduce_max3A_253 : i32 to vector<16xi32>
      %reduce_max3A_255 = arith.xori %sub3A, %reduce_max3A_254 : vector<16xi32>
      %reduce_max3A_256 = tpu.scan <max>, %reduce_max3A_255 masked %reduce_max3A_252 : vector<16xi32>, vector<16xi1> -> vector<16xi32>
      %reduce_max3A_257 = arith.xori %reduce_max3A_256, %reduce_max3A_254 : vector<16xi32>
      %reduce_max3A_258 = vector.extract %reduce_max3A_257[15] : i32 from vector<16xi32>
      %jit3A = arith.constant 16 : i32
      %div3A = arith.divsi %reduce_max3A_258, %jit3A : i32
      %sign3A = arith.constant 0 : i32
      %sign3A_259 = arith.cmpi sgt, %reduce_max3A_258, %sign3A : i32
      %sign3A_260 = arith.extui %sign3A_259 : i1 to i32
      %sign3A_261 = arith.constant 0 : i32
      %sign3A_262 = arith.cmpi slt, %reduce_max3A_258, %sign3A_261 : i32
      %sign3A_263 = arith.extui %sign3A_262 : i1 to i32
      %sign3A_264 = arith.subi %sign3A_260, %sign3A_263 : i32
      %sign3A_265 = arith.constant 0 : i32
      %sign3A_266 = arith.cmpi sgt, %jit3A, %sign3A_265 : i32
      %sign3A_267 = arith.extui %sign3A_266 : i1 to i32
      %sign3A_268 = arith.constant 0 : i32
      %sign3A_269 = arith.cmpi slt, %jit3A, %sign3A_268 : i32
      %sign3A_270 = arith.extui %sign3A_269 : i1 to i32
      %sign3A_271 = arith.subi %sign3A_267, %sign3A_270 : i32
      %ne3A = arith.cmpi ne, %sign3A_264, %sign3A_271 : i32
      %rem3A = arith.remsi %reduce_max3A_258, %jit3A : i32
      %ne3A_272 = arith.constant 0 : i32
      %ne3A_273 = arith.cmpi ne, %rem3A, %ne3A_272 : i32
      %and3A = arith.andi %ne3A, %ne3A_273 : i1
      %sub3A_274 = arith.constant 1 : i32
      %sub3A_275 = arith.subi %div3A, %sub3A_274 : i32
      %select_n3A = arith.select %and3A, %sub3A_275, %div3A : i32
      %min3A_276 = arith.constant 32 : i32
      %min3A_277 = arith.minsi %select_n3A, %min3A_276 : i32
      %sub3A_278 = arith.subi %scan3A_250#1, %add3A_231 : vector<16xi32>
      %reduce_max3A_279 = arith.constant true
      %reduce_max3A_280 = vector.broadcast %reduce_max3A_279 : i1 to vector<16xi1>
      %reduce_max3A_281 = arith.constant -2147483648 : i32
      %reduce_max3A_282 = vector.broadcast %reduce_max3A_281 : i32 to vector<16xi32>
      %reduce_max3A_283 = arith.xori %sub3A_278, %reduce_max3A_282 : vector<16xi32>
      %reduce_max3A_284 = tpu.scan <max>, %reduce_max3A_283 masked %reduce_max3A_280 : vector<16xi32>, vector<16xi1> -> vector<16xi32>
      %reduce_max3A_285 = arith.xori %reduce_max3A_284, %reduce_max3A_282 : vector<16xi32>
      %reduce_max3A_286 = vector.extract %reduce_max3A_285[15] : i32 from vector<16xi32>
      %jit3A_287 = arith.constant 16 : i32
      %div3A_288 = arith.divsi %reduce_max3A_286, %jit3A_287 : i32
      %sign3A_289 = arith.constant 0 : i32
      %sign3A_290 = arith.cmpi sgt, %reduce_max3A_286, %sign3A_289 : i32
      %sign3A_291 = arith.extui %sign3A_290 : i1 to i32
      %sign3A_292 = arith.constant 0 : i32
      %sign3A_293 = arith.cmpi slt, %reduce_max3A_286, %sign3A_292 : i32
      %sign3A_294 = arith.extui %sign3A_293 : i1 to i32
      %sign3A_295 = arith.subi %sign3A_291, %sign3A_294 : i32
      %sign3A_296 = arith.constant 0 : i32
      %sign3A_297 = arith.cmpi sgt, %jit3A_287, %sign3A_296 : i32
      %sign3A_298 = arith.extui %sign3A_297 : i1 to i32
      %sign3A_299 = arith.constant 0 : i32
      %sign3A_300 = arith.cmpi slt, %jit3A_287, %sign3A_299 : i32
      %sign3A_301 = arith.extui %sign3A_300 : i1 to i32
      %sign3A_302 = arith.subi %sign3A_298, %sign3A_301 : i32
      %ne3A_303 = arith.cmpi ne, %sign3A_295, %sign3A_302 : i32
      %rem3A_304 = arith.remsi %reduce_max3A_286, %jit3A_287 : i32
      %ne3A_305 = arith.constant 0 : i32
      %ne3A_306 = arith.cmpi ne, %rem3A_304, %ne3A_305 : i32
      %and3A_307 = arith.andi %ne3A_303, %ne3A_306 : i1
      %sub3A_308 = arith.constant 1 : i32
      %sub3A_309 = arith.subi %div3A_288, %sub3A_308 : i32
      %select_n3A_310 = arith.select %and3A_307, %sub3A_309, %div3A_288 : i32
      %min3A_311 = arith.constant 32 : i32
      %min3A_312 = arith.minsi %select_n3A_310, %min3A_311 : i32
      %while3A = arith.constant 0 : i32
      %while3A_313 = arith.constant 0xFF800000 : f32
      %while3A_314 = arith.subi %min3A_277, %while3A : i32
      %while3A_315 = arith.addi %while3A, %while3A_314 : i32
      %while3A_316 = arith.constant 1 : i32
      %while3A_317 = arith.divsi %while3A_314, %while3A_316 : i32
      %while3A_318 = arith.muli %while3A_317, %while3A_316 : i32
      %while3A_319 = arith.addi %while3A, %while3A_318 : i32
      %while3A_320 = arith.constant 1 : i32
      %while3A_321:5 = scf.for %while3A_700 = %while3A to %while3A_319 step %while3A_320 iter_args(%while3A_701 = %broadcast_in_dim3A_31, %while3A_702 = %broadcast_in_dim3A_31, %while3A_703 = %broadcast_in_dim3A_31, %while3A_704 = %broadcast_in_dim3A_31, %while3A_705 = %while3A_313) -> (vector<16xf32>, vector<16xf32>, vector<16xf32>, vector<16xf32>, f32)  : i32 {
        %add3A_706 = arith.constant 0 : i32
        %add3A_707 = arith.addi %add3A_706, %while3A_700 : i32
        %mul3A_708 = arith.constant 16 : i32
        %mul3A_709 = arith.muli %add3A_707, %mul3A_708 : i32
        %get3A = arith.index_cast %mul3A_709 : i32 to index
        %get3A_710 = tpu.vector_load %arg6[%get3A] {strides = array<i32>} : memref<1024xf32, #tpu.memory_space<vmem>>, vector<16xf32>,
        %reduce_max3A_711 = arith.constant true
        %reduce_max3A_712 = vector.broadcast %reduce_max3A_711 : i1 to vector<16xi1>
        %reduce_max3A_713 = tpu.scan <max>, %get3A_710 masked %reduce_max3A_712 : vector<16xf32>, vector<16xi1> -> vector<16xf32>
        %reduce_max3A_714 = vector.extract %reduce_max3A_713[15] : f32 from vector<16xf32>
        %ge3A = arith.cmpf oge, %reduce_max3A_714, %while3A_705 : f32
        %convert_element_type3A_715 = arith.extui %ge3A : i1 to i32
        %cond3A_716 = arith.constant 0 : i32
        %cond3A_717 = arith.cmpi ne, %convert_element_type3A_715, %cond3A_716 : i32
        %cond3A_718:5 = scf.if %cond3A_717 -> (vector<16xf32>, vector<16xf32>, vector<16xf32>, vector<16xf32>, f32) {
          %masked_sort3A_719 = arith.constant dense<true> : vector<16xi1>
          %masked_sort3A_720, %masked_sort3A_721, %masked_sort3A_722 = tpu.sort %get3A_710, %get3A_710 masked %masked_sort3A_719 {descending = true} : (vector<16xf32>, vector<16xf32>, vector<16xi1>) -> (vector<16xi1>, vector<16xf32>, vector<16xf32>)
          %rev3A_723 = arith.constant 15 : i32
          %rev3A_724 = vector.broadcast %rev3A_723 : i32 to vector<16xi32>
          %rev3A_725 = tpu.iota {dimensions = array<i32: 0>} : vector<16xi32>
          %rev3A_726 = arith.subi %rev3A_724, %rev3A_725 : vector<16xi32>
          %rev3A_727 = tpu.dynamic_gather %masked_sort3A_721[%rev3A_726] in [0] : vector<16xf32>, vector<16xi32> -> vector<16xf32>
          %max3A_728 = arith.maximumf %while3A_704, %rev3A_727 : vector<16xf32>
          %max3A_729 = arith.maximumf %while3A_701, %while3A_703 : vector<16xf32>
          %min3A_730 = arith.minimumf %while3A_701, %while3A_703 : vector<16xf32>
          %max3A_731 = arith.maximumf %while3A_702, %max3A_728 : vector<16xf32>
          %min3A_732 = arith.minimumf %while3A_702, %max3A_728 : vector<16xf32>
          %max3A_733 = arith.maximumf %max3A_729, %max3A_731 : vector<16xf32>
          %min3A_734 = arith.minimumf %max3A_729, %max3A_731 : vector<16xf32>
          %max3A_735 = arith.maximumf %min3A_730, %min3A_732 : vector<16xf32>
          %min3A_736 = arith.minimumf %min3A_730, %min3A_732 : vector<16xf32>
          %masked_sort3A_737 = arith.constant dense<true> : vector<16xi1>
          %masked_sort3A_738, %masked_sort3A_739, %masked_sort3A_740 = tpu.sort %max3A_733, %max3A_733 masked %masked_sort3A_737 {descending = true} : (vector<16xf32>, vector<16xf32>, vector<16xi1>) -> (vector<16xi1>, vector<16xf32>, vector<16xf32>)
          %masked_sort3A_741 = arith.constant dense<true> : vector<16xi1>
          %masked_sort3A_742, %masked_sort3A_743, %masked_sort3A_744 = tpu.sort %min3A_734, %min3A_734 masked %masked_sort3A_741 {descending = true} : (vector<16xf32>, vector<16xf32>, vector<16xi1>) -> (vector<16xi1>, vector<16xf32>, vector<16xf32>)
          %masked_sort3A_745 = arith.constant dense<true> : vector<16xi1>
          %masked_sort3A_746, %masked_sort3A_747, %masked_sort3A_748 = tpu.sort %max3A_735, %max3A_735 masked %masked_sort3A_745 {descending = true} : (vector<16xf32>, vector<16xf32>, vector<16xi1>) -> (vector<16xi1>, vector<16xf32>, vector<16xf32>)
          %masked_sort3A_749 = arith.constant dense<true> : vector<16xi1>
          %masked_sort3A_750, %masked_sort3A_751, %masked_sort3A_752 = tpu.sort %min3A_736, %min3A_736 masked %masked_sort3A_749 {descending = true} : (vector<16xf32>, vector<16xf32>, vector<16xi1>) -> (vector<16xi1>, vector<16xf32>, vector<16xf32>)
          %reduce_min3A_753 = arith.constant true
          %reduce_min3A_754 = vector.broadcast %reduce_min3A_753 : i1 to vector<16xi1>
          %reduce_min3A_755 = tpu.scan <min>, %masked_sort3A_751 masked %reduce_min3A_754 : vector<16xf32>, vector<16xi1> -> vector<16xf32>
          %reduce_min3A_756 = vector.extract %reduce_min3A_755[15] : f32 from vector<16xf32>
          scf.yield %masked_sort3A_739, %masked_sort3A_743, %masked_sort3A_747, %masked_sort3A_751, %reduce_min3A_756 : vector<16xf32>, vector<16xf32>, vector<16xf32>, vector<16xf32>, f32
        } else {
          scf.yield %while3A_701, %while3A_702, %while3A_703, %while3A_704, %while3A_705 : vector<16xf32>, vector<16xf32>, vector<16xf32>, vector<16xf32>, f32
        }
        scf.yield %cond3A_718#0, %cond3A_718#1, %cond3A_718#2, %cond3A_718#3, %cond3A_718#4 : vector<16xf32>, vector<16xf32>, vector<16xf32>, vector<16xf32>, f32
      }
      %while3A_322 = arith.constant 1 : i32
      %while3A_323:5 = scf.for %while3A_700 = %while3A_319 to %while3A_315 step %while3A_322 iter_args(%while3A_701 = %while3A_321#0, %while3A_702 = %while3A_321#1, %while3A_703 = %while3A_321#2, %while3A_704 = %while3A_321#3, %while3A_705 = %while3A_321#4) -> (vector<16xf32>, vector<16xf32>, vector<16xf32>, vector<16xf32>, f32)  : i32 {
        %add3A_706 = arith.constant 0 : i32
        %add3A_707 = arith.addi %add3A_706, %while3A_700 : i32
        %mul3A_708 = arith.constant 16 : i32
        %mul3A_709 = arith.muli %add3A_707, %mul3A_708 : i32
        %get3A = arith.index_cast %mul3A_709 : i32 to index
        %get3A_710 = tpu.vector_load %arg6[%get3A] {strides = array<i32>} : memref<1024xf32, #tpu.memory_space<vmem>>, vector<16xf32>,
        %reduce_max3A_711 = arith.constant true
        %reduce_max3A_712 = vector.broadcast %reduce_max3A_711 : i1 to vector<16xi1>
        %reduce_max3A_713 = tpu.scan <max>, %get3A_710 masked %reduce_max3A_712 : vector<16xf32>, vector<16xi1> -> vector<16xf32>
        %reduce_max3A_714 = vector.extract %reduce_max3A_713[15] : f32 from vector<16xf32>
        %ge3A = arith.cmpf oge, %reduce_max3A_714, %while3A_705 : f32
        %convert_element_type3A_715 = arith.extui %ge3A : i1 to i32
        %cond3A_716 = arith.constant 0 : i32
        %cond3A_717 = arith.cmpi ne, %convert_element_type3A_715, %cond3A_716 : i32
        %cond3A_718:5 = scf.if %cond3A_717 -> (vector<16xf32>, vector<16xf32>, vector<16xf32>, vector<16xf32>, f32) {
          %masked_sort3A_719 = arith.constant dense<true> : vector<16xi1>
          %masked_sort3A_720, %masked_sort3A_721, %masked_sort3A_722 = tpu.sort %get3A_710, %get3A_710 masked %masked_sort3A_719 {descending = true} : (vector<16xf32>, vector<16xf32>, vector<16xi1>) -> (vector<16xi1>, vector<16xf32>, vector<16xf32>)
          %rev3A_723 = arith.constant 15 : i32
          %rev3A_724 = vector.broadcast %rev3A_723 : i32 to vector<16xi32>
          %rev3A_725 = tpu.iota {dimensions = array<i32: 0>} : vector<16xi32>
          %rev3A_726 = arith.subi %rev3A_724, %rev3A_725 : vector<16xi32>
          %rev3A_727 = tpu.dynamic_gather %masked_sort3A_721[%rev3A_726] in [0] : vector<16xf32>, vector<16xi32> -> vector<16xf32>
          %max3A_728 = arith.maximumf %while3A_704, %rev3A_727 : vector<16xf32>
          %max3A_729 = arith.maximumf %while3A_701, %while3A_703 : vector<16xf32>
          %min3A_730 = arith.minimumf %while3A_701, %while3A_703 : vector<16xf32>
          %max3A_731 = arith.maximumf %while3A_702, %max3A_728 : vector<16xf32>
          %min3A_732 = arith.minimumf %while3A_702, %max3A_728 : vector<16xf32>
          %max3A_733 = arith.maximumf %max3A_729, %max3A_731 : vector<16xf32>
          %min3A_734 = arith.minimumf %max3A_729, %max3A_731 : vector<16xf32>
          %max3A_735 = arith.maximumf %min3A_730, %min3A_732 : vector<16xf32>
          %min3A_736 = arith.minimumf %min3A_730, %min3A_732 : vector<16xf32>
          %masked_sort3A_737 = arith.constant dense<true> : vector<16xi1>
          %masked_sort3A_738, %masked_sort3A_739, %masked_sort3A_740 = tpu.sort %max3A_733, %max3A_733 masked %masked_sort3A_737 {descending = true} : (vector<16xf32>, vector<16xf32>, vector<16xi1>) -> (vector<16xi1>, vector<16xf32>, vector<16xf32>)
          %masked_sort3A_741 = arith.constant dense<true> : vector<16xi1>
          %masked_sort3A_742, %masked_sort3A_743, %masked_sort3A_744 = tpu.sort %min3A_734, %min3A_734 masked %masked_sort3A_741 {descending = true} : (vector<16xf32>, vector<16xf32>, vector<16xi1>) -> (vector<16xi1>, vector<16xf32>, vector<16xf32>)
          %masked_sort3A_745 = arith.constant dense<true> : vector<16xi1>
          %masked_sort3A_746, %masked_sort3A_747, %masked_sort3A_748 = tpu.sort %max3A_735, %max3A_735 masked %masked_sort3A_745 {descending = true} : (vector<16xf32>, vector<16xf32>, vector<16xi1>) -> (vector<16xi1>, vector<16xf32>, vector<16xf32>)
          %masked_sort3A_749 = arith.constant dense<true> : vector<16xi1>
          %masked_sort3A_750, %masked_sort3A_751, %masked_sort3A_752 = tpu.sort %min3A_736, %min3A_736 masked %masked_sort3A_749 {descending = true} : (vector<16xf32>, vector<16xf32>, vector<16xi1>) -> (vector<16xi1>, vector<16xf32>, vector<16xf32>)
          %reduce_min3A_753 = arith.constant true
          %reduce_min3A_754 = vector.broadcast %reduce_min3A_753 : i1 to vector<16xi1>
          %reduce_min3A_755 = tpu.scan <min>, %masked_sort3A_751 masked %reduce_min3A_754 : vector<16xf32>, vector<16xi1> -> vector<16xf32>
          %reduce_min3A_756 = vector.extract %reduce_min3A_755[15] : f32 from vector<16xf32>
          scf.yield %masked_sort3A_739, %masked_sort3A_743, %masked_sort3A_747, %masked_sort3A_751, %reduce_min3A_756 : vector<16xf32>, vector<16xf32>, vector<16xf32>, vector<16xf32>, f32
        } else {
          scf.yield %while3A_701, %while3A_702, %while3A_703, %while3A_704, %while3A_705 : vector<16xf32>, vector<16xf32>, vector<16xf32>, vector<16xf32>, f32
        }
        scf.yield %cond3A_718#0, %cond3A_718#1, %cond3A_718#2, %cond3A_718#3, %cond3A_718#4 : vector<16xf32>, vector<16xf32>, vector<16xf32>, vector<16xf32>, f32
      }
      %while3A_324 = arith.constant 0 : i32
      %while3A_325 = arith.subi %min3A_312, %while3A_324 : i32
      %while3A_326 = arith.addi %while3A_324, %while3A_325 : i32
      %while3A_327 = arith.constant 1 : i32
      %while3A_328 = arith.divsi %while3A_325, %while3A_327 : i32
      %while3A_329 = arith.muli %while3A_328, %while3A_327 : i32
      %while3A_330 = arith.addi %while3A_324, %while3A_329 : i32
      %while3A_331 = arith.constant 1 : i32
      %while3A_332:5 = scf.for %while3A_700 = %while3A_324 to %while3A_330 step %while3A_331 iter_args(%while3A_701 = %while3A_323#0, %while3A_702 = %while3A_323#1, %while3A_703 = %while3A_323#2, %while3A_704 = %while3A_323#3, %while3A_705 = %while3A_323#4) -> (vector<16xf32>, vector<16xf32>, vector<16xf32>, vector<16xf32>, f32)  : i32 {
        %add3A_706 = arith.constant 32 : i32
        %add3A_707 = arith.addi %add3A_706, %while3A_700 : i32
        %mul3A_708 = arith.constant 16 : i32
        %mul3A_709 = arith.muli %add3A_707, %mul3A_708 : i32
        %get3A = arith.index_cast %mul3A_709 : i32 to index
        %get3A_710 = tpu.vector_load %arg6[%get3A] {strides = array<i32>} : memref<1024xf32, #tpu.memory_space<vmem>>, vector<16xf32>,
        %reduce_max3A_711 = arith.constant true
        %reduce_max3A_712 = vector.broadcast %reduce_max3A_711 : i1 to vector<16xi1>
        %reduce_max3A_713 = tpu.scan <max>, %get3A_710 masked %reduce_max3A_712 : vector<16xf32>, vector<16xi1> -> vector<16xf32>
        %reduce_max3A_714 = vector.extract %reduce_max3A_713[15] : f32 from vector<16xf32>
        %ge3A = arith.cmpf oge, %reduce_max3A_714, %while3A_705 : f32
        %convert_element_type3A_715 = arith.extui %ge3A : i1 to i32
        %cond3A_716 = arith.constant 0 : i32
        %cond3A_717 = arith.cmpi ne, %convert_element_type3A_715, %cond3A_716 : i32
        %cond3A_718:5 = scf.if %cond3A_717 -> (vector<16xf32>, vector<16xf32>, vector<16xf32>, vector<16xf32>, f32) {
          %masked_sort3A_719 = arith.constant dense<true> : vector<16xi1>
          %masked_sort3A_720, %masked_sort3A_721, %masked_sort3A_722 = tpu.sort %get3A_710, %get3A_710 masked %masked_sort3A_719 {descending = true} : (vector<16xf32>, vector<16xf32>, vector<16xi1>) -> (vector<16xi1>, vector<16xf32>, vector<16xf32>)
          %rev3A_723 = arith.constant 15 : i32
          %rev3A_724 = vector.broadcast %rev3A_723 : i32 to vector<16xi32>
          %rev3A_725 = tpu.iota {dimensions = array<i32: 0>} : vector<16xi32>
          %rev3A_726 = arith.subi %rev3A_724, %rev3A_725 : vector<16xi32>
          %rev3A_727 = tpu.dynamic_gather %masked_sort3A_721[%rev3A_726] in [0] : vector<16xf32>, vector<16xi32> -> vector<16xf32>
          %max3A_728 = arith.maximumf %while3A_704, %rev3A_727 : vector<16xf32>
          %max3A_729 = arith.maximumf %while3A_701, %while3A_703 : vector<16xf32>
          %min3A_730 = arith.minimumf %while3A_701, %while3A_703 : vector<16xf32>
          %max3A_731 = arith.maximumf %while3A_702, %max3A_728 : vector<16xf32>
          %min3A_732 = arith.minimumf %while3A_702, %max3A_728 : vector<16xf32>
          %max3A_733 = arith.maximumf %max3A_729, %max3A_731 : vector<16xf32>
          %min3A_734 = arith.minimumf %max3A_729, %max3A_731 : vector<16xf32>
          %max3A_735 = arith.maximumf %min3A_730, %min3A_732 : vector<16xf32>
          %min3A_736 = arith.minimumf %min3A_730, %min3A_732 : vector<16xf32>
          %masked_sort3A_737 = arith.constant dense<true> : vector<16xi1>
          %masked_sort3A_738, %masked_sort3A_739, %masked_sort3A_740 = tpu.sort %max3A_733, %max3A_733 masked %masked_sort3A_737 {descending = true} : (vector<16xf32>, vector<16xf32>, vector<16xi1>) -> (vector<16xi1>, vector<16xf32>, vector<16xf32>)
          %masked_sort3A_741 = arith.constant dense<true> : vector<16xi1>
          %masked_sort3A_742, %masked_sort3A_743, %masked_sort3A_744 = tpu.sort %min3A_734, %min3A_734 masked %masked_sort3A_741 {descending = true} : (vector<16xf32>, vector<16xf32>, vector<16xi1>) -> (vector<16xi1>, vector<16xf32>, vector<16xf32>)
          %masked_sort3A_745 = arith.constant dense<true> : vector<16xi1>
          %masked_sort3A_746, %masked_sort3A_747, %masked_sort3A_748 = tpu.sort %max3A_735, %max3A_735 masked %masked_sort3A_745 {descending = true} : (vector<16xf32>, vector<16xf32>, vector<16xi1>) -> (vector<16xi1>, vector<16xf32>, vector<16xf32>)
          %masked_sort3A_749 = arith.constant dense<true> : vector<16xi1>
          %masked_sort3A_750, %masked_sort3A_751, %masked_sort3A_752 = tpu.sort %min3A_736, %min3A_736 masked %masked_sort3A_749 {descending = true} : (vector<16xf32>, vector<16xf32>, vector<16xi1>) -> (vector<16xi1>, vector<16xf32>, vector<16xf32>)
          %reduce_min3A_753 = arith.constant true
          %reduce_min3A_754 = vector.broadcast %reduce_min3A_753 : i1 to vector<16xi1>
          %reduce_min3A_755 = tpu.scan <min>, %masked_sort3A_751 masked %reduce_min3A_754 : vector<16xf32>, vector<16xi1> -> vector<16xf32>
          %reduce_min3A_756 = vector.extract %reduce_min3A_755[15] : f32 from vector<16xf32>
          scf.yield %masked_sort3A_739, %masked_sort3A_743, %masked_sort3A_747, %masked_sort3A_751, %reduce_min3A_756 : vector<16xf32>, vector<16xf32>, vector<16xf32>, vector<16xf32>, f32
        } else {
          scf.yield %while3A_701, %while3A_702, %while3A_703, %while3A_704, %while3A_705 : vector<16xf32>, vector<16xf32>, vector<16xf32>, vector<16xf32>, f32
        }
        scf.yield %cond3A_718#0, %cond3A_718#1, %cond3A_718#2, %cond3A_718#3, %cond3A_718#4 : vector<16xf32>, vector<16xf32>, vector<16xf32>, vector<16xf32>, f32
      }
      %while3A_333 = arith.constant 1 : i32
      %while3A_334:5 = scf.for %while3A_700 = %while3A_330 to %while3A_326 step %while3A_333 iter_args(%while3A_701 = %while3A_332#0, %while3A_702 = %while3A_332#1, %while3A_703 = %while3A_332#2, %while3A_704 = %while3A_332#3, %while3A_705 = %while3A_332#4) -> (vector<16xf32>, vector<16xf32>, vector<16xf32>, vector<16xf32>, f32)  : i32 {
        %add3A_706 = arith.constant 32 : i32
        %add3A_707 = arith.addi %add3A_706, %while3A_700 : i32
        %mul3A_708 = arith.constant 16 : i32
        %mul3A_709 = arith.muli %add3A_707, %mul3A_708 : i32
        %get3A = arith.index_cast %mul3A_709 : i32 to index
        %get3A_710 = tpu.vector_load %arg6[%get3A] {strides = array<i32>} : memref<1024xf32, #tpu.memory_space<vmem>>, vector<16xf32>,
        %reduce_max3A_711 = arith.constant true
        %reduce_max3A_712 = vector.broadcast %reduce_max3A_711 : i1 to vector<16xi1>
        %reduce_max3A_713 = tpu.scan <max>, %get3A_710 masked %reduce_max3A_712 : vector<16xf32>, vector<16xi1> -> vector<16xf32>
        %reduce_max3A_714 = vector.extract %reduce_max3A_713[15] : f32 from vector<16xf32>
        %ge3A = arith.cmpf oge, %reduce_max3A_714, %while3A_705 : f32
        %convert_element_type3A_715 = arith.extui %ge3A : i1 to i32
        %cond3A_716 = arith.constant 0 : i32
        %cond3A_717 = arith.cmpi ne, %convert_element_type3A_715, %cond3A_716 : i32
        %cond3A_718:5 = scf.if %cond3A_717 -> (vector<16xf32>, vector<16xf32>, vector<16xf32>, vector<16xf32>, f32) {
          %masked_sort3A_719 = arith.constant dense<true> : vector<16xi1>
          %masked_sort3A_720, %masked_sort3A_721, %masked_sort3A_722 = tpu.sort %get3A_710, %get3A_710 masked %masked_sort3A_719 {descending = true} : (vector<16xf32>, vector<16xf32>, vector<16xi1>) -> (vector<16xi1>, vector<16xf32>, vector<16xf32>)
          %rev3A_723 = arith.constant 15 : i32
          %rev3A_724 = vector.broadcast %rev3A_723 : i32 to vector<16xi32>
          %rev3A_725 = tpu.iota {dimensions = array<i32: 0>} : vector<16xi32>
          %rev3A_726 = arith.subi %rev3A_724, %rev3A_725 : vector<16xi32>
          %rev3A_727 = tpu.dynamic_gather %masked_sort3A_721[%rev3A_726] in [0] : vector<16xf32>, vector<16xi32> -> vector<16xf32>
          %max3A_728 = arith.maximumf %while3A_704, %rev3A_727 : vector<16xf32>
          %max3A_729 = arith.maximumf %while3A_701, %while3A_703 : vector<16xf32>
          %min3A_730 = arith.minimumf %while3A_701, %while3A_703 : vector<16xf32>
          %max3A_731 = arith.maximumf %while3A_702, %max3A_728 : vector<16xf32>
          %min3A_732 = arith.minimumf %while3A_702, %max3A_728 : vector<16xf32>
          %max3A_733 = arith.maximumf %max3A_729, %max3A_731 : vector<16xf32>
          %min3A_734 = arith.minimumf %max3A_729, %max3A_731 : vector<16xf32>
          %max3A_735 = arith.maximumf %min3A_730, %min3A_732 : vector<16xf32>
          %min3A_736 = arith.minimumf %min3A_730, %min3A_732 : vector<16xf32>
          %masked_sort3A_737 = arith.constant dense<true> : vector<16xi1>
          %masked_sort3A_738, %masked_sort3A_739, %masked_sort3A_740 = tpu.sort %max3A_733, %max3A_733 masked %masked_sort3A_737 {descending = true} : (vector<16xf32>, vector<16xf32>, vector<16xi1>) -> (vector<16xi1>, vector<16xf32>, vector<16xf32>)
          %masked_sort3A_741 = arith.constant dense<true> : vector<16xi1>
          %masked_sort3A_742, %masked_sort3A_743, %masked_sort3A_744 = tpu.sort %min3A_734, %min3A_734 masked %masked_sort3A_741 {descending = true} : (vector<16xf32>, vector<16xf32>, vector<16xi1>) -> (vector<16xi1>, vector<16xf32>, vector<16xf32>)
          %masked_sort3A_745 = arith.constant dense<true> : vector<16xi1>
          %masked_sort3A_746, %masked_sort3A_747, %masked_sort3A_748 = tpu.sort %max3A_735, %max3A_735 masked %masked_sort3A_745 {descending = true} : (vector<16xf32>, vector<16xf32>, vector<16xi1>) -> (vector<16xi1>, vector<16xf32>, vector<16xf32>)
          %masked_sort3A_749 = arith.constant dense<true> : vector<16xi1>
          %masked_sort3A_750, %masked_sort3A_751, %masked_sort3A_752 = tpu.sort %min3A_736, %min3A_736 masked %masked_sort3A_749 {descending = true} : (vector<16xf32>, vector<16xf32>, vector<16xi1>) -> (vector<16xi1>, vector<16xf32>, vector<16xf32>)
          %reduce_min3A_753 = arith.constant true
          %reduce_min3A_754 = vector.broadcast %reduce_min3A_753 : i1 to vector<16xi1>
          %reduce_min3A_755 = tpu.scan <min>, %masked_sort3A_751 masked %reduce_min3A_754 : vector<16xf32>, vector<16xi1> -> vector<16xf32>
          %reduce_min3A_756 = vector.extract %reduce_min3A_755[15] : f32 from vector<16xf32>
          scf.yield %masked_sort3A_739, %masked_sort3A_743, %masked_sort3A_747, %masked_sort3A_751, %reduce_min3A_756 : vector<16xf32>, vector<16xf32>, vector<16xf32>, vector<16xf32>, f32
        } else {
          scf.yield %while3A_701, %while3A_702, %while3A_703, %while3A_704, %while3A_705 : vector<16xf32>, vector<16xf32>, vector<16xf32>, vector<16xf32>, f32
        }
        scf.yield %cond3A_718#0, %cond3A_718#1, %cond3A_718#2, %cond3A_718#3, %cond3A_718#4 : vector<16xf32>, vector<16xf32>, vector<16xf32>, vector<16xf32>, f32
      }
      %swap3A = arith.index_cast %add3A_24 : i32 to index
      %swap3A_335 = arith.constant 0 : index
      %swap3A_336 = tpu.vector_load %arg7[%swap3A, %swap3A_335] {strides = array<i32>} : memref<64x64xf32, #tpu.memory_space<vmem>>, vector<16xf32>,
      tpu.vector_store %arg7[%swap3A, %swap3A_335], %while3A_334#0 {strides = array<i32>} : memref<64x64xf32, #tpu.memory_space<vmem>>, vector<16xf32>,
      %swap3A_337 = arith.index_cast %add3A_24 : i32 to index
      %swap3A_338 = arith.constant 16 : index
      %swap3A_339 = tpu.vector_load %arg7[%swap3A_337, %swap3A_338] {strides = array<i32>} : memref<64x64xf32, #tpu.memory_space<vmem>>, vector<16xf32>,
      tpu.vector_store %arg7[%swap3A_337, %swap3A_338], %while3A_334#1 {strides = array<i32>} : memref<64x64xf32, #tpu.memory_space<vmem>>, vector<16xf32>,
      %swap3A_340 = arith.index_cast %add3A_24 : i32 to index
      %swap3A_341 = arith.constant 32 : index
      %swap3A_342 = tpu.vector_load %arg7[%swap3A_340, %swap3A_341] {strides = array<i32>} : memref<64x64xf32, #tpu.memory_space<vmem>>, vector<16xf32>,
      tpu.vector_store %arg7[%swap3A_340, %swap3A_341], %while3A_334#2 {strides = array<i32>} : memref<64x64xf32, #tpu.memory_space<vmem>>, vector<16xf32>,
      %swap3A_343 = arith.index_cast %add3A_24 : i32 to index
      %swap3A_344 = arith.constant 48 : index
      %swap3A_345 = tpu.vector_load %arg7[%swap3A_343, %swap3A_344] {strides = array<i32>} : memref<64x64xf32, #tpu.memory_space<vmem>>, vector<16xf32>,
      tpu.vector_store %arg7[%swap3A_343, %swap3A_344], %while3A_334#3 {strides = array<i32>} : memref<64x64xf32, #tpu.memory_space<vmem>>, vector<16xf32>,
      %add3A_346 = arith.constant 2 : i32
      %add3A_347 = arith.addi %add3A_24, %add3A_346 : i32
      %lt3A = arith.constant 64 : i32
      %lt3A_348 = arith.cmpi slt, %add3A_347, %lt3A : i32
      %convert_element_type3A = arith.extui %lt3A_348 : i1 to i32
      %cond3A = arith.constant 0 : i32
      %cond3A_349 = arith.cmpi ne, %convert_element_type3A, %cond3A : i32
      scf.if %cond3A_349 {
        %add3A_700 = arith.constant 2 : i32
        %add3A_701 = arith.addi %add3A_25, %add3A_700 : i32
        %dma_start3A_702 = arith.constant 0 : i32
        %dma_start3A_703 = tpu.memref_slice %arg2[%add3A_701, %dma_start3A_702] : memref<2048x32768xf32, #tpu.memory_space<hbm>> -> memref<1x32768xf32, #tpu.memory_space<hbm>>
        %dma_start3A_704 = tpu.memref_squeeze %dma_start3A_703 : memref<1x32768xf32, #tpu.memory_space<hbm>> -> memref<32768xf32, #tpu.memory_space<hbm>>
        %dma_start3A_705 = arith.constant 0 : i32
        %dma_start3A_706 = tpu.memref_slice %arg2[%add3A_701, %dma_start3A_705] : memref<2048x32768xf32, #tpu.memory_space<hbm>> -> memref<1x32768xf32, #tpu.memory_space<hbm>>
        %dma_start3A_707 = tpu.memref_squeeze %dma_start3A_706 : memref<1x32768xf32, #tpu.memory_space<hbm>> -> memref<32768xf32, #tpu.memory_space<hbm>>
        tpu.enqueue_dma source(%dma_start3A_707 : memref<32768xf32, #tpu.memory_space<hbm>>) target(%arg4 : memref<32768xf32, #tpu.memory_space<vmem>>) target_semaphore(%arg8 : memref<!tpu.dma_semaphore, #tpu.memory_space<semaphore_mem>>)
      } else {
      }
      %add3A_350 = arith.constant 1 : i32
      %add3A_351 = arith.addi %add3A_25, %add3A_350 : i32
      %dma_wait3A_352 = arith.constant 0 : i32
      %dma_wait3A_353 = tpu.memref_slice %arg2[%add3A_351, %dma_wait3A_352] : memref<2048x32768xf32, #tpu.memory_space<hbm>> -> memref<1x32768xf32, #tpu.memory_space<hbm>>
      %dma_wait3A_354 = tpu.memref_squeeze %dma_wait3A_353 : memref<1x32768xf32, #tpu.memory_space<hbm>> -> memref<32768xf32, #tpu.memory_space<hbm>>
      %dma_wait3A_355 = arith.constant 0 : i32
      %dma_wait3A_356 = tpu.memref_slice %arg2[%add3A_351, %dma_wait3A_355] : memref<2048x32768xf32, #tpu.memory_space<hbm>> -> memref<1x32768xf32, #tpu.memory_space<hbm>>
      %dma_wait3A_357 = tpu.memref_squeeze %dma_wait3A_356 : memref<1x32768xf32, #tpu.memory_space<hbm>> -> memref<32768xf32, #tpu.memory_space<hbm>>
      tpu.wait_dma2 semaphore(%arg9 : memref<!tpu.dma_semaphore, #tpu.memory_space<semaphore_mem>>) src(%dma_wait3A_357 : memref<32768xf32, #tpu.memory_space<hbm>>) dst(%arg5 : memref<32768xf32, #tpu.memory_space<vmem>>)
      %add3A_358 = arith.constant 1 : i32
      %add3A_359 = arith.addi %add3A_24, %add3A_358 : i32
      %broadcast_in_dim3A_360 = arith.constant 0xFF800000 : f32
      %broadcast_in_dim3A_361 = vector.broadcast %broadcast_in_dim3A_360 : f32 to vector<16xf32>
      %scan3A_362 = arith.constant 0 : i32
      %scan3A_363 = arith.constant 256 : i32
      %scan3A_364 = arith.addi %scan3A_362, %scan3A_363 : i32
      %scan3A_365 = arith.constant 2 : i32
      %scan3A_366:8 = scf.for %scan3A_700 = %scan3A_362 to %scan3A_364 step %scan3A_365 iter_args(%scan3A_701 = %broadcast_in_dim3A_361, %scan3A_702 = %broadcast_in_dim3A_361, %scan3A_703 = %broadcast_in_dim3A_361, %scan3A_704 = %broadcast_in_dim3A_361, %scan3A_705 = %broadcast_in_dim3A_361, %scan3A_706 = %broadcast_in_dim3A_361, %scan3A_707 = %broadcast_in_dim3A_361, %scan3A_708 = %broadcast_in_dim3A_361) -> (vector<16xf32>, vector<16xf32>, vector<16xf32>, vector<16xf32>, vector<16xf32>, vector<16xf32>, vector<16xf32>, vector<16xf32>)  : i32 {
        %mul3A_709 = arith.constant 128 : i32
        %mul3A_710 = arith.muli %scan3A_700, %mul3A_709 : i32
        %add3A_711 = arith.constant 0 : i32
        %add3A_712 = arith.addi %mul3A_710, %add3A_711 : i32
        %get3A = arith.index_cast %add3A_712 : i32 to index
        %get3A_713 = tpu.vector_load %arg5[%get3A] {strides = array<i32>} : memref<32768xf32, #tpu.memory_space<vmem>>, vector<16xf32>,
        %max3A_714 = arith.maximumf %scan3A_701, %get3A_713 : vector<16xf32>
        %add3A_715 = arith.constant 16 : i32
        %add3A_716 = arith.addi %mul3A_710, %add3A_715 : i32
        %get3A_717 = arith.index_cast %add3A_716 : i32 to index
        %get3A_718 = tpu.vector_load %arg5[%get3A_717] {strides = array<i32>} : memref<32768xf32, #tpu.memory_space<vmem>>, vector<16xf32>,
        %max3A_719 = arith.maximumf %scan3A_702, %get3A_718 : vector<16xf32>
        %add3A_720 = arith.constant 32 : i32
        %add3A_721 = arith.addi %mul3A_710, %add3A_720 : i32
        %get3A_722 = arith.index_cast %add3A_721 : i32 to index
        %get3A_723 = tpu.vector_load %arg5[%get3A_722] {strides = array<i32>} : memref<32768xf32, #tpu.memory_space<vmem>>, vector<16xf32>,
        %max3A_724 = arith.maximumf %scan3A_703, %get3A_723 : vector<16xf32>
        %add3A_725 = arith.constant 48 : i32
        %add3A_726 = arith.addi %mul3A_710, %add3A_725 : i32
        %get3A_727 = arith.index_cast %add3A_726 : i32 to index
        %get3A_728 = tpu.vector_load %arg5[%get3A_727] {strides = array<i32>} : memref<32768xf32, #tpu.memory_space<vmem>>, vector<16xf32>,
        %max3A_729 = arith.maximumf %scan3A_704, %get3A_728 : vector<16xf32>
        %add3A_730 = arith.constant 64 : i32
        %add3A_731 = arith.addi %mul3A_710, %add3A_730 : i32
        %get3A_732 = arith.index_cast %add3A_731 : i32 to index
        %get3A_733 = tpu.vector_load %arg5[%get3A_732] {strides = array<i32>} : memref<32768xf32, #tpu.memory_space<vmem>>, vector<16xf32>,
        %max3A_734 = arith.maximumf %scan3A_705, %get3A_733 : vector<16xf32>
        %add3A_735 = arith.constant 80 : i32
        %add3A_736 = arith.addi %mul3A_710, %add3A_735 : i32
        %get3A_737 = arith.index_cast %add3A_736 : i32 to index
        %get3A_738 = tpu.vector_load %arg5[%get3A_737] {strides = array<i32>} : memref<32768xf32, #tpu.memory_space<vmem>>, vector<16xf32>,
        %max3A_739 = arith.maximumf %scan3A_706, %get3A_738 : vector<16xf32>
        %add3A_740 = arith.constant 96 : i32
        %add3A_741 = arith.addi %mul3A_710, %add3A_740 : i32
        %get3A_742 = arith.index_cast %add3A_741 : i32 to index
        %get3A_743 = tpu.vector_load %arg5[%get3A_742] {strides = array<i32>} : memref<32768xf32, #tpu.memory_space<vmem>>, vector<16xf32>,
        %max3A_744 = arith.maximumf %scan3A_707, %get3A_743 : vector<16xf32>
        %add3A_745 = arith.constant 112 : i32
        %add3A_746 = arith.addi %mul3A_710, %add3A_745 : i32
        %get3A_747 = arith.index_cast %add3A_746 : i32 to index
        %get3A_748 = tpu.vector_load %arg5[%get3A_747] {strides = array<i32>} : memref<32768xf32, #tpu.memory_space<vmem>>, vector<16xf32>,
        %max3A_749 = arith.maximumf %scan3A_708, %get3A_748 : vector<16xf32>
        %scan3A_750 = arith.constant 1 : i32
        %scan3A_751 = arith.addi %scan3A_700, %scan3A_750 : i32
        %mul3A_752 = arith.constant 128 : i32
        %mul3A_753 = arith.muli %scan3A_751, %mul3A_752 : i32
        %add3A_754 = arith.constant 0 : i32
        %add3A_755 = arith.addi %mul3A_753, %add3A_754 : i32
        %get3A_756 = arith.index_cast %add3A_755 : i32 to index
        %get3A_757 = tpu.vector_load %arg5[%get3A_756] {strides = array<i32>} : memref<32768xf32, #tpu.memory_space<vmem>>, vector<16xf32>,
        %max3A_758 = arith.maximumf %max3A_714, %get3A_757 : vector<16xf32>
        %add3A_759 = arith.constant 16 : i32
        %add3A_760 = arith.addi %mul3A_753, %add3A_759 : i32
        %get3A_761 = arith.index_cast %add3A_760 : i32 to index
        %get3A_762 = tpu.vector_load %arg5[%get3A_761] {strides = array<i32>} : memref<32768xf32, #tpu.memory_space<vmem>>, vector<16xf32>,
        %max3A_763 = arith.maximumf %max3A_719, %get3A_762 : vector<16xf32>
        %add3A_764 = arith.constant 32 : i32
        %add3A_765 = arith.addi %mul3A_753, %add3A_764 : i32
        %get3A_766 = arith.index_cast %add3A_765 : i32 to index
        %get3A_767 = tpu.vector_load %arg5[%get3A_766] {strides = array<i32>} : memref<32768xf32, #tpu.memory_space<vmem>>, vector<16xf32>,
        %max3A_768 = arith.maximumf %max3A_724, %get3A_767 : vector<16xf32>
        %add3A_769 = arith.constant 48 : i32
        %add3A_770 = arith.addi %mul3A_753, %add3A_769 : i32
        %get3A_771 = arith.index_cast %add3A_770 : i32 to index
        %get3A_772 = tpu.vector_load %arg5[%get3A_771] {strides = array<i32>} : memref<32768xf32, #tpu.memory_space<vmem>>, vector<16xf32>,
        %max3A_773 = arith.maximumf %max3A_729, %get3A_772 : vector<16xf32>
        %add3A_774 = arith.constant 64 : i32
        %add3A_775 = arith.addi %mul3A_753, %add3A_774 : i32
        %get3A_776 = arith.index_cast %add3A_775 : i32 to index
        %get3A_777 = tpu.vector_load %arg5[%get3A_776] {strides = array<i32>} : memref<32768xf32, #tpu.memory_space<vmem>>, vector<16xf32>,
        %max3A_778 = arith.maximumf %max3A_734, %get3A_777 : vector<16xf32>
        %add3A_779 = arith.constant 80 : i32
        %add3A_780 = arith.addi %mul3A_753, %add3A_779 : i32
        %get3A_781 = arith.index_cast %add3A_780 : i32 to index
        %get3A_782 = tpu.vector_load %arg5[%get3A_781] {strides = array<i32>} : memref<32768xf32, #tpu.memory_space<vmem>>, vector<16xf32>,
        %max3A_783 = arith.maximumf %max3A_739, %get3A_782 : vector<16xf32>
        %add3A_784 = arith.constant 96 : i32
        %add3A_785 = arith.addi %mul3A_753, %add3A_784 : i32
        %get3A_786 = arith.index_cast %add3A_785 : i32 to index
        %get3A_787 = tpu.vector_load %arg5[%get3A_786] {strides = array<i32>} : memref<32768xf32, #tpu.memory_space<vmem>>, vector<16xf32>,
        %max3A_788 = arith.maximumf %max3A_744, %get3A_787 : vector<16xf32>
        %add3A_789 = arith.constant 112 : i32
        %add3A_790 = arith.addi %mul3A_753, %add3A_789 : i32
        %get3A_791 = arith.index_cast %add3A_790 : i32 to index
        %get3A_792 = tpu.vector_load %arg5[%get3A_791] {strides = array<i32>} : memref<32768xf32, #tpu.memory_space<vmem>>, vector<16xf32>,
        %max3A_793 = arith.maximumf %max3A_749, %get3A_792 : vector<16xf32>
        scf.yield %max3A_758, %max3A_763, %max3A_768, %max3A_773, %max3A_778, %max3A_783, %max3A_788, %max3A_793 : vector<16xf32>, vector<16xf32>, vector<16xf32>, vector<16xf32>, vector<16xf32>, vector<16xf32>, vector<16xf32>, vector<16xf32>
      }
      %scan3A_367 = arith.constant 256 : i32
      %masked_sort3A_368 = arith.constant dense<true> : vector<16xi1>
      %masked_sort3A_369, %masked_sort3A_370, %masked_sort3A_371 = tpu.sort %scan3A_366#0, %scan3A_366#0 masked %masked_sort3A_368 {descending = true} : (vector<16xf32>, vector<16xf32>, vector<16xi1>) -> (vector<16xi1>, vector<16xf32>, vector<16xf32>)
      %masked_sort3A_372 = arith.constant dense<true> : vector<16xi1>
      %masked_sort3A_373, %masked_sort3A_374, %masked_sort3A_375 = tpu.sort %scan3A_366#1, %scan3A_366#1 masked %masked_sort3A_372 {descending = true} : (vector<16xf32>, vector<16xf32>, vector<16xi1>) -> (vector<16xi1>, vector<16xf32>, vector<16xf32>)
      %masked_sort3A_376 = arith.constant dense<true> : vector<16xi1>
      %masked_sort3A_377, %masked_sort3A_378, %masked_sort3A_379 = tpu.sort %scan3A_366#2, %scan3A_366#2 masked %masked_sort3A_376 {descending = true} : (vector<16xf32>, vector<16xf32>, vector<16xi1>) -> (vector<16xi1>, vector<16xf32>, vector<16xf32>)
      %masked_sort3A_380 = arith.constant dense<true> : vector<16xi1>
      %masked_sort3A_381, %masked_sort3A_382, %masked_sort3A_383 = tpu.sort %scan3A_366#3, %scan3A_366#3 masked %masked_sort3A_380 {descending = true} : (vector<16xf32>, vector<16xf32>, vector<16xi1>) -> (vector<16xi1>, vector<16xf32>, vector<16xf32>)
      %masked_sort3A_384 = arith.constant dense<true> : vector<16xi1>
      %masked_sort3A_385, %masked_sort3A_386, %masked_sort3A_387 = tpu.sort %scan3A_366#4, %scan3A_366#4 masked %masked_sort3A_384 {descending = true} : (vector<16xf32>, vector<16xf32>, vector<16xi1>) -> (vector<16xi1>, vector<16xf32>, vector<16xf32>)
      %masked_sort3A_388 = arith.constant dense<true> : vector<16xi1>
      %masked_sort3A_389, %masked_sort3A_390, %masked_sort3A_391 = tpu.sort %scan3A_366#5, %scan3A_366#5 masked %masked_sort3A_388 {descending = true} : (vector<16xf32>, vector<16xf32>, vector<16xi1>) -> (vector<16xi1>, vector<16xf32>, vector<16xf32>)
      %masked_sort3A_392 = arith.constant dense<true> : vector<16xi1>
      %masked_sort3A_393, %masked_sort3A_394, %masked_sort3A_395 = tpu.sort %scan3A_366#6, %scan3A_366#6 masked %masked_sort3A_392 {descending = true} : (vector<16xf32>, vector<16xf32>, vector<16xi1>) -> (vector<16xi1>, vector<16xf32>, vector<16xf32>)
      %masked_sort3A_396 = arith.constant dense<true> : vector<16xi1>
      %masked_sort3A_397, %masked_sort3A_398, %masked_sort3A_399 = tpu.sort %scan3A_366#7, %scan3A_366#7 masked %masked_sort3A_396 {descending = true} : (vector<16xf32>, vector<16xf32>, vector<16xi1>) -> (vector<16xi1>, vector<16xf32>, vector<16xf32>)
      %rev3A_400 = arith.constant 15 : i32
      %rev3A_401 = vector.broadcast %rev3A_400 : i32 to vector<16xi32>
      %rev3A_402 = tpu.iota {dimensions = array<i32: 0>} : vector<16xi32>
      %rev3A_403 = arith.subi %rev3A_401, %rev3A_402 : vector<16xi32>
      %rev3A_404 = tpu.dynamic_gather %masked_sort3A_374[%rev3A_403] in [0] : vector<16xf32>, vector<16xi32> -> vector<16xf32>
      %max3A_405 = arith.maximumf %masked_sort3A_370, %rev3A_404 : vector<16xf32>
      %masked_sort3A_406 = arith.constant dense<true> : vector<16xi1>
      %masked_sort3A_407, %masked_sort3A_408, %masked_sort3A_409 = tpu.sort %max3A_405, %max3A_405 masked %masked_sort3A_406 {descending = true} : (vector<16xf32>, vector<16xf32>, vector<16xi1>) -> (vector<16xi1>, vector<16xf32>, vector<16xf32>)
      %min3A_410 = arith.minimumf %masked_sort3A_370, %rev3A_404 : vector<16xf32>
      %masked_sort3A_411 = arith.constant dense<true> : vector<16xi1>
      %masked_sort3A_412, %masked_sort3A_413, %masked_sort3A_414 = tpu.sort %min3A_410, %min3A_410 masked %masked_sort3A_411 {descending = true} : (vector<16xf32>, vector<16xf32>, vector<16xi1>) -> (vector<16xi1>, vector<16xf32>, vector<16xf32>)
      %rev3A_415 = arith.constant 15 : i32
      %rev3A_416 = vector.broadcast %rev3A_415 : i32 to vector<16xi32>
      %rev3A_417 = tpu.iota {dimensions = array<i32: 0>} : vector<16xi32>
      %rev3A_418 = arith.subi %rev3A_416, %rev3A_417 : vector<16xi32>
      %rev3A_419 = tpu.dynamic_gather %masked_sort3A_382[%rev3A_418] in [0] : vector<16xf32>, vector<16xi32> -> vector<16xf32>
      %max3A_420 = arith.maximumf %masked_sort3A_378, %rev3A_419 : vector<16xf32>
      %masked_sort3A_421 = arith.constant dense<true> : vector<16xi1>
      %masked_sort3A_422, %masked_sort3A_423, %masked_sort3A_424 = tpu.sort %max3A_420, %max3A_420 masked %masked_sort3A_421 {descending = true} : (vector<16xf32>, vector<16xf32>, vector<16xi1>) -> (vector<16xi1>, vector<16xf32>, vector<16xf32>)
      %min3A_425 = arith.minimumf %masked_sort3A_378, %rev3A_419 : vector<16xf32>
      %masked_sort3A_426 = arith.constant dense<true> : vector<16xi1>
      %masked_sort3A_427, %masked_sort3A_428, %masked_sort3A_429 = tpu.sort %min3A_425, %min3A_425 masked %masked_sort3A_426 {descending = true} : (vector<16xf32>, vector<16xf32>, vector<16xi1>) -> (vector<16xi1>, vector<16xf32>, vector<16xf32>)
      %rev3A_430 = arith.constant 15 : i32
      %rev3A_431 = vector.broadcast %rev3A_430 : i32 to vector<16xi32>
      %rev3A_432 = tpu.iota {dimensions = array<i32: 0>} : vector<16xi32>
      %rev3A_433 = arith.subi %rev3A_431, %rev3A_432 : vector<16xi32>
      %rev3A_434 = tpu.dynamic_gather %masked_sort3A_390[%rev3A_433] in [0] : vector<16xf32>, vector<16xi32> -> vector<16xf32>
      %max3A_435 = arith.maximumf %masked_sort3A_386, %rev3A_434 : vector<16xf32>
      %masked_sort3A_436 = arith.constant dense<true> : vector<16xi1>
      %masked_sort3A_437, %masked_sort3A_438, %masked_sort3A_439 = tpu.sort %max3A_435, %max3A_435 masked %masked_sort3A_436 {descending = true} : (vector<16xf32>, vector<16xf32>, vector<16xi1>) -> (vector<16xi1>, vector<16xf32>, vector<16xf32>)
      %min3A_440 = arith.minimumf %masked_sort3A_386, %rev3A_434 : vector<16xf32>
      %masked_sort3A_441 = arith.constant dense<true> : vector<16xi1>
      %masked_sort3A_442, %masked_sort3A_443, %masked_sort3A_444 = tpu.sort %min3A_440, %min3A_440 masked %masked_sort3A_441 {descending = true} : (vector<16xf32>, vector<16xf32>, vector<16xi1>) -> (vector<16xi1>, vector<16xf32>, vector<16xf32>)
      %rev3A_445 = arith.constant 15 : i32
      %rev3A_446 = vector.broadcast %rev3A_445 : i32 to vector<16xi32>
      %rev3A_447 = tpu.iota {dimensions = array<i32: 0>} : vector<16xi32>
      %rev3A_448 = arith.subi %rev3A_446, %rev3A_447 : vector<16xi32>
      %rev3A_449 = tpu.dynamic_gather %masked_sort3A_398[%rev3A_448] in [0] : vector<16xf32>, vector<16xi32> -> vector<16xf32>
      %max3A_450 = arith.maximumf %masked_sort3A_394, %rev3A_449 : vector<16xf32>
      %masked_sort3A_451 = arith.constant dense<true> : vector<16xi1>
      %masked_sort3A_452, %masked_sort3A_453, %masked_sort3A_454 = tpu.sort %max3A_450, %max3A_450 masked %masked_sort3A_451 {descending = true} : (vector<16xf32>, vector<16xf32>, vector<16xi1>) -> (vector<16xi1>, vector<16xf32>, vector<16xf32>)
      %min3A_455 = arith.minimumf %masked_sort3A_394, %rev3A_449 : vector<16xf32>
      %masked_sort3A_456 = arith.constant dense<true> : vector<16xi1>
      %masked_sort3A_457, %masked_sort3A_458, %masked_sort3A_459 = tpu.sort %min3A_455, %min3A_455 masked %masked_sort3A_456 {descending = true} : (vector<16xf32>, vector<16xf32>, vector<16xi1>) -> (vector<16xi1>, vector<16xf32>, vector<16xf32>)
      %rev3A_460 = arith.constant 15 : i32
      %rev3A_461 = vector.broadcast %rev3A_460 : i32 to vector<16xi32>
      %rev3A_462 = tpu.iota {dimensions = array<i32: 0>} : vector<16xi32>
      %rev3A_463 = arith.subi %rev3A_461, %rev3A_462 : vector<16xi32>
      %rev3A_464 = tpu.dynamic_gather %masked_sort3A_428[%rev3A_463] in [0] : vector<16xf32>, vector<16xi32> -> vector<16xf32>
      %rev3A_465 = arith.constant 15 : i32
      %rev3A_466 = vector.broadcast %rev3A_465 : i32 to vector<16xi32>
      %rev3A_467 = tpu.iota {dimensions = array<i32: 0>} : vector<16xi32>
      %rev3A_468 = arith.subi %rev3A_466, %rev3A_467 : vector<16xi32>
      %rev3A_469 = tpu.dynamic_gather %masked_sort3A_423[%rev3A_468] in [0] : vector<16xf32>, vector<16xi32> -> vector<16xf32>
      %max3A_470 = arith.maximumf %masked_sort3A_408, %rev3A_464 : vector<16xf32>
      %max3A_471 = arith.maximumf %masked_sort3A_413, %rev3A_469 : vector<16xf32>
      %min3A_472 = arith.minimumf %masked_sort3A_408, %rev3A_464 : vector<16xf32>
      %min3A_473 = arith.minimumf %masked_sort3A_413, %rev3A_469 : vector<16xf32>
      %max3A_474 = arith.maximumf %max3A_470, %max3A_471 : vector<16xf32>
      %masked_sort3A_475 = arith.constant dense<true> : vector<16xi1>
      %masked_sort3A_476, %masked_sort3A_477, %masked_sort3A_478 = tpu.sort %max3A_474, %max3A_474 masked %masked_sort3A_475 {descending = true} : (vector<16xf32>, vector<16xf32>, vector<16xi1>) -> (vector<16xi1>, vector<16xf32>, vector<16xf32>)
      %min3A_479 = arith.minimumf %max3A_470, %max3A_471 : vector<16xf32>
      %masked_sort3A_480 = arith.constant dense<true> : vector<16xi1>
      %masked_sort3A_481, %masked_sort3A_482, %masked_sort3A_483 = tpu.sort %min3A_479, %min3A_479 masked %masked_sort3A_480 {descending = true} : (vector<16xf32>, vector<16xf32>, vector<16xi1>) -> (vector<16xi1>, vector<16xf32>, vector<16xf32>)
      %max3A_484 = arith.maximumf %min3A_472, %min3A_473 : vector<16xf32>
      %masked_sort3A_485 = arith.constant dense<true> : vector<16xi1>
      %masked_sort3A_486, %masked_sort3A_487, %masked_sort3A_488 = tpu.sort %max3A_484, %max3A_484 masked %masked_sort3A_485 {descending = true} : (vector<16xf32>, vector<16xf32>, vector<16xi1>) -> (vector<16xi1>, vector<16xf32>, vector<16xf32>)
      %min3A_489 = arith.minimumf %min3A_472, %min3A_473 : vector<16xf32>
      %masked_sort3A_490 = arith.constant dense<true> : vector<16xi1>
      %masked_sort3A_491, %masked_sort3A_492, %masked_sort3A_493 = tpu.sort %min3A_489, %min3A_489 masked %masked_sort3A_490 {descending = true} : (vector<16xf32>, vector<16xf32>, vector<16xi1>) -> (vector<16xi1>, vector<16xf32>, vector<16xf32>)
      %rev3A_494 = arith.constant 15 : i32
      %rev3A_495 = vector.broadcast %rev3A_494 : i32 to vector<16xi32>
      %rev3A_496 = tpu.iota {dimensions = array<i32: 0>} : vector<16xi32>
      %rev3A_497 = arith.subi %rev3A_495, %rev3A_496 : vector<16xi32>
      %rev3A_498 = tpu.dynamic_gather %masked_sort3A_458[%rev3A_497] in [0] : vector<16xf32>, vector<16xi32> -> vector<16xf32>
      %rev3A_499 = arith.constant 15 : i32
      %rev3A_500 = vector.broadcast %rev3A_499 : i32 to vector<16xi32>
      %rev3A_501 = tpu.iota {dimensions = array<i32: 0>} : vector<16xi32>
      %rev3A_502 = arith.subi %rev3A_500, %rev3A_501 : vector<16xi32>
      %rev3A_503 = tpu.dynamic_gather %masked_sort3A_453[%rev3A_502] in [0] : vector<16xf32>, vector<16xi32> -> vector<16xf32>
      %max3A_504 = arith.maximumf %masked_sort3A_438, %rev3A_498 : vector<16xf32>
      %max3A_505 = arith.maximumf %masked_sort3A_443, %rev3A_503 : vector<16xf32>
      %min3A_506 = arith.minimumf %masked_sort3A_438, %rev3A_498 : vector<16xf32>
      %min3A_507 = arith.minimumf %masked_sort3A_443, %rev3A_503 : vector<16xf32>
      %max3A_508 = arith.maximumf %max3A_504, %max3A_505 : vector<16xf32>
      %masked_sort3A_509 = arith.constant dense<true> : vector<16xi1>
      %masked_sort3A_510, %masked_sort3A_511, %masked_sort3A_512 = tpu.sort %max3A_508, %max3A_508 masked %masked_sort3A_509 {descending = true} : (vector<16xf32>, vector<16xf32>, vector<16xi1>) -> (vector<16xi1>, vector<16xf32>, vector<16xf32>)
      %min3A_513 = arith.minimumf %max3A_504, %max3A_505 : vector<16xf32>
      %masked_sort3A_514 = arith.constant dense<true> : vector<16xi1>
      %masked_sort3A_515, %masked_sort3A_516, %masked_sort3A_517 = tpu.sort %min3A_513, %min3A_513 masked %masked_sort3A_514 {descending = true} : (vector<16xf32>, vector<16xf32>, vector<16xi1>) -> (vector<16xi1>, vector<16xf32>, vector<16xf32>)
      %max3A_518 = arith.maximumf %min3A_506, %min3A_507 : vector<16xf32>
      %masked_sort3A_519 = arith.constant dense<true> : vector<16xi1>
      %masked_sort3A_520, %masked_sort3A_521, %masked_sort3A_522 = tpu.sort %max3A_518, %max3A_518 masked %masked_sort3A_519 {descending = true} : (vector<16xf32>, vector<16xf32>, vector<16xi1>) -> (vector<16xi1>, vector<16xf32>, vector<16xf32>)
      %min3A_523 = arith.minimumf %min3A_506, %min3A_507 : vector<16xf32>
      %masked_sort3A_524 = arith.constant dense<true> : vector<16xi1>
      %masked_sort3A_525, %masked_sort3A_526, %masked_sort3A_527 = tpu.sort %min3A_523, %min3A_523 masked %masked_sort3A_524 {descending = true} : (vector<16xf32>, vector<16xf32>, vector<16xi1>) -> (vector<16xi1>, vector<16xf32>, vector<16xf32>)
      %rev3A_528 = arith.constant 15 : i32
      %rev3A_529 = vector.broadcast %rev3A_528 : i32 to vector<16xi32>
      %rev3A_530 = tpu.iota {dimensions = array<i32: 0>} : vector<16xi32>
      %rev3A_531 = arith.subi %rev3A_529, %rev3A_530 : vector<16xi32>
      %rev3A_532 = tpu.dynamic_gather %masked_sort3A_526[%rev3A_531] in [0] : vector<16xf32>, vector<16xi32> -> vector<16xf32>
      %max3A_533 = arith.maximumf %masked_sort3A_477, %rev3A_532 : vector<16xf32>
      %rev3A_534 = arith.constant 15 : i32
      %rev3A_535 = vector.broadcast %rev3A_534 : i32 to vector<16xi32>
      %rev3A_536 = tpu.iota {dimensions = array<i32: 0>} : vector<16xi32>
      %rev3A_537 = arith.subi %rev3A_535, %rev3A_536 : vector<16xi32>
      %rev3A_538 = tpu.dynamic_gather %masked_sort3A_521[%rev3A_537] in [0] : vector<16xf32>, vector<16xi32> -> vector<16xf32>
      %max3A_539 = arith.maximumf %masked_sort3A_482, %rev3A_538 : vector<16xf32>
      %rev3A_540 = arith.constant 15 : i32
      %rev3A_541 = vector.broadcast %rev3A_540 : i32 to vector<16xi32>
      %rev3A_542 = tpu.iota {dimensions = array<i32: 0>} : vector<16xi32>
      %rev3A_543 = arith.subi %rev3A_541, %rev3A_542 : vector<16xi32>
      %rev3A_544 = tpu.dynamic_gather %masked_sort3A_516[%rev3A_543] in [0] : vector<16xf32>, vector<16xi32> -> vector<16xf32>
      %max3A_545 = arith.maximumf %masked_sort3A_487, %rev3A_544 : vector<16xf32>
      %rev3A_546 = arith.constant 15 : i32
      %rev3A_547 = vector.broadcast %rev3A_546 : i32 to vector<16xi32>
      %rev3A_548 = tpu.iota {dimensions = array<i32: 0>} : vector<16xi32>
      %rev3A_549 = arith.subi %rev3A_547, %rev3A_548 : vector<16xi32>
      %rev3A_550 = tpu.dynamic_gather %masked_sort3A_511[%rev3A_549] in [0] : vector<16xf32>, vector<16xi32> -> vector<16xf32>
      %max3A_551 = arith.maximumf %masked_sort3A_492, %rev3A_550 : vector<16xf32>
      %min3A_552 = arith.minimumf %max3A_533, %max3A_539 : vector<16xf32>
      %min3A_553 = arith.minimumf %max3A_545, %max3A_551 : vector<16xf32>
      %min3A_554 = arith.minimumf %min3A_552, %min3A_553 : vector<16xf32>
      %reduce_min3A_555 = arith.constant true
      %reduce_min3A_556 = vector.broadcast %reduce_min3A_555 : i1 to vector<16xi1>
      %reduce_min3A_557 = tpu.scan <min>, %min3A_554 masked %reduce_min3A_556 : vector<16xf32>, vector<16xi1> -> vector<16xf32>
      %reduce_min3A_558 = vector.extract %reduce_min3A_557[15] : f32 from vector<16xf32>
      %scan3A_559 = arith.constant 0 : i32
      %scan3A_560 = arith.constant 64 : i32
      %scan3A_561 = arith.addi %scan3A_559, %scan3A_560 : i32
      %scan3A_562 = arith.constant 4 : i32
      scf.for %scan3A_700 = %scan3A_559 to %scan3A_561 step %scan3A_562  : i32 {
        %mul3A_701 = arith.constant 1 : i32
        %mul3A_702 = arith.muli %scan3A_700, %mul3A_701 : i32
        %add3A_703 = arith.constant 0 : i32
        %add3A_704 = arith.addi %add3A_703, %mul3A_702 : i32
        %mul3A_705 = arith.constant 16 : i32
        %mul3A_706 = arith.muli %add3A_704, %mul3A_705 : i32
        %swap3A_707 = arith.index_cast %mul3A_706 : i32 to index
        %swap3A_708 = tpu.vector_load %arg6[%swap3A_707] {strides = array<i32>} : memref<1024xf32, #tpu.memory_space<vmem>>, vector<16xf32>,
        tpu.vector_store %arg6[%swap3A_707], %broadcast_in_dim3A_361 {strides = array<i32>} : memref<1024xf32, #tpu.memory_space<vmem>>, vector<16xf32>,
        %scan3A_709 = arith.constant 1 : i32
        %scan3A_710 = arith.addi %scan3A_700, %scan3A_709 : i32
        %mul3A_711 = arith.constant 1 : i32
        %mul3A_712 = arith.muli %scan3A_710, %mul3A_711 : i32
        %add3A_713 = arith.constant 0 : i32
        %add3A_714 = arith.addi %add3A_713, %mul3A_712 : i32
        %mul3A_715 = arith.constant 16 : i32
        %mul3A_716 = arith.muli %add3A_714, %mul3A_715 : i32
        %swap3A_717 = arith.index_cast %mul3A_716 : i32 to index
        %swap3A_718 = tpu.vector_load %arg6[%swap3A_717] {strides = array<i32>} : memref<1024xf32, #tpu.memory_space<vmem>>, vector<16xf32>,
        tpu.vector_store %arg6[%swap3A_717], %broadcast_in_dim3A_361 {strides = array<i32>} : memref<1024xf32, #tpu.memory_space<vmem>>, vector<16xf32>,
        %scan3A_719 = arith.constant 2 : i32
        %scan3A_720 = arith.addi %scan3A_700, %scan3A_719 : i32
        %mul3A_721 = arith.constant 1 : i32
        %mul3A_722 = arith.muli %scan3A_720, %mul3A_721 : i32
        %add3A_723 = arith.constant 0 : i32
        %add3A_724 = arith.addi %add3A_723, %mul3A_722 : i32
        %mul3A_725 = arith.constant 16 : i32
        %mul3A_726 = arith.muli %add3A_724, %mul3A_725 : i32
        %swap3A_727 = arith.index_cast %mul3A_726 : i32 to index
        %swap3A_728 = tpu.vector_load %arg6[%swap3A_727] {strides = array<i32>} : memref<1024xf32, #tpu.memory_space<vmem>>, vector<16xf32>,
        tpu.vector_store %arg6[%swap3A_727], %broadcast_in_dim3A_361 {strides = array<i32>} : memref<1024xf32, #tpu.memory_space<vmem>>, vector<16xf32>,
        %scan3A_729 = arith.constant 3 : i32
        %scan3A_730 = arith.addi %scan3A_700, %scan3A_729 : i32
        %mul3A_731 = arith.constant 1 : i32
        %mul3A_732 = arith.muli %scan3A_730, %mul3A_731 : i32
        %add3A_733 = arith.constant 0 : i32
        %add3A_734 = arith.addi %add3A_733, %mul3A_732 : i32
        %mul3A_735 = arith.constant 16 : i32
        %mul3A_736 = arith.muli %add3A_734, %mul3A_735 : i32
        %swap3A_737 = arith.index_cast %mul3A_736 : i32 to index
        %swap3A_738 = tpu.vector_load %arg6[%swap3A_737] {strides = array<i32>} : memref<1024xf32, #tpu.memory_space<vmem>>, vector<16xf32>,
        tpu.vector_store %arg6[%swap3A_737], %broadcast_in_dim3A_361 {strides = array<i32>} : memref<1024xf32, #tpu.memory_space<vmem>>, vector<16xf32>,
      }
      %scan3A_563 = arith.constant 64 : i32
      %iota3A_564 = tpu.iota {dimensions = array<i32: 0>} : vector<16xi32>
      %add3A_565 = arith.constant 512 : i32
      %add3A_566 = vector.broadcast %add3A_565 : i32 to vector<16xi32>
      %add3A_567 = arith.addi %iota3A_564, %add3A_566 : vector<16xi32>
      %add3A_568 = arith.constant 496 : i32
      %add3A_569 = vector.broadcast %add3A_568 : i32 to vector<16xi32>
      %add3A_570 = arith.addi %iota3A_564, %add3A_569 : vector<16xi32>
      %add3A_571 = arith.constant 496 : i32
      %add3A_572 = vector.broadcast %add3A_571 : i32 to vector<16xi32>
      %add3A_573 = arith.addi %add3A_567, %add3A_572 : vector<16xi32>
      %broadcast_in_dim3A_574 = arith.constant 16 : i32
      %broadcast_in_dim3A_575 = vector.broadcast %broadcast_in_dim3A_574 : i32 to vector<16xi32>
      %broadcast_in_dim3A_576 = arith.constant 0 : i32
      %broadcast_in_dim3A_577 = vector.broadcast %broadcast_in_dim3A_576 : i32 to vector<16xi32>
      %broadcast_in_dim3A_578 = arith.constant 0.000000e+00 : f32
      %broadcast_in_dim3A_579 = vector.broadcast %broadcast_in_dim3A_578 : f32 to vector<16xf32>
      %add3A_580 = vector.broadcast %reduce_min3A_558 : f32 to vector<16xf32>
      %add3A_581 = arith.addf %add3A_580, %broadcast_in_dim3A_579 : vector<16xf32>
      %scan3A_582 = arith.constant 0 : i32
      %scan3A_583 = arith.constant 1024 : i32
      %scan3A_584 = arith.addi %scan3A_582, %scan3A_583 : i32
      %scan3A_585 = arith.constant 8 : i32
      %scan3A_586:2 = scf.for %scan3A_700 = %scan3A_582 to %scan3A_584 step %scan3A_585 iter_args(%scan3A_701 = %iota3A_564, %scan3A_702 = %add3A_567) -> (vector<16xi32>, vector<16xi32>)  : i32 {
        %mul3A_703 = arith.constant 2 : i32
        %mul3A_704 = arith.muli %mul3A_703, %scan3A_700 : i32
        %mul3A_705 = arith.constant 16 : i32
        %mul3A_706 = arith.muli %mul3A_704, %mul3A_705 : i32
        %get3A = arith.index_cast %mul3A_706 : i32 to index
        %get3A_707 = tpu.vector_load %arg5[%get3A] {strides = array<i32>} : memref<32768xf32, #tpu.memory_space<vmem>>, vector<16xf32>,
        %mul3A_708 = arith.constant 2 : i32
        %mul3A_709 = arith.muli %mul3A_708, %scan3A_700 : i32
        %add3A_710 = arith.constant 1 : i32
        %add3A_711 = arith.addi %mul3A_709, %add3A_710 : i32
        %mul3A_712 = arith.constant 16 : i32
        %mul3A_713 = arith.muli %add3A_711, %mul3A_712 : i32
        %get3A_714 = arith.index_cast %mul3A_713 : i32 to index
        %get3A_715 = tpu.vector_load %arg5[%get3A_714] {strides = array<i32>} : memref<32768xf32, #tpu.memory_space<vmem>>, vector<16xf32>,
        %ge3A = arith.cmpf oge, %get3A_707, %add3A_581 : vector<16xf32>
        %ge3A_716 = arith.cmpf oge, %get3A_715, %add3A_581 : vector<16xf32>
        %min3A_717 = arith.minsi %scan3A_701, %add3A_570 : vector<16xi32>
        tpu.vector_store_idx %arg6[%min3A_717], %get3A_707 masked %ge3A : memref<1024xf32, #tpu.memory_space<vmem>>[vector<16xi32>], vector<16xf32>, vector<16xi1>
        %min3A_718 = arith.minsi %scan3A_702, %add3A_573 : vector<16xi32>
        tpu.vector_store_idx %arg6[%min3A_718], %get3A_715 masked %ge3A_716 : memref<1024xf32, #tpu.memory_space<vmem>>[vector<16xi32>], vector<16xf32>, vector<16xi1>
        %select_n3A_719 = arith.select %ge3A, %broadcast_in_dim3A_575, %broadcast_in_dim3A_577 : vector<16xi1>, vector<16xi32>
        %add3A_720 = arith.addi %scan3A_701, %select_n3A_719 : vector<16xi32>
        %select_n3A_721 = arith.select %ge3A_716, %broadcast_in_dim3A_575, %broadcast_in_dim3A_577 : vector<16xi1>, vector<16xi32>
        %add3A_722 = arith.addi %scan3A_702, %select_n3A_721 : vector<16xi32>
        %scan3A_723 = arith.constant 1 : i32
        %scan3A_724 = arith.addi %scan3A_700, %scan3A_723 : i32
        %mul3A_725 = arith.constant 2 : i32
        %mul3A_726 = arith.muli %mul3A_725, %scan3A_724 : i32
        %mul3A_727 = arith.constant 16 : i32
        %mul3A_728 = arith.muli %mul3A_726, %mul3A_727 : i32
        %get3A_729 = arith.index_cast %mul3A_728 : i32 to index
        %get3A_730 = tpu.vector_load %arg5[%get3A_729] {strides = array<i32>} : memref<32768xf32, #tpu.memory_space<vmem>>, vector<16xf32>,
        %mul3A_731 = arith.constant 2 : i32
        %mul3A_732 = arith.muli %mul3A_731, %scan3A_724 : i32
        %add3A_733 = arith.constant 1 : i32
        %add3A_734 = arith.addi %mul3A_732, %add3A_733 : i32
        %mul3A_735 = arith.constant 16 : i32
        %mul3A_736 = arith.muli %add3A_734, %mul3A_735 : i32
        %get3A_737 = arith.index_cast %mul3A_736 : i32 to index
        %get3A_738 = tpu.vector_load %arg5[%get3A_737] {strides = array<i32>} : memref<32768xf32, #tpu.memory_space<vmem>>, vector<16xf32>,
        %ge3A_739 = arith.cmpf oge, %get3A_730, %add3A_581 : vector<16xf32>
        %ge3A_740 = arith.cmpf oge, %get3A_738, %add3A_581 : vector<16xf32>
        %min3A_741 = arith.minsi %add3A_720, %add3A_570 : vector<16xi32>
        tpu.vector_store_idx %arg6[%min3A_741], %get3A_730 masked %ge3A_739 : memref<1024xf32, #tpu.memory_space<vmem>>[vector<16xi32>], vector<16xf32>, vector<16xi1>
        %min3A_742 = arith.minsi %add3A_722, %add3A_573 : vector<16xi32>
        tpu.vector_store_idx %arg6[%min3A_742], %get3A_738 masked %ge3A_740 : memref<1024xf32, #tpu.memory_space<vmem>>[vector<16xi32>], vector<16xf32>, vector<16xi1>
        %select_n3A_743 = arith.select %ge3A_739, %broadcast_in_dim3A_575, %broadcast_in_dim3A_577 : vector<16xi1>, vector<16xi32>
        %add3A_744 = arith.addi %add3A_720, %select_n3A_743 : vector<16xi32>
        %select_n3A_745 = arith.select %ge3A_740, %broadcast_in_dim3A_575, %broadcast_in_dim3A_577 : vector<16xi1>, vector<16xi32>
        %add3A_746 = arith.addi %add3A_722, %select_n3A_745 : vector<16xi32>
        %scan3A_747 = arith.constant 2 : i32
        %scan3A_748 = arith.addi %scan3A_700, %scan3A_747 : i32
        %mul3A_749 = arith.constant 2 : i32
        %mul3A_750 = arith.muli %mul3A_749, %scan3A_748 : i32
        %mul3A_751 = arith.constant 16 : i32
        %mul3A_752 = arith.muli %mul3A_750, %mul3A_751 : i32
        %get3A_753 = arith.index_cast %mul3A_752 : i32 to index
        %get3A_754 = tpu.vector_load %arg5[%get3A_753] {strides = array<i32>} : memref<32768xf32, #tpu.memory_space<vmem>>, vector<16xf32>,
        %mul3A_755 = arith.constant 2 : i32
        %mul3A_756 = arith.muli %mul3A_755, %scan3A_748 : i32
        %add3A_757 = arith.constant 1 : i32
        %add3A_758 = arith.addi %mul3A_756, %add3A_757 : i32
        %mul3A_759 = arith.constant 16 : i32
        %mul3A_760 = arith.muli %add3A_758, %mul3A_759 : i32
        %get3A_761 = arith.index_cast %mul3A_760 : i32 to index
        %get3A_762 = tpu.vector_load %arg5[%get3A_761] {strides = array<i32>} : memref<32768xf32, #tpu.memory_space<vmem>>, vector<16xf32>,
        %ge3A_763 = arith.cmpf oge, %get3A_754, %add3A_581 : vector<16xf32>
        %ge3A_764 = arith.cmpf oge, %get3A_762, %add3A_581 : vector<16xf32>
        %min3A_765 = arith.minsi %add3A_744, %add3A_570 : vector<16xi32>
        tpu.vector_store_idx %arg6[%min3A_765], %get3A_754 masked %ge3A_763 : memref<1024xf32, #tpu.memory_space<vmem>>[vector<16xi32>], vector<16xf32>, vector<16xi1>
        %min3A_766 = arith.minsi %add3A_746, %add3A_573 : vector<16xi32>
        tpu.vector_store_idx %arg6[%min3A_766], %get3A_762 masked %ge3A_764 : memref<1024xf32, #tpu.memory_space<vmem>>[vector<16xi32>], vector<16xf32>, vector<16xi1>
        %select_n3A_767 = arith.select %ge3A_763, %broadcast_in_dim3A_575, %broadcast_in_dim3A_577 : vector<16xi1>, vector<16xi32>
        %add3A_768 = arith.addi %add3A_744, %select_n3A_767 : vector<16xi32>
        %select_n3A_769 = arith.select %ge3A_764, %broadcast_in_dim3A_575, %broadcast_in_dim3A_577 : vector<16xi1>, vector<16xi32>
        %add3A_770 = arith.addi %add3A_746, %select_n3A_769 : vector<16xi32>
        %scan3A_771 = arith.constant 3 : i32
        %scan3A_772 = arith.addi %scan3A_700, %scan3A_771 : i32
        %mul3A_773 = arith.constant 2 : i32
        %mul3A_774 = arith.muli %mul3A_773, %scan3A_772 : i32
        %mul3A_775 = arith.constant 16 : i32
        %mul3A_776 = arith.muli %mul3A_774, %mul3A_775 : i32
        %get3A_777 = arith.index_cast %mul3A_776 : i32 to index
        %get3A_778 = tpu.vector_load %arg5[%get3A_777] {strides = array<i32>} : memref<32768xf32, #tpu.memory_space<vmem>>, vector<16xf32>,
        %mul3A_779 = arith.constant 2 : i32
        %mul3A_780 = arith.muli %mul3A_779, %scan3A_772 : i32
        %add3A_781 = arith.constant 1 : i32
        %add3A_782 = arith.addi %mul3A_780, %add3A_781 : i32
        %mul3A_783 = arith.constant 16 : i32
        %mul3A_784 = arith.muli %add3A_782, %mul3A_783 : i32
        %get3A_785 = arith.index_cast %mul3A_784 : i32 to index
        %get3A_786 = tpu.vector_load %arg5[%get3A_785] {strides = array<i32>} : memref<32768xf32, #tpu.memory_space<vmem>>, vector<16xf32>,
        %ge3A_787 = arith.cmpf oge, %get3A_778, %add3A_581 : vector<16xf32>
        %ge3A_788 = arith.cmpf oge, %get3A_786, %add3A_581 : vector<16xf32>
        %min3A_789 = arith.minsi %add3A_768, %add3A_570 : vector<16xi32>
        tpu.vector_store_idx %arg6[%min3A_789], %get3A_778 masked %ge3A_787 : memref<1024xf32, #tpu.memory_space<vmem>>[vector<16xi32>], vector<16xf32>, vector<16xi1>
        %min3A_790 = arith.minsi %add3A_770, %add3A_573 : vector<16xi32>
        tpu.vector_store_idx %arg6[%min3A_790], %get3A_786 masked %ge3A_788 : memref<1024xf32, #tpu.memory_space<vmem>>[vector<16xi32>], vector<16xf32>, vector<16xi1>
        %select_n3A_791 = arith.select %ge3A_787, %broadcast_in_dim3A_575, %broadcast_in_dim3A_577 : vector<16xi1>, vector<16xi32>
        %add3A_792 = arith.addi %add3A_768, %select_n3A_791 : vector<16xi32>
        %select_n3A_793 = arith.select %ge3A_788, %broadcast_in_dim3A_575, %broadcast_in_dim3A_577 : vector<16xi1>, vector<16xi32>
        %add3A_794 = arith.addi %add3A_770, %select_n3A_793 : vector<16xi32>
        %scan3A_795 = arith.constant 4 : i32
        %scan3A_796 = arith.addi %scan3A_700, %scan3A_795 : i32
        %mul3A_797 = arith.constant 2 : i32
        %mul3A_798 = arith.muli %mul3A_797, %scan3A_796 : i32
        %mul3A_799 = arith.constant 16 : i32
        %mul3A_800 = arith.muli %mul3A_798, %mul3A_799 : i32
        %get3A_801 = arith.index_cast %mul3A_800 : i32 to index
        %get3A_802 = tpu.vector_load %arg5[%get3A_801] {strides = array<i32>} : memref<32768xf32, #tpu.memory_space<vmem>>, vector<16xf32>,
        %mul3A_803 = arith.constant 2 : i32
        %mul3A_804 = arith.muli %mul3A_803, %scan3A_796 : i32
        %add3A_805 = arith.constant 1 : i32
        %add3A_806 = arith.addi %mul3A_804, %add3A_805 : i32
        %mul3A_807 = arith.constant 16 : i32
        %mul3A_808 = arith.muli %add3A_806, %mul3A_807 : i32
        %get3A_809 = arith.index_cast %mul3A_808 : i32 to index
        %get3A_810 = tpu.vector_load %arg5[%get3A_809] {strides = array<i32>} : memref<32768xf32, #tpu.memory_space<vmem>>, vector<16xf32>,
        %ge3A_811 = arith.cmpf oge, %get3A_802, %add3A_581 : vector<16xf32>
        %ge3A_812 = arith.cmpf oge, %get3A_810, %add3A_581 : vector<16xf32>
        %min3A_813 = arith.minsi %add3A_792, %add3A_570 : vector<16xi32>
        tpu.vector_store_idx %arg6[%min3A_813], %get3A_802 masked %ge3A_811 : memref<1024xf32, #tpu.memory_space<vmem>>[vector<16xi32>], vector<16xf32>, vector<16xi1>
        %min3A_814 = arith.minsi %add3A_794, %add3A_573 : vector<16xi32>
        tpu.vector_store_idx %arg6[%min3A_814], %get3A_810 masked %ge3A_812 : memref<1024xf32, #tpu.memory_space<vmem>>[vector<16xi32>], vector<16xf32>, vector<16xi1>
        %select_n3A_815 = arith.select %ge3A_811, %broadcast_in_dim3A_575, %broadcast_in_dim3A_577 : vector<16xi1>, vector<16xi32>
        %add3A_816 = arith.addi %add3A_792, %select_n3A_815 : vector<16xi32>
        %select_n3A_817 = arith.select %ge3A_812, %broadcast_in_dim3A_575, %broadcast_in_dim3A_577 : vector<16xi1>, vector<16xi32>
        %add3A_818 = arith.addi %add3A_794, %select_n3A_817 : vector<16xi32>
        %scan3A_819 = arith.constant 5 : i32
        %scan3A_820 = arith.addi %scan3A_700, %scan3A_819 : i32
        %mul3A_821 = arith.constant 2 : i32
        %mul3A_822 = arith.muli %mul3A_821, %scan3A_820 : i32
        %mul3A_823 = arith.constant 16 : i32
        %mul3A_824 = arith.muli %mul3A_822, %mul3A_823 : i32
        %get3A_825 = arith.index_cast %mul3A_824 : i32 to index
        %get3A_826 = tpu.vector_load %arg5[%get3A_825] {strides = array<i32>} : memref<32768xf32, #tpu.memory_space<vmem>>, vector<16xf32>,
        %mul3A_827 = arith.constant 2 : i32
        %mul3A_828 = arith.muli %mul3A_827, %scan3A_820 : i32
        %add3A_829 = arith.constant 1 : i32
        %add3A_830 = arith.addi %mul3A_828, %add3A_829 : i32
        %mul3A_831 = arith.constant 16 : i32
        %mul3A_832 = arith.muli %add3A_830, %mul3A_831 : i32
        %get3A_833 = arith.index_cast %mul3A_832 : i32 to index
        %get3A_834 = tpu.vector_load %arg5[%get3A_833] {strides = array<i32>} : memref<32768xf32, #tpu.memory_space<vmem>>, vector<16xf32>,
        %ge3A_835 = arith.cmpf oge, %get3A_826, %add3A_581 : vector<16xf32>
        %ge3A_836 = arith.cmpf oge, %get3A_834, %add3A_581 : vector<16xf32>
        %min3A_837 = arith.minsi %add3A_816, %add3A_570 : vector<16xi32>
        tpu.vector_store_idx %arg6[%min3A_837], %get3A_826 masked %ge3A_835 : memref<1024xf32, #tpu.memory_space<vmem>>[vector<16xi32>], vector<16xf32>, vector<16xi1>
        %min3A_838 = arith.minsi %add3A_818, %add3A_573 : vector<16xi32>
        tpu.vector_store_idx %arg6[%min3A_838], %get3A_834 masked %ge3A_836 : memref<1024xf32, #tpu.memory_space<vmem>>[vector<16xi32>], vector<16xf32>, vector<16xi1>
        %select_n3A_839 = arith.select %ge3A_835, %broadcast_in_dim3A_575, %broadcast_in_dim3A_577 : vector<16xi1>, vector<16xi32>
        %add3A_840 = arith.addi %add3A_816, %select_n3A_839 : vector<16xi32>
        %select_n3A_841 = arith.select %ge3A_836, %broadcast_in_dim3A_575, %broadcast_in_dim3A_577 : vector<16xi1>, vector<16xi32>
        %add3A_842 = arith.addi %add3A_818, %select_n3A_841 : vector<16xi32>
        %scan3A_843 = arith.constant 6 : i32
        %scan3A_844 = arith.addi %scan3A_700, %scan3A_843 : i32
        %mul3A_845 = arith.constant 2 : i32
        %mul3A_846 = arith.muli %mul3A_845, %scan3A_844 : i32
        %mul3A_847 = arith.constant 16 : i32
        %mul3A_848 = arith.muli %mul3A_846, %mul3A_847 : i32
        %get3A_849 = arith.index_cast %mul3A_848 : i32 to index
        %get3A_850 = tpu.vector_load %arg5[%get3A_849] {strides = array<i32>} : memref<32768xf32, #tpu.memory_space<vmem>>, vector<16xf32>,
        %mul3A_851 = arith.constant 2 : i32
        %mul3A_852 = arith.muli %mul3A_851, %scan3A_844 : i32
        %add3A_853 = arith.constant 1 : i32
        %add3A_854 = arith.addi %mul3A_852, %add3A_853 : i32
        %mul3A_855 = arith.constant 16 : i32
        %mul3A_856 = arith.muli %add3A_854, %mul3A_855 : i32
        %get3A_857 = arith.index_cast %mul3A_856 : i32 to index
        %get3A_858 = tpu.vector_load %arg5[%get3A_857] {strides = array<i32>} : memref<32768xf32, #tpu.memory_space<vmem>>, vector<16xf32>,
        %ge3A_859 = arith.cmpf oge, %get3A_850, %add3A_581 : vector<16xf32>
        %ge3A_860 = arith.cmpf oge, %get3A_858, %add3A_581 : vector<16xf32>
        %min3A_861 = arith.minsi %add3A_840, %add3A_570 : vector<16xi32>
        tpu.vector_store_idx %arg6[%min3A_861], %get3A_850 masked %ge3A_859 : memref<1024xf32, #tpu.memory_space<vmem>>[vector<16xi32>], vector<16xf32>, vector<16xi1>
        %min3A_862 = arith.minsi %add3A_842, %add3A_573 : vector<16xi32>
        tpu.vector_store_idx %arg6[%min3A_862], %get3A_858 masked %ge3A_860 : memref<1024xf32, #tpu.memory_space<vmem>>[vector<16xi32>], vector<16xf32>, vector<16xi1>
        %select_n3A_863 = arith.select %ge3A_859, %broadcast_in_dim3A_575, %broadcast_in_dim3A_577 : vector<16xi1>, vector<16xi32>
        %add3A_864 = arith.addi %add3A_840, %select_n3A_863 : vector<16xi32>
        %select_n3A_865 = arith.select %ge3A_860, %broadcast_in_dim3A_575, %broadcast_in_dim3A_577 : vector<16xi1>, vector<16xi32>
        %add3A_866 = arith.addi %add3A_842, %select_n3A_865 : vector<16xi32>
        %scan3A_867 = arith.constant 7 : i32
        %scan3A_868 = arith.addi %scan3A_700, %scan3A_867 : i32
        %mul3A_869 = arith.constant 2 : i32
        %mul3A_870 = arith.muli %mul3A_869, %scan3A_868 : i32
        %mul3A_871 = arith.constant 16 : i32
        %mul3A_872 = arith.muli %mul3A_870, %mul3A_871 : i32
        %get3A_873 = arith.index_cast %mul3A_872 : i32 to index
        %get3A_874 = tpu.vector_load %arg5[%get3A_873] {strides = array<i32>} : memref<32768xf32, #tpu.memory_space<vmem>>, vector<16xf32>,
        %mul3A_875 = arith.constant 2 : i32
        %mul3A_876 = arith.muli %mul3A_875, %scan3A_868 : i32
        %add3A_877 = arith.constant 1 : i32
        %add3A_878 = arith.addi %mul3A_876, %add3A_877 : i32
        %mul3A_879 = arith.constant 16 : i32
        %mul3A_880 = arith.muli %add3A_878, %mul3A_879 : i32
        %get3A_881 = arith.index_cast %mul3A_880 : i32 to index
        %get3A_882 = tpu.vector_load %arg5[%get3A_881] {strides = array<i32>} : memref<32768xf32, #tpu.memory_space<vmem>>, vector<16xf32>,
        %ge3A_883 = arith.cmpf oge, %get3A_874, %add3A_581 : vector<16xf32>
        %ge3A_884 = arith.cmpf oge, %get3A_882, %add3A_581 : vector<16xf32>
        %min3A_885 = arith.minsi %add3A_864, %add3A_570 : vector<16xi32>
        tpu.vector_store_idx %arg6[%min3A_885], %get3A_874 masked %ge3A_883 : memref<1024xf32, #tpu.memory_space<vmem>>[vector<16xi32>], vector<16xf32>, vector<16xi1>
        %min3A_886 = arith.minsi %add3A_866, %add3A_573 : vector<16xi32>
        tpu.vector_store_idx %arg6[%min3A_886], %get3A_882 masked %ge3A_884 : memref<1024xf32, #tpu.memory_space<vmem>>[vector<16xi32>], vector<16xf32>, vector<16xi1>
        %select_n3A_887 = arith.select %ge3A_883, %broadcast_in_dim3A_575, %broadcast_in_dim3A_577 : vector<16xi1>, vector<16xi32>
        %add3A_888 = arith.addi %add3A_864, %select_n3A_887 : vector<16xi32>
        %select_n3A_889 = arith.select %ge3A_884, %broadcast_in_dim3A_575, %broadcast_in_dim3A_577 : vector<16xi1>, vector<16xi32>
        %add3A_890 = arith.addi %add3A_866, %select_n3A_889 : vector<16xi32>
        scf.yield %add3A_888, %add3A_890 : vector<16xi32>, vector<16xi32>
      }
      %scan3A_587 = arith.constant 1024 : i32
      %sub3A_588 = arith.subi %scan3A_586#0, %iota3A_564 : vector<16xi32>
      %reduce_max3A_589 = arith.constant true
      %reduce_max3A_590 = vector.broadcast %reduce_max3A_589 : i1 to vector<16xi1>
      %reduce_max3A_591 = arith.constant -2147483648 : i32
      %reduce_max3A_592 = vector.broadcast %reduce_max3A_591 : i32 to vector<16xi32>
      %reduce_max3A_593 = arith.xori %sub3A_588, %reduce_max3A_592 : vector<16xi32>
      %reduce_max3A_594 = tpu.scan <max>, %reduce_max3A_593 masked %reduce_max3A_590 : vector<16xi32>, vector<16xi1> -> vector<16xi32>
      %reduce_max3A_595 = arith.xori %reduce_max3A_594, %reduce_max3A_592 : vector<16xi32>
      %reduce_max3A_596 = vector.extract %reduce_max3A_595[15] : i32 from vector<16xi32>
      %jit3A_597 = arith.constant 16 : i32
      %div3A_598 = arith.divsi %reduce_max3A_596, %jit3A_597 : i32
      %sign3A_599 = arith.constant 0 : i32
      %sign3A_600 = arith.cmpi sgt, %reduce_max3A_596, %sign3A_599 : i32
      %sign3A_601 = arith.extui %sign3A_600 : i1 to i32
      %sign3A_602 = arith.constant 0 : i32
      %sign3A_603 = arith.cmpi slt, %reduce_max3A_596, %sign3A_602 : i32
      %sign3A_604 = arith.extui %sign3A_603 : i1 to i32
      %sign3A_605 = arith.subi %sign3A_601, %sign3A_604 : i32
      %sign3A_606 = arith.constant 0 : i32
      %sign3A_607 = arith.cmpi sgt, %jit3A_597, %sign3A_606 : i32
      %sign3A_608 = arith.extui %sign3A_607 : i1 to i32
      %sign3A_609 = arith.constant 0 : i32
      %sign3A_610 = arith.cmpi slt, %jit3A_597, %sign3A_609 : i32
      %sign3A_611 = arith.extui %sign3A_610 : i1 to i32
      %sign3A_612 = arith.subi %sign3A_608, %sign3A_611 : i32
      %ne3A_613 = arith.cmpi ne, %sign3A_605, %sign3A_612 : i32
      %rem3A_614 = arith.remsi %reduce_max3A_596, %jit3A_597 : i32
      %ne3A_615 = arith.constant 0 : i32
      %ne3A_616 = arith.cmpi ne, %rem3A_614, %ne3A_615 : i32
      %and3A_617 = arith.andi %ne3A_613, %ne3A_616 : i1
      %sub3A_618 = arith.constant 1 : i32
      %sub3A_619 = arith.subi %div3A_598, %sub3A_618 : i32
      %select_n3A_620 = arith.select %and3A_617, %sub3A_619, %div3A_598 : i32
      %min3A_621 = arith.constant 32 : i32
      %min3A_622 = arith.minsi %select_n3A_620, %min3A_621 : i32
      %sub3A_623 = arith.subi %scan3A_586#1, %add3A_567 : vector<16xi32>
      %reduce_max3A_624 = arith.constant true
      %reduce_max3A_625 = vector.broadcast %reduce_max3A_624 : i1 to vector<16xi1>
      %reduce_max3A_626 = arith.constant -2147483648 : i32
      %reduce_max3A_627 = vector.broadcast %reduce_max3A_626 : i32 to vector<16xi32>
      %reduce_max3A_628 = arith.xori %sub3A_623, %reduce_max3A_627 : vector<16xi32>
      %reduce_max3A_629 = tpu.scan <max>, %reduce_max3A_628 masked %reduce_max3A_625 : vector<16xi32>, vector<16xi1> -> vector<16xi32>
      %reduce_max3A_630 = arith.xori %reduce_max3A_629, %reduce_max3A_627 : vector<16xi32>
      %reduce_max3A_631 = vector.extract %reduce_max3A_630[15] : i32 from vector<16xi32>
      %jit3A_632 = arith.constant 16 : i32
      %div3A_633 = arith.divsi %reduce_max3A_631, %jit3A_632 : i32
      %sign3A_634 = arith.constant 0 : i32
      %sign3A_635 = arith.cmpi sgt, %reduce_max3A_631, %sign3A_634 : i32
      %sign3A_636 = arith.extui %sign3A_635 : i1 to i32
      %sign3A_637 = arith.constant 0 : i32
      %sign3A_638 = arith.cmpi slt, %reduce_max3A_631, %sign3A_637 : i32
      %sign3A_639 = arith.extui %sign3A_638 : i1 to i32
      %sign3A_640 = arith.subi %sign3A_636, %sign3A_639 : i32
      %sign3A_641 = arith.constant 0 : i32
      %sign3A_642 = arith.cmpi sgt, %jit3A_632, %sign3A_641 : i32
      %sign3A_643 = arith.extui %sign3A_642 : i1 to i32
      %sign3A_644 = arith.constant 0 : i32
      %sign3A_645 = arith.cmpi slt, %jit3A_632, %sign3A_644 : i32
      %sign3A_646 = arith.extui %sign3A_645 : i1 to i32
      %sign3A_647 = arith.subi %sign3A_643, %sign3A_646 : i32
      %ne3A_648 = arith.cmpi ne, %sign3A_640, %sign3A_647 : i32
      %rem3A_649 = arith.remsi %reduce_max3A_631, %jit3A_632 : i32
      %ne3A_650 = arith.constant 0 : i32
      %ne3A_651 = arith.cmpi ne, %rem3A_649, %ne3A_650 : i32
      %and3A_652 = arith.andi %ne3A_648, %ne3A_651 : i1
      %sub3A_653 = arith.constant 1 : i32
      %sub3A_654 = arith.subi %div3A_633, %sub3A_653 : i32
      %select_n3A_655 = arith.select %and3A_652, %sub3A_654, %div3A_633 : i32
      %min3A_656 = arith.constant 32 : i32
      %min3A_657 = arith.minsi %select_n3A_655, %min3A_656 : i32
      %while3A_658 = arith.constant 0 : i32
      %while3A_659 = arith.constant 0xFF800000 : f32
      %while3A_660 = arith.subi %min3A_622, %while3A_658 : i32
      %while3A_661 = arith.addi %while3A_658, %while3A_660 : i32
      %while3A_662 = arith.constant 1 : i32
      %while3A_663 = arith.divsi %while3A_660, %while3A_662 : i32
      %while3A_664 = arith.muli %while3A_663, %while3A_662 : i32
      %while3A_665 = arith.addi %while3A_658, %while3A_664 : i32
      %while3A_666 = arith.constant 1 : i32
      %while3A_667:5 = scf.for %while3A_700 = %while3A_658 to %while3A_665 step %while3A_666 iter_args(%while3A_701 = %broadcast_in_dim3A_361, %while3A_702 = %broadcast_in_dim3A_361, %while3A_703 = %broadcast_in_dim3A_361, %while3A_704 = %broadcast_in_dim3A_361, %while3A_705 = %while3A_659) -> (vector<16xf32>, vector<16xf32>, vector<16xf32>, vector<16xf32>, f32)  : i32 {
        %add3A_706 = arith.constant 0 : i32
        %add3A_707 = arith.addi %add3A_706, %while3A_700 : i32
        %mul3A_708 = arith.constant 16 : i32
        %mul3A_709 = arith.muli %add3A_707, %mul3A_708 : i32
        %get3A = arith.index_cast %mul3A_709 : i32 to index
        %get3A_710 = tpu.vector_load %arg6[%get3A] {strides = array<i32>} : memref<1024xf32, #tpu.memory_space<vmem>>, vector<16xf32>,
        %reduce_max3A_711 = arith.constant true
        %reduce_max3A_712 = vector.broadcast %reduce_max3A_711 : i1 to vector<16xi1>
        %reduce_max3A_713 = tpu.scan <max>, %get3A_710 masked %reduce_max3A_712 : vector<16xf32>, vector<16xi1> -> vector<16xf32>
        %reduce_max3A_714 = vector.extract %reduce_max3A_713[15] : f32 from vector<16xf32>
        %ge3A = arith.cmpf oge, %reduce_max3A_714, %while3A_705 : f32
        %convert_element_type3A_715 = arith.extui %ge3A : i1 to i32
        %cond3A_716 = arith.constant 0 : i32
        %cond3A_717 = arith.cmpi ne, %convert_element_type3A_715, %cond3A_716 : i32
        %cond3A_718:5 = scf.if %cond3A_717 -> (vector<16xf32>, vector<16xf32>, vector<16xf32>, vector<16xf32>, f32) {
          %masked_sort3A_719 = arith.constant dense<true> : vector<16xi1>
          %masked_sort3A_720, %masked_sort3A_721, %masked_sort3A_722 = tpu.sort %get3A_710, %get3A_710 masked %masked_sort3A_719 {descending = true} : (vector<16xf32>, vector<16xf32>, vector<16xi1>) -> (vector<16xi1>, vector<16xf32>, vector<16xf32>)
          %rev3A_723 = arith.constant 15 : i32
          %rev3A_724 = vector.broadcast %rev3A_723 : i32 to vector<16xi32>
          %rev3A_725 = tpu.iota {dimensions = array<i32: 0>} : vector<16xi32>
          %rev3A_726 = arith.subi %rev3A_724, %rev3A_725 : vector<16xi32>
          %rev3A_727 = tpu.dynamic_gather %masked_sort3A_721[%rev3A_726] in [0] : vector<16xf32>, vector<16xi32> -> vector<16xf32>
          %max3A_728 = arith.maximumf %while3A_704, %rev3A_727 : vector<16xf32>
          %max3A_729 = arith.maximumf %while3A_701, %while3A_703 : vector<16xf32>
          %min3A_730 = arith.minimumf %while3A_701, %while3A_703 : vector<16xf32>
          %max3A_731 = arith.maximumf %while3A_702, %max3A_728 : vector<16xf32>
          %min3A_732 = arith.minimumf %while3A_702, %max3A_728 : vector<16xf32>
          %max3A_733 = arith.maximumf %max3A_729, %max3A_731 : vector<16xf32>
          %min3A_734 = arith.minimumf %max3A_729, %max3A_731 : vector<16xf32>
          %max3A_735 = arith.maximumf %min3A_730, %min3A_732 : vector<16xf32>
          %min3A_736 = arith.minimumf %min3A_730, %min3A_732 : vector<16xf32>
          %masked_sort3A_737 = arith.constant dense<true> : vector<16xi1>
          %masked_sort3A_738, %masked_sort3A_739, %masked_sort3A_740 = tpu.sort %max3A_733, %max3A_733 masked %masked_sort3A_737 {descending = true} : (vector<16xf32>, vector<16xf32>, vector<16xi1>) -> (vector<16xi1>, vector<16xf32>, vector<16xf32>)
          %masked_sort3A_741 = arith.constant dense<true> : vector<16xi1>
          %masked_sort3A_742, %masked_sort3A_743, %masked_sort3A_744 = tpu.sort %min3A_734, %min3A_734 masked %masked_sort3A_741 {descending = true} : (vector<16xf32>, vector<16xf32>, vector<16xi1>) -> (vector<16xi1>, vector<16xf32>, vector<16xf32>)
          %masked_sort3A_745 = arith.constant dense<true> : vector<16xi1>
          %masked_sort3A_746, %masked_sort3A_747, %masked_sort3A_748 = tpu.sort %max3A_735, %max3A_735 masked %masked_sort3A_745 {descending = true} : (vector<16xf32>, vector<16xf32>, vector<16xi1>) -> (vector<16xi1>, vector<16xf32>, vector<16xf32>)
          %masked_sort3A_749 = arith.constant dense<true> : vector<16xi1>
          %masked_sort3A_750, %masked_sort3A_751, %masked_sort3A_752 = tpu.sort %min3A_736, %min3A_736 masked %masked_sort3A_749 {descending = true} : (vector<16xf32>, vector<16xf32>, vector<16xi1>) -> (vector<16xi1>, vector<16xf32>, vector<16xf32>)
          %reduce_min3A_753 = arith.constant true
          %reduce_min3A_754 = vector.broadcast %reduce_min3A_753 : i1 to vector<16xi1>
          %reduce_min3A_755 = tpu.scan <min>, %masked_sort3A_751 masked %reduce_min3A_754 : vector<16xf32>, vector<16xi1> -> vector<16xf32>
          %reduce_min3A_756 = vector.extract %reduce_min3A_755[15] : f32 from vector<16xf32>
          scf.yield %masked_sort3A_739, %masked_sort3A_743, %masked_sort3A_747, %masked_sort3A_751, %reduce_min3A_756 : vector<16xf32>, vector<16xf32>, vector<16xf32>, vector<16xf32>, f32
        } else {
          scf.yield %while3A_701, %while3A_702, %while3A_703, %while3A_704, %while3A_705 : vector<16xf32>, vector<16xf32>, vector<16xf32>, vector<16xf32>, f32
        }
        scf.yield %cond3A_718#0, %cond3A_718#1, %cond3A_718#2, %cond3A_718#3, %cond3A_718#4 : vector<16xf32>, vector<16xf32>, vector<16xf32>, vector<16xf32>, f32
      }
      %while3A_668 = arith.constant 1 : i32
      %while3A_669:5 = scf.for %while3A_700 = %while3A_665 to %while3A_661 step %while3A_668 iter_args(%while3A_701 = %while3A_667#0, %while3A_702 = %while3A_667#1, %while3A_703 = %while3A_667#2, %while3A_704 = %while3A_667#3, %while3A_705 = %while3A_667#4) -> (vector<16xf32>, vector<16xf32>, vector<16xf32>, vector<16xf32>, f32)  : i32 {
        %add3A_706 = arith.constant 0 : i32
        %add3A_707 = arith.addi %add3A_706, %while3A_700 : i32
        %mul3A_708 = arith.constant 16 : i32
        %mul3A_709 = arith.muli %add3A_707, %mul3A_708 : i32
        %get3A = arith.index_cast %mul3A_709 : i32 to index
        %get3A_710 = tpu.vector_load %arg6[%get3A] {strides = array<i32>} : memref<1024xf32, #tpu.memory_space<vmem>>, vector<16xf32>,
        %reduce_max3A_711 = arith.constant true
        %reduce_max3A_712 = vector.broadcast %reduce_max3A_711 : i1 to vector<16xi1>
        %reduce_max3A_713 = tpu.scan <max>, %get3A_710 masked %reduce_max3A_712 : vector<16xf32>, vector<16xi1> -> vector<16xf32>
        %reduce_max3A_714 = vector.extract %reduce_max3A_713[15] : f32 from vector<16xf32>
        %ge3A = arith.cmpf oge, %reduce_max3A_714, %while3A_705 : f32
        %convert_element_type3A_715 = arith.extui %ge3A : i1 to i32
        %cond3A_716 = arith.constant 0 : i32
        %cond3A_717 = arith.cmpi ne, %convert_element_type3A_715, %cond3A_716 : i32
        %cond3A_718:5 = scf.if %cond3A_717 -> (vector<16xf32>, vector<16xf32>, vector<16xf32>, vector<16xf32>, f32) {
          %masked_sort3A_719 = arith.constant dense<true> : vector<16xi1>
          %masked_sort3A_720, %masked_sort3A_721, %masked_sort3A_722 = tpu.sort %get3A_710, %get3A_710 masked %masked_sort3A_719 {descending = true} : (vector<16xf32>, vector<16xf32>, vector<16xi1>) -> (vector<16xi1>, vector<16xf32>, vector<16xf32>)
          %rev3A_723 = arith.constant 15 : i32
          %rev3A_724 = vector.broadcast %rev3A_723 : i32 to vector<16xi32>
          %rev3A_725 = tpu.iota {dimensions = array<i32: 0>} : vector<16xi32>
          %rev3A_726 = arith.subi %rev3A_724, %rev3A_725 : vector<16xi32>
          %rev3A_727 = tpu.dynamic_gather %masked_sort3A_721[%rev3A_726] in [0] : vector<16xf32>, vector<16xi32> -> vector<16xf32>
          %max3A_728 = arith.maximumf %while3A_704, %rev3A_727 : vector<16xf32>
          %max3A_729 = arith.maximumf %while3A_701, %while3A_703 : vector<16xf32>
          %min3A_730 = arith.minimumf %while3A_701, %while3A_703 : vector<16xf32>
          %max3A_731 = arith.maximumf %while3A_702, %max3A_728 : vector<16xf32>
          %min3A_732 = arith.minimumf %while3A_702, %max3A_728 : vector<16xf32>
          %max3A_733 = arith.maximumf %max3A_729, %max3A_731 : vector<16xf32>
          %min3A_734 = arith.minimumf %max3A_729, %max3A_731 : vector<16xf32>
          %max3A_735 = arith.maximumf %min3A_730, %min3A_732 : vector<16xf32>
          %min3A_736 = arith.minimumf %min3A_730, %min3A_732 : vector<16xf32>
          %masked_sort3A_737 = arith.constant dense<true> : vector<16xi1>
          %masked_sort3A_738, %masked_sort3A_739, %masked_sort3A_740 = tpu.sort %max3A_733, %max3A_733 masked %masked_sort3A_737 {descending = true} : (vector<16xf32>, vector<16xf32>, vector<16xi1>) -> (vector<16xi1>, vector<16xf32>, vector<16xf32>)
          %masked_sort3A_741 = arith.constant dense<true> : vector<16xi1>
          %masked_sort3A_742, %masked_sort3A_743, %masked_sort3A_744 = tpu.sort %min3A_734, %min3A_734 masked %masked_sort3A_741 {descending = true} : (vector<16xf32>, vector<16xf32>, vector<16xi1>) -> (vector<16xi1>, vector<16xf32>, vector<16xf32>)
          %masked_sort3A_745 = arith.constant dense<true> : vector<16xi1>
          %masked_sort3A_746, %masked_sort3A_747, %masked_sort3A_748 = tpu.sort %max3A_735, %max3A_735 masked %masked_sort3A_745 {descending = true} : (vector<16xf32>, vector<16xf32>, vector<16xi1>) -> (vector<16xi1>, vector<16xf32>, vector<16xf32>)
          %masked_sort3A_749 = arith.constant dense<true> : vector<16xi1>
          %masked_sort3A_750, %masked_sort3A_751, %masked_sort3A_752 = tpu.sort %min3A_736, %min3A_736 masked %masked_sort3A_749 {descending = true} : (vector<16xf32>, vector<16xf32>, vector<16xi1>) -> (vector<16xi1>, vector<16xf32>, vector<16xf32>)
          %reduce_min3A_753 = arith.constant true
          %reduce_min3A_754 = vector.broadcast %reduce_min3A_753 : i1 to vector<16xi1>
          %reduce_min3A_755 = tpu.scan <min>, %masked_sort3A_751 masked %reduce_min3A_754 : vector<16xf32>, vector<16xi1> -> vector<16xf32>
          %reduce_min3A_756 = vector.extract %reduce_min3A_755[15] : f32 from vector<16xf32>
          scf.yield %masked_sort3A_739, %masked_sort3A_743, %masked_sort3A_747, %masked_sort3A_751, %reduce_min3A_756 : vector<16xf32>, vector<16xf32>, vector<16xf32>, vector<16xf32>, f32
        } else {
          scf.yield %while3A_701, %while3A_702, %while3A_703, %while3A_704, %while3A_705 : vector<16xf32>, vector<16xf32>, vector<16xf32>, vector<16xf32>, f32
        }
        scf.yield %cond3A_718#0, %cond3A_718#1, %cond3A_718#2, %cond3A_718#3, %cond3A_718#4 : vector<16xf32>, vector<16xf32>, vector<16xf32>, vector<16xf32>, f32
      }
      %while3A_670 = arith.constant 0 : i32
      %while3A_671 = arith.subi %min3A_657, %while3A_670 : i32
      %while3A_672 = arith.addi %while3A_670, %while3A_671 : i32
      %while3A_673 = arith.constant 1 : i32
      %while3A_674 = arith.divsi %while3A_671, %while3A_673 : i32
      %while3A_675 = arith.muli %while3A_674, %while3A_673 : i32
      %while3A_676 = arith.addi %while3A_670, %while3A_675 : i32
      %while3A_677 = arith.constant 1 : i32
      %while3A_678:5 = scf.for %while3A_700 = %while3A_670 to %while3A_676 step %while3A_677 iter_args(%while3A_701 = %while3A_669#0, %while3A_702 = %while3A_669#1, %while3A_703 = %while3A_669#2, %while3A_704 = %while3A_669#3, %while3A_705 = %while3A_669#4) -> (vector<16xf32>, vector<16xf32>, vector<16xf32>, vector<16xf32>, f32)  : i32 {
        %add3A_706 = arith.constant 32 : i32
        %add3A_707 = arith.addi %add3A_706, %while3A_700 : i32
        %mul3A_708 = arith.constant 16 : i32
        %mul3A_709 = arith.muli %add3A_707, %mul3A_708 : i32
        %get3A = arith.index_cast %mul3A_709 : i32 to index
        %get3A_710 = tpu.vector_load %arg6[%get3A] {strides = array<i32>} : memref<1024xf32, #tpu.memory_space<vmem>>, vector<16xf32>,
        %reduce_max3A_711 = arith.constant true
        %reduce_max3A_712 = vector.broadcast %reduce_max3A_711 : i1 to vector<16xi1>
        %reduce_max3A_713 = tpu.scan <max>, %get3A_710 masked %reduce_max3A_712 : vector<16xf32>, vector<16xi1> -> vector<16xf32>
        %reduce_max3A_714 = vector.extract %reduce_max3A_713[15] : f32 from vector<16xf32>
        %ge3A = arith.cmpf oge, %reduce_max3A_714, %while3A_705 : f32
        %convert_element_type3A_715 = arith.extui %ge3A : i1 to i32
        %cond3A_716 = arith.constant 0 : i32
        %cond3A_717 = arith.cmpi ne, %convert_element_type3A_715, %cond3A_716 : i32
        %cond3A_718:5 = scf.if %cond3A_717 -> (vector<16xf32>, vector<16xf32>, vector<16xf32>, vector<16xf32>, f32) {
          %masked_sort3A_719 = arith.constant dense<true> : vector<16xi1>
          %masked_sort3A_720, %masked_sort3A_721, %masked_sort3A_722 = tpu.sort %get3A_710, %get3A_710 masked %masked_sort3A_719 {descending = true} : (vector<16xf32>, vector<16xf32>, vector<16xi1>) -> (vector<16xi1>, vector<16xf32>, vector<16xf32>)
          %rev3A_723 = arith.constant 15 : i32
          %rev3A_724 = vector.broadcast %rev3A_723 : i32 to vector<16xi32>
          %rev3A_725 = tpu.iota {dimensions = array<i32: 0>} : vector<16xi32>
          %rev3A_726 = arith.subi %rev3A_724, %rev3A_725 : vector<16xi32>
          %rev3A_727 = tpu.dynamic_gather %masked_sort3A_721[%rev3A_726] in [0] : vector<16xf32>, vector<16xi32> -> vector<16xf32>
          %max3A_728 = arith.maximumf %while3A_704, %rev3A_727 : vector<16xf32>
          %max3A_729 = arith.maximumf %while3A_701, %while3A_703 : vector<16xf32>
          %min3A_730 = arith.minimumf %while3A_701, %while3A_703 : vector<16xf32>
          %max3A_731 = arith.maximumf %while3A_702, %max3A_728 : vector<16xf32>
          %min3A_732 = arith.minimumf %while3A_702, %max3A_728 : vector<16xf32>
          %max3A_733 = arith.maximumf %max3A_729, %max3A_731 : vector<16xf32>
          %min3A_734 = arith.minimumf %max3A_729, %max3A_731 : vector<16xf32>
          %max3A_735 = arith.maximumf %min3A_730, %min3A_732 : vector<16xf32>
          %min3A_736 = arith.minimumf %min3A_730, %min3A_732 : vector<16xf32>
          %masked_sort3A_737 = arith.constant dense<true> : vector<16xi1>
          %masked_sort3A_738, %masked_sort3A_739, %masked_sort3A_740 = tpu.sort %max3A_733, %max3A_733 masked %masked_sort3A_737 {descending = true} : (vector<16xf32>, vector<16xf32>, vector<16xi1>) -> (vector<16xi1>, vector<16xf32>, vector<16xf32>)
          %masked_sort3A_741 = arith.constant dense<true> : vector<16xi1>
          %masked_sort3A_742, %masked_sort3A_743, %masked_sort3A_744 = tpu.sort %min3A_734, %min3A_734 masked %masked_sort3A_741 {descending = true} : (vector<16xf32>, vector<16xf32>, vector<16xi1>) -> (vector<16xi1>, vector<16xf32>, vector<16xf32>)
          %masked_sort3A_745 = arith.constant dense<true> : vector<16xi1>
          %masked_sort3A_746, %masked_sort3A_747, %masked_sort3A_748 = tpu.sort %max3A_735, %max3A_735 masked %masked_sort3A_745 {descending = true} : (vector<16xf32>, vector<16xf32>, vector<16xi1>) -> (vector<16xi1>, vector<16xf32>, vector<16xf32>)
          %masked_sort3A_749 = arith.constant dense<true> : vector<16xi1>
          %masked_sort3A_750, %masked_sort3A_751, %masked_sort3A_752 = tpu.sort %min3A_736, %min3A_736 masked %masked_sort3A_749 {descending = true} : (vector<16xf32>, vector<16xf32>, vector<16xi1>) -> (vector<16xi1>, vector<16xf32>, vector<16xf32>)
          %reduce_min3A_753 = arith.constant true
          %reduce_min3A_754 = vector.broadcast %reduce_min3A_753 : i1 to vector<16xi1>
          %reduce_min3A_755 = tpu.scan <min>, %masked_sort3A_751 masked %reduce_min3A_754 : vector<16xf32>, vector<16xi1> -> vector<16xf32>
          %reduce_min3A_756 = vector.extract %reduce_min3A_755[15] : f32 from vector<16xf32>
          scf.yield %masked_sort3A_739, %masked_sort3A_743, %masked_sort3A_747, %masked_sort3A_751, %reduce_min3A_756 : vector<16xf32>, vector<16xf32>, vector<16xf32>, vector<16xf32>, f32
        } else {
          scf.yield %while3A_701, %while3A_702, %while3A_703, %while3A_704, %while3A_705 : vector<16xf32>, vector<16xf32>, vector<16xf32>, vector<16xf32>, f32
        }
        scf.yield %cond3A_718#0, %cond3A_718#1, %cond3A_718#2, %cond3A_718#3, %cond3A_718#4 : vector<16xf32>, vector<16xf32>, vector<16xf32>, vector<16xf32>, f32
      }
      %while3A_679 = arith.constant 1 : i32
      %while3A_680:5 = scf.for %while3A_700 = %while3A_676 to %while3A_672 step %while3A_679 iter_args(%while3A_701 = %while3A_678#0, %while3A_702 = %while3A_678#1, %while3A_703 = %while3A_678#2, %while3A_704 = %while3A_678#3, %while3A_705 = %while3A_678#4) -> (vector<16xf32>, vector<16xf32>, vector<16xf32>, vector<16xf32>, f32)  : i32 {
        %add3A_706 = arith.constant 32 : i32
        %add3A_707 = arith.addi %add3A_706, %while3A_700 : i32
        %mul3A_708 = arith.constant 16 : i32
        %mul3A_709 = arith.muli %add3A_707, %mul3A_708 : i32
        %get3A = arith.index_cast %mul3A_709 : i32 to index
        %get3A_710 = tpu.vector_load %arg6[%get3A] {strides = array<i32>} : memref<1024xf32, #tpu.memory_space<vmem>>, vector<16xf32>,
        %reduce_max3A_711 = arith.constant true
        %reduce_max3A_712 = vector.broadcast %reduce_max3A_711 : i1 to vector<16xi1>
        %reduce_max3A_713 = tpu.scan <max>, %get3A_710 masked %reduce_max3A_712 : vector<16xf32>, vector<16xi1> -> vector<16xf32>
        %reduce_max3A_714 = vector.extract %reduce_max3A_713[15] : f32 from vector<16xf32>
        %ge3A = arith.cmpf oge, %reduce_max3A_714, %while3A_705 : f32
        %convert_element_type3A_715 = arith.extui %ge3A : i1 to i32
        %cond3A_716 = arith.constant 0 : i32
        %cond3A_717 = arith.cmpi ne, %convert_element_type3A_715, %cond3A_716 : i32
        %cond3A_718:5 = scf.if %cond3A_717 -> (vector<16xf32>, vector<16xf32>, vector<16xf32>, vector<16xf32>, f32) {
          %masked_sort3A_719 = arith.constant dense<true> : vector<16xi1>
          %masked_sort3A_720, %masked_sort3A_721, %masked_sort3A_722 = tpu.sort %get3A_710, %get3A_710 masked %masked_sort3A_719 {descending = true} : (vector<16xf32>, vector<16xf32>, vector<16xi1>) -> (vector<16xi1>, vector<16xf32>, vector<16xf32>)
          %rev3A_723 = arith.constant 15 : i32
          %rev3A_724 = vector.broadcast %rev3A_723 : i32 to vector<16xi32>
          %rev3A_725 = tpu.iota {dimensions = array<i32: 0>} : vector<16xi32>
          %rev3A_726 = arith.subi %rev3A_724, %rev3A_725 : vector<16xi32>
          %rev3A_727 = tpu.dynamic_gather %masked_sort3A_721[%rev3A_726] in [0] : vector<16xf32>, vector<16xi32> -> vector<16xf32>
          %max3A_728 = arith.maximumf %while3A_704, %rev3A_727 : vector<16xf32>
          %max3A_729 = arith.maximumf %while3A_701, %while3A_703 : vector<16xf32>
          %min3A_730 = arith.minimumf %while3A_701, %while3A_703 : vector<16xf32>
          %max3A_731 = arith.maximumf %while3A_702, %max3A_728 : vector<16xf32>
          %min3A_732 = arith.minimumf %while3A_702, %max3A_728 : vector<16xf32>
          %max3A_733 = arith.maximumf %max3A_729, %max3A_731 : vector<16xf32>
          %min3A_734 = arith.minimumf %max3A_729, %max3A_731 : vector<16xf32>
          %max3A_735 = arith.maximumf %min3A_730, %min3A_732 : vector<16xf32>
          %min3A_736 = arith.minimumf %min3A_730, %min3A_732 : vector<16xf32>
          %masked_sort3A_737 = arith.constant dense<true> : vector<16xi1>
          %masked_sort3A_738, %masked_sort3A_739, %masked_sort3A_740 = tpu.sort %max3A_733, %max3A_733 masked %masked_sort3A_737 {descending = true} : (vector<16xf32>, vector<16xf32>, vector<16xi1>) -> (vector<16xi1>, vector<16xf32>, vector<16xf32>)
          %masked_sort3A_741 = arith.constant dense<true> : vector<16xi1>
          %masked_sort3A_742, %masked_sort3A_743, %masked_sort3A_744 = tpu.sort %min3A_734, %min3A_734 masked %masked_sort3A_741 {descending = true} : (vector<16xf32>, vector<16xf32>, vector<16xi1>) -> (vector<16xi1>, vector<16xf32>, vector<16xf32>)
          %masked_sort3A_745 = arith.constant dense<true> : vector<16xi1>
          %masked_sort3A_746, %masked_sort3A_747, %masked_sort3A_748 = tpu.sort %max3A_735, %max3A_735 masked %masked_sort3A_745 {descending = true} : (vector<16xf32>, vector<16xf32>, vector<16xi1>) -> (vector<16xi1>, vector<16xf32>, vector<16xf32>)
          %masked_sort3A_749 = arith.constant dense<true> : vector<16xi1>
          %masked_sort3A_750, %masked_sort3A_751, %masked_sort3A_752 = tpu.sort %min3A_736, %min3A_736 masked %masked_sort3A_749 {descending = true} : (vector<16xf32>, vector<16xf32>, vector<16xi1>) -> (vector<16xi1>, vector<16xf32>, vector<16xf32>)
          %reduce_min3A_753 = arith.constant true
          %reduce_min3A_754 = vector.broadcast %reduce_min3A_753 : i1 to vector<16xi1>
          %reduce_min3A_755 = tpu.scan <min>, %masked_sort3A_751 masked %reduce_min3A_754 : vector<16xf32>, vector<16xi1> -> vector<16xf32>
          %reduce_min3A_756 = vector.extract %reduce_min3A_755[15] : f32 from vector<16xf32>
          scf.yield %masked_sort3A_739, %masked_sort3A_743, %masked_sort3A_747, %masked_sort3A_751, %reduce_min3A_756 : vector<16xf32>, vector<16xf32>, vector<16xf32>, vector<16xf32>, f32
        } else {
          scf.yield %while3A_701, %while3A_702, %while3A_703, %while3A_704, %while3A_705 : vector<16xf32>, vector<16xf32>, vector<16xf32>, vector<16xf32>, f32
        }
        scf.yield %cond3A_718#0, %cond3A_718#1, %cond3A_718#2, %cond3A_718#3, %cond3A_718#4 : vector<16xf32>, vector<16xf32>, vector<16xf32>, vector<16xf32>, f32
      }
      %swap3A_681 = arith.index_cast %add3A_359 : i32 to index
      %swap3A_682 = arith.constant 0 : index
      %swap3A_683 = tpu.vector_load %arg7[%swap3A_681, %swap3A_682] {strides = array<i32>} : memref<64x64xf32, #tpu.memory_space<vmem>>, vector<16xf32>,
      tpu.vector_store %arg7[%swap3A_681, %swap3A_682], %while3A_680#0 {strides = array<i32>} : memref<64x64xf32, #tpu.memory_space<vmem>>, vector<16xf32>,
      %swap3A_684 = arith.index_cast %add3A_359 : i32 to index
      %swap3A_685 = arith.constant 16 : index
      %swap3A_686 = tpu.vector_load %arg7[%swap3A_684, %swap3A_685] {strides = array<i32>} : memref<64x64xf32, #tpu.memory_space<vmem>>, vector<16xf32>,
      tpu.vector_store %arg7[%swap3A_684, %swap3A_685], %while3A_680#1 {strides = array<i32>} : memref<64x64xf32, #tpu.memory_space<vmem>>, vector<16xf32>,
      %swap3A_687 = arith.index_cast %add3A_359 : i32 to index
      %swap3A_688 = arith.constant 32 : index
      %swap3A_689 = tpu.vector_load %arg7[%swap3A_687, %swap3A_688] {strides = array<i32>} : memref<64x64xf32, #tpu.memory_space<vmem>>, vector<16xf32>,
      tpu.vector_store %arg7[%swap3A_687, %swap3A_688], %while3A_680#2 {strides = array<i32>} : memref<64x64xf32, #tpu.memory_space<vmem>>, vector<16xf32>,
      %swap3A_690 = arith.index_cast %add3A_359 : i32 to index
      %swap3A_691 = arith.constant 48 : index
      %swap3A_692 = tpu.vector_load %arg7[%swap3A_690, %swap3A_691] {strides = array<i32>} : memref<64x64xf32, #tpu.memory_space<vmem>>, vector<16xf32>,
      tpu.vector_store %arg7[%swap3A_690, %swap3A_691], %while3A_680#3 {strides = array<i32>} : memref<64x64xf32, #tpu.memory_space<vmem>>, vector<16xf32>,
      %add3A_693 = arith.constant 3 : i32
      %add3A_694 = arith.addi %add3A_24, %add3A_693 : i32
      %lt3A_695 = arith.constant 64 : i32
      %lt3A_696 = arith.cmpi slt, %add3A_694, %lt3A_695 : i32
      %convert_element_type3A_697 = arith.extui %lt3A_696 : i1 to i32
      %cond3A_698 = arith.constant 0 : i32
      %cond3A_699 = arith.cmpi ne, %convert_element_type3A_697, %cond3A_698 : i32
      scf.if %cond3A_699 {
        %add3A_700 = arith.constant 2 : i32
        %add3A_701 = arith.addi %add3A_351, %add3A_700 : i32
        %dma_start3A_702 = arith.constant 0 : i32
        %dma_start3A_703 = tpu.memref_slice %arg2[%add3A_701, %dma_start3A_702] : memref<2048x32768xf32, #tpu.memory_space<hbm>> -> memref<1x32768xf32, #tpu.memory_space<hbm>>
        %dma_start3A_704 = tpu.memref_squeeze %dma_start3A_703 : memref<1x32768xf32, #tpu.memory_space<hbm>> -> memref<32768xf32, #tpu.memory_space<hbm>>
        %dma_start3A_705 = arith.constant 0 : i32
        %dma_start3A_706 = tpu.memref_slice %arg2[%add3A_701, %dma_start3A_705] : memref<2048x32768xf32, #tpu.memory_space<hbm>> -> memref<1x32768xf32, #tpu.memory_space<hbm>>
        %dma_start3A_707 = tpu.memref_squeeze %dma_start3A_706 : memref<1x32768xf32, #tpu.memory_space<hbm>> -> memref<32768xf32, #tpu.memory_space<hbm>>
        tpu.enqueue_dma source(%dma_start3A_707 : memref<32768xf32, #tpu.memory_space<hbm>>) target(%arg5 : memref<32768xf32, #tpu.memory_space<vmem>>) target_semaphore(%arg9 : memref<!tpu.dma_semaphore, #tpu.memory_space<semaphore_mem>>)
      } else {
      }
    }
    %scan3A_19 = arith.constant 32 : i32
    "tpu.region"() ({
      %run_scoped3A = tpu.sem_alloc : memref<!tpu.dma_semaphore, #tpu.memory_space<semaphore_mem>>
      %dma_start3A_20 = arith.constant 0 : i32
      %dma_start3A_21 = tpu.memref_slice %arg3[%mul3A_2, %dma_start3A_20] : memref<2048x64xf32, #tpu.memory_space<hbm>> -> memref<64x64xf32, #tpu.memory_space<hbm>>
      %dma_start3A_22 = arith.constant 0 : i32
      %dma_start3A_23 = tpu.memref_slice %arg3[%mul3A_2, %dma_start3A_22] : memref<2048x64xf32, #tpu.memory_space<hbm>> -> memref<64x64xf32, #tpu.memory_space<hbm>>
      tpu.enqueue_dma source(%arg7 : memref<64x64xf32, #tpu.memory_space<vmem>>) target(%dma_start3A_23 : memref<64x64xf32, #tpu.memory_space<hbm>>) target_semaphore(%run_scoped3A : memref<!tpu.dma_semaphore, #tpu.memory_space<semaphore_mem>>)
      %dma_wait3A = arith.constant 0 : i32
      %dma_wait3A_24 = tpu.memref_slice %arg3[%mul3A_2, %dma_wait3A] : memref<2048x64xf32, #tpu.memory_space<hbm>> -> memref<64x64xf32, #tpu.memory_space<hbm>>
      %dma_wait3A_25 = arith.constant 0 : i32
      %dma_wait3A_26 = tpu.memref_slice %arg3[%mul3A_2, %dma_wait3A_25] : memref<2048x64xf32, #tpu.memory_space<hbm>> -> memref<64x64xf32, #tpu.memory_space<hbm>>
      tpu.wait_dma2 semaphore(%run_scoped3A : memref<!tpu.dma_semaphore, #tpu.memory_space<semaphore_mem>>) src(%arg7 : memref<64x64xf32, #tpu.memory_space<vmem>>) dst(%dma_wait3A_26 : memref<64x64xf32, #tpu.memory_space<hbm>>)
      tpu.yield
    }) : () -> ()
    return
  }
}

</mosaic_0001>

<sc_bundles>
// kernel: _topk_sc.3.cloned.1.call-start
scs
__scs_entry_jumppad:
0x0: {  	(pc) =	sbr.rel $0x88, $3  }
0x1: {  	(tag) =	ssettag $0x0;
	lr =	simm.s32 $0x1  }
0x2: {  	[smem:$0x3FA0] =	sst lr;
	_ =	strace $0xD0000000  }
0x3: {  	_ = 	snop  }
0x4: {  	_ = 	snop  }
0x5: {  	_ = 	snop  }
0x6: {  	_ = 	snop  }
0x7: {  	_ = 	snop  }
__scs_overlays_trampoline_lowered:
0x8: {  	[smem:$0x3FAF] =	sst s0  }
0x9: {  	[smem:$0x3FB0] =	sst s1  }
0xa: {  	[smem:$0x3FB1] =	sst s2  }
0xb: {  	[smem:$0x3FB2] =	sst s3  }
0xc: {  	[smem:$0x3FB3] =	sst s4  }
0xd: {  	[smem:$0x3FB4] =	sst s5  }
0xe: {  	[smem:$0x3FB5] =	sst s6  }
0xf: {  	[smem:$0x3FB6] =	sst s7  }
0x10: {  	[smem:$0x3FB7] =	sst s8  }
0x11: {  	[smem:$0x3FB8] =	sst s9;
	s0 =	simm.s32 @!p0 $0x0  }
0x12: {  	s1 =	sld [smem:$0x3F9E];
	s0 =	simm.s32 @p0 $0x1  }
0x13: {  	[smem:$0x3FB9] =	sst s0;
	s0 =	simm.s32 @!p1 $0x0  }
0x14: {  	s2 =	sld [smem:$0x3F9D];
	s0 =	simm.s32 @p1 $0x1  }
0x15: {  	[smem:$0x3FBA] =	sst s0;
	s0 =	simm.s32 @!p2 $0x0  }
0x16: {  	s3 =	sld [smem:$0x3FDB];
	s0 =	simm.s32 @p2 $0x1  }
0x17: {  	s4 =	simm.s32 $0x1BF5;
	[smem:$0x3FBC] =	sst s0  }
0x18: {  	s0 =	sld [smem:$0x3F9F];
	_ =	swait.ge [sflag:s4], $0x0  }
0x19: {  	s7 =	sld [smem:$0x3FA0]  }
0x1a: {  	s8 =	sadd.s32 $0xFFFFE003, lr  }
0x1b: {  	s9 =	sadd.s32 $0xFFFFFEF7, lr;
	s5 =	simm.s32 $0xFFFFFFFF;
	p2 =	slt.u32 s8, $0xFFFFF086  }
0x1c: {  	p1 =	slt.u32 s9, $0xF7A;
	s5 =	simm.s32 @!p2 $0x0  }
0x1d: {  	s5 =	simm.s32 @p1 $0x1;
	p0 =	seq.s32 s7, s2  }
0x1e: {  	s7 =	smul.u32 @!p0 $0xF7A, s2;
	p2 =	seq.s32 @!p0 s5, $0x0  }
0x1f: {  	s9 =	smul.u32 $0xF7A, s1;
	s8 =	simm.s32 @!p0 $0x1BF5;
	p2 =	por !p2, p0  }
0x20: {  	[sflag:s8] =	ssyncset.s32 @!p0 $0xFFFFF086;
	s6 =	sadd.s32 @!p0 s3, s7;
	s7 =	simm.s32 @!p0 $0x108  }
0x21: {  	s3 =	sadd.s32 s3, s9;
	s6 =	sadd.s32 @!p0 $0x88, s6;
	s7 =	simm.s32 @p2 $0x1082  }
0x22: {  	[simem:s7], [sflag:s8] =	dma.local @!p0 [hbm:s6], $0xF7A  }
0x23: {  	s9 =	sor.u32 $0xD0000000, s2;
	s6 =	simm.s32 $0x108;
	_ =	swait.ge @!p0 [sflag:s8], $0x0  }
0x24: {  	s3 =	sadd.s32 $0x88, s3;
	s6 =	simm.s32 @!p1 $0x1082;
	[sflag:s4] =	ssyncset.s32 $0xFFFFF086  }
0x25: {  	[simem:s6], [sflag:s4] =	dma.local [hbm:s3], $0xF7A  }
0x26: {  	[smem:$0x3FA0] =	sst s1;
	(tag) =	ssettag s2;
	_ =	strace s9  }
0x27: {  	s1 =	sld [smem:$0x3FB0]  }
0x28: {  	s2 =	sld [smem:$0x3FB1]  }
0x29: {  	s4 =	sld [smem:$0x3FB3]  }
0x2a: {  	p0 =	seq.s32 s5, $0x0;
	s5 =	sld [smem:$0x3FB4]  }
0x2b: {  	s6 =	sld [smem:$0x3FB5]  }
0x2c: {  	s7 =	sld [smem:$0x3FB6]  }
0x2d: {  	s3 =	simm.s32 $0x108;
	s8 =	sld [smem:$0x3FB7]  }
0x2e: {  	s3 =	simm.s32 @!p0 $0x1082;
	s9 =	sld [smem:$0x3FB8]  }
0x2f: {  	lr =	sadd.s32 s0, s3;
	s0 =	sld [smem:$0x3FAF]  }
0x30: {  	s3 =	sld [smem:$0x3FB2]  }
0x31: {  	[smem:$0x3FBB] =	sst s10  }
0x32: {  	s10 =	sld [smem:$0x3FB9];
	_ =	sdelay $0x3  }
0x33: {  	p0 =	seq.s32 s10, $0x1;
	s10 =	sld [smem:$0x3FBB];
	_ =	sdelay $0x3  }
0x34: {  	[smem:$0x3FBB] =	sst s10  }
0x35: {  	s10 =	sld [smem:$0x3FBA];
	_ =	sdelay $0x3  }
0x36: {  	p1 =	seq.s32 s10, $0x1;
	s10 =	sld [smem:$0x3FBB];
	_ =	sdelay $0x3  }
0x37: {  	[smem:$0x3FBB] =	sst s10  }
0x38: {  	s10 =	sld [smem:$0x3FBC]  }
0x39: {  	_ = 	snop;
	(pc) =	sbr.ind lr, $3  }
0x3a: {  	_ = 	snop  }
0x3b: {  	_ = 	snop  }
0x3c: {  	p2 =	seq.s32 s10, $0x1;
	s10 =	sld [smem:$0x3FBB]  }
0x3d: {  	_ =	shalt  }
0x3e: {  	_ =	shalt  }
0x3f: {  	_ =	shalt  }
0x40: {  	_ =	shalt  }
0x41: {  	_ =	shalt  }
0x42: {  	_ =	shalt  }
0x43: {  	_ =	shalt  }
0x44: {  	_ =	shalt  }
0x45: {  	_ =	shalt  }
0x46: {  	_ =	shalt  }
0x47: {  	_ =	shalt  }
0x48: {  	_ =	shalt  }
0x49: {  	_ =	shalt  }
0x4a: {  	_ =	shalt  }
0x4b: {  	_ =	shalt  }
0x4c: {  	_ =	shalt  }
0x4d: {  	_ =	shalt  }
0x4e: {  	_ =	shalt  }
0x4f: {  	_ =	shalt  }
0x50: {  	_ =	shalt  }
0x51: {  	_ =	shalt  }
0x52: {  	_ =	shalt  }
0x53: {  	_ =	shalt  }
0x54: {  	_ =	shalt  }
0x55: {  	_ =	shalt  }
0x56: {  	_ =	shalt  }
0x57: {  	_ =	shalt  }
0x58: {  	_ =	shalt  }
0x59: {  	_ =	shalt  }
0x5a: {  	_ =	shalt  }
0x5b: {  	_ =	shalt  }
0x5c: {  	_ =	shalt  }
0x5d: {  	_ =	shalt  }
0x5e: {  	_ =	shalt  }
0x5f: {  	_ =	shalt  }
0x60: {  	_ =	shalt  }
0x61: {  	_ =	shalt  }
0x62: {  	_ =	shalt  }
0x63: {  	_ =	shalt  }
0x64: {  	_ =	shalt  }
0x65: {  	_ =	shalt  }
0x66: {  	_ =	shalt  }
0x67: {  	_ =	shalt  }
0x68: {  	_ =	shalt  }
0x69: {  	_ =	shalt  }
0x6a: {  	_ =	shalt  }
0x6b: {  	_ =	shalt  }
0x6c: {  	_ =	shalt  }
0x6d: {  	_ =	shalt  }
0x6e: {  	_ =	shalt  }
0x6f: {  	_ =	shalt  }
0x70: {  	_ =	shalt  }
0x71: {  	_ =	shalt  }
0x72: {  	_ =	shalt  }
0x73: {  	_ =	shalt  }
0x74: {  	_ =	shalt  }
0x75: {  	_ =	shalt  }
0x76: {  	_ =	shalt  }
0x77: {  	_ =	shalt  }
0x78: {  	_ =	shalt  }
0x79: {  	_ =	shalt  }
0x7a: {  	_ =	shalt  }
0x7b: {  	_ =	shalt  }
0x7c: {  	_ =	shalt  }
0x7d: {  	_ =	shalt  }
0x7e: {  	_ =	shalt  }
0x7f: {  	_ =	shalt  }
0x80: {  	_ =	shalt  }
0x81: {  	_ =	shalt  }
0x82: {  	_ =	shalt  }
0x83: {  	_ =	shalt  }
0x84: {  	_ =	shalt  }
0x85: {  	_ =	shalt  }
0x86: {  	_ =	shalt  }
0x87: {  	_ =	shalt  }
.Lfunc_end0:
.L_simem_size_0:
called_computation_lowered:
.L_overlay_start_0:
0x88: {  	s2 =	sld [smem:$0x3FD9]  }
0x89: {  	s3 =	sld [smem:$0x3FFE];
	_ =	sdelay $0x1  }
0x8a: {  	s1 =	srdreg.scid  }
0x8b: {  	s0 =	sand.u32 $0x1, s1  }
0x8c: {  	s17 =	sshll.u32 s0, $0xA;
	s2 =	sadd.s32 s3, s2  }
0x8d: {  	s2 =	sadd.s32 s2, s17  }
0x8e: {  	[smem:$0x3FC7] =	sst s2  }
0x8f: {  	_ = 	snop  }
0x90: {  	s2 =	sld [smem:$0x3FC9];
	(tm) =	ssettm $0x1  }
0x91: {  	s18 =	sld [smem:$0x3FFB];
	_ =	sdelay $0x3  }
0x92: {  	_ =	strace s18  }
0x93: {  	s3 =	sld [smem:$0x3FFC];
	_ =	sdelay $0x3  }
0x94: {  	_ =	strace s3  }
0x95: {  	s3 =	sld [smem:$0x3FFD];
	_ =	sdelay $0x3  }
0x96: {  	_ =	strace s3  }
0x97: {  	_ =	strace $0x8FFFFFFF  }
0x98: {  	s19 =	sld [smem:$0x3FDB];
	_ =	sdelay $0x1  }
0x99: {  	s4 =	simm.s32 $_scs_section_size  }
0x9a: {  	s5 =	simm.s32 $_size__tile_overlayer_lowered;
	s6 =	simm.s32 $_tile_overlayer_lowered  }
0x9b: {  	s22 =	simm.s32 $0x1BFF;
	s21 =	sshll.u32 s6, $0x1;
	s3 =	sadd.s32 s4, s19  }
0x9c: {  	s7 =	simm.s32 $0x0;
	s20 =	sshll.u32 s5, $0x1;
	s5 =	sadd.s32 s21, s3  }
0x9d: {  	[timem:s7], [sflag:s22] =	dma.local [hbm:s5], s20  }
0x9e: {  	_ =	swait.ge [sflag:s22], s20  }
0x9f: {  	s4 =	ssub.s32 $0x0, s20;
	[sflag:s22] =	ssyncset.done $0x0  }
0xa0: {  	[sflag:s22] =	ssyncadd.s32 s4;
	_ =	sdelay $0x1  }
0xa1: {  	s23 =	simm.s32 $0x1B8B  }
0xa2: {  	_ =	swait.ge [sflag:s23], $0x1  }
0xa3: {  	[sflag:s23] =	ssyncset.done $0x0  }
0xa4: {  	s25 =	simm.s32 $0x1B8E;
	s24 =	sld [smem:$0x3FFE];
	[sflag:s23] =	ssyncadd.s32 $0xFFFFFFFF  }
0xa5: {  	s26 =	simm.s32 $execute0_lowered;
	[smem:$0x3FD2] =	sst s25  }
0xa6: {  	s5 =	sshll.u32 s26, $0x1;
	_ =	strace $0x80000046;
	[dreg:$0x1] =	wrdreg $0xFFFFFFFF  }
0xa7: {  	s28 =	simm.s32 $_size_execute0_lowered;
	s3 =	sadd.s32 s3, s5;
	[dreg:$0x0] =	wrdreg $0x0  }
0xa8: {  	s5 =	sshll.u32 s28, $0x1;
	[dreg:$0x2] =	wrdreg s3  }
0xa9: {  	[dreg:$0x3] =	wrdreg s5  }
0xaa: {  	[dreg:$0x4] =	wrdreg $0xC0  }
0xab: {  	_ =	task [dreg:s7], $0x5FFFF  }
0xac: {  	[dreg:$0x1] =	wrdreg $0xFFFFFFFF  }
0xad: {  	[dreg:$0x0] =	wrdreg $0x60  }
0xae: {  	[dreg:$0x2] =	wrdreg s2  }
0xaf: {  	[dreg:$0x3] =	wrdreg s24  }
0xb0: {  	[dreg:$0x4] =	wrdreg $0x9  }
0xb1: {  	_ =	task.clear_ibuf [dreg:s7], $0x5FFFF;
	_ =	strace $0x90000046  }
0xb2: {  	s29 =	simm.s32 $0x9;
	_ =	strace $0x80000048  }
0xb3: {  	_ =	swait.ge [sflag:s29], $0x1  }
0xb4: {  	[sflag:s29] =	ssyncadd.s32 $0xFFFFFFFF  }
0xb5: {  	_ =	strace $0x90000048  }
0xb6: {  	_ =	sfence  }
0xb7: {  	s30 =	sld [smem:$0x0];
	_ =	sdelay $0x2  }
0xb8: {  	s31 =	sshll.u32 s1, $0xD;
	s1 =	sshrl.u32 s1, $0x2  }
0xb9: {  	s3 =	sand.u32 $0x4000, s31;
	s1 =	sadd.s32 s1, s30  }
0xba: {  	s0 =	sor.u32 s3, s0;
	s1 =	sshll.u32 s1, $0x11  }
0xbb: {  	s0 =	sor.u32 s1, s0  }
0xbc: {  	s0 =	sadd.s32 $0x8F2B, s0  }
0xbd: {  	[sflag:s0] =	ssyncadd.remote.s32 $0x1  }
0xbe: {  	_ =	sfence.sel $0xFFFF  }
0xbf: {  	[dreg:$0x0] =	wrdreg $0xFFFFFFFF;
	(pc) =	sbr.abs _section_cstart, $3  }
0xc0: {  	[dreg:$0x1] =	wrdreg $0xFFFFFFFF  }
0xc1: {  	_ =	task.clear_ibuf [dreg:s7], $0x2FFFF;
	_ =	strace $0x9FFFFFFF  }
0xc2: {  	(tm) =	ssettm $0x7FFFFFFF  }
0xc3: {  	_ =	shalt  }
tec
execute0_lowered:
.L_overlay_start_1:
0x0: {  	(tag) =	ssettag $0x1  }
0x1: {  	s1 =	rddreg [dreg:$0x0]  }
0x2: {  	s5 =	rddreg [dreg:$0x1]  }
0x3: {  	s0 =	rddreg [dreg:$0x2];
	s4 =	srdreg.scid;
	s3 =	simm.s32 $0x0  }
0x4: {  	s2 =	stileid.u32;
	s10 =	simm.s32 $0x400;
	s11 =	simm.s32 $0x8000  }
0x5: {  	s12 =	simm.s32 $0x1;
	s13 =	simm.s32 $0x10000;
	s14 =	simm.s32 $0x2  }
0x6: {  	s15 =	simm.s32 $0x10400;
	s16 =	simm.s32 $0x3;
	s17 =	simm.s32 $0x0  }
0x7: {  	s6 =	sand.u32 $0x1, s4;
	[smem:$0x7FF] =	sst s3;
	s7 =	sshll.u32 s2, $0x6  }
.Ltmp0:
0x8: {  	s4 =	sshll.u32 s6, $0xA;
	s6 =	ssub.s32 $0x2, s6;
	(pc) =	sbr.rel .LBB2_1-.Ltmp0, $4  }
0x9: {  	_ =	strace $0x80000047;
	s4 =	sor.u32 s7, s4;
	s8 =	sshrl.u32 s6, $0x1  }
0xa: {  	s7 =	sshll.u32 s4, $0x4;
	s9 =	sshll.u32 s4, $0xC;
	s8 =	ssub.s32 s6, s8  }
0xb: {  	s7 =	sadd.s32 s7, s5;
	s5 =	sadd.s32 s1, s9;
	s8 =	smax.u32 s8, $0x1  }
0xc: {  	v0 =	vimm.f32 $-Inf;
	v1 =	vlaneseq.u32;
	v2 =	vimm.s32 $0x0;
	s9 =	simm.s32 $0x80;
	s6 =	sadd.s32 $0x10, s5;
	s7 =	sadd.s32 $0x400, s7  }
.LBB2_30:
0xd: {  	s17 =	sadd.s32 $0x1, s17  }
0xe: {  	p0 =	sne.s32 s17, s8  }
.Ltmp1:
0xf: {  	_ = 	snop;
	(pc) =	sbr.rel @!p0 .LBB2_31-.Ltmp1, $4  }
0x10: {  	[hbm4b:s7+s3] =	stream.linear.scatter [tilespmem:s15], [sflag:$0x3], $0x2000, $0x38;
	[tilespmem:$0x12400] =	vst v63  }
0x11: {  	_ =	swait.ge [sflag:s16], $0x2000  }
0x12: {  	[sflag:s16] =	ssyncset.done $0x0  }
0x13: {  	[sflag:s16] =	ssyncadd.s32 $0xFFFFE000  }
.LBB2_1:
0x14: {  	[tilespmem:s3], [sflag:$0x1] =	stream.strided.gather [hbm4b:s5+s9], $0x8000, s10, s9, $0x38;
	[tilespmem:$0x12400] =	vst v63  }
0x15: {  	s18 =	simm.s32 $0x0  }
0x16: {  	[tilespmem:s11], [sflag:$0x2] =	stream.strided.gather [hbm4b:s6+s9], $0x8000, s10, s9, $0x38;
	[tilespmem:$0x12400] =	vst v63  }
.LBB2_2:
0x17: {  	_ =	swait.ge [sflag:s12], $0x8000  }
0x18: {  	[sflag:s12] =	ssyncset.done $0x0  }
0x19: {  	s20 =	simm.s32 $0x80;
	[sflag:s12] =	ssyncadd.s32 $0xFFFF8000  }
0x1a: {  	v3 =	vld [tilespmem:s20+$0x0]  }
0x1b: {  	v9 =	vld [tilespmem:s20+$0x10]  }
0x1c: {  	v7 =	vld [tilespmem:s20+$0x20]  }
0x1d: {  	v8 =	vld [tilespmem:s20+$0x30]  }
0x1e: {  	v10 =	vld [tilespmem:s20+$0x40]  }
0x1f: {  	v6 =	vld [tilespmem:s20+$0x50]  }
0x20: {  	v5 =	vld [tilespmem:s20+$0x60]  }
0x21: {  	v4 =	vld [tilespmem:s20+$0xFFFFFF80]  }
0x22: {  	v12 =	vld [tilespmem:s20+$0xFFFFFF90]  }
0x23: {  	v21 =	vld [tilespmem:s20+$0xFFFFFFA0]  }
0x24: {  	v23 =	vld [tilespmem:s20+$0xFFFFFFB0]  }
0x25: {  	v22 =	vld [tilespmem:s20+$0xFFFFFFC0]  }
0x26: {  	v17 =	vld [tilespmem:s20+$0xFFFFFFD0]  }
0x27: {  	v11 =	vimm.f32 $-Inf;
	v16 =	vimm.f32 $-Inf;
	v18 =	vld [tilespmem:s20+$0xFFFFFFE0]  }
0x28: {  	v14 =	vimm.f32 $-Inf;
	v15 =	vimm.f32 $-Inf;
	v13 =	vimm.f32 $-Inf;
	v19 =	vld [tilespmem:s20+$0xFFFFFFF0]  }
0x29: {  	s19 =	simm.s32 $0x0;
	v20 =	vld [tilespmem:s20+$0x70];
	s20 =	simm.s32 $0x180;
	v4 =	vmax.f32 v11, v4;
	v24 =	vmax.f32 v11, v12;
	v12 =	vimm.f32 $-Inf  }
.LBB2_3:
0x2a: {  	v4 =	vmax.f32 v4, v3;
	v3 =	vld [tilespmem:s20+$0x0];
	v24 =	vmax.f32 v24, v9  }
0x2b: {  	v11 =	vmax.f32 v11, v21;
	v16 =	vmax.f32 v16, v23;
	v14 =	vmax.f32 v14, v22;
	v9 =	vld [tilespmem:s20+$0x10]  }
0x2c: {  	v11 =	vmax.f32 v11, v7;
	v16 =	vmax.f32 v16, v8;
	v14 =	vmax.f32 v14, v10;
	v7 =	vld [tilespmem:s20+$0x20]  }
0x2d: {  	v15 =	vmax.f32 v15, v17;
	v13 =	vmax.f32 v13, v18;
	v8 =	vld [tilespmem:s20+$0x30];
	v12 =	vmax.f32 v12, v19  }
0x2e: {  	v15 =	vmax.f32 v15, v6;
	v13 =	vmax.f32 v13, v5;
	v10 =	vld [tilespmem:s20+$0x40];
	v12 =	vmax.f32 v12, v20  }
0x2f: {  	v6 =	vld [tilespmem:s20+$0x50]  }
0x30: {  	v5 =	vld [tilespmem:s20+$0x60]  }
0x31: {  	v20 =	vld [tilespmem:s20+$0xFFFFFF80]  }
0x32: {  	v25 =	vld [tilespmem:s20+$0xFFFFFF90]  }
0x33: {  	s19 =	sadd.s32 $0x2, s19;
	v21 =	vld [tilespmem:s20+$0xFFFFFFA0]  }
0x34: {  	p0 =	slt.u32 s19, $0xFE;
	v23 =	vld [tilespmem:s20+$0xFFFFFFB0]  }
.Ltmp2:
0x35: {  	v22 =	vld [tilespmem:s20+$0xFFFFFFC0];
	(pc) =	sbr.rel @p0 .LBB2_3-.Ltmp2, $4  }
0x36: {  	v17 =	vld [tilespmem:s20+$0xFFFFFFD0]  }
0x37: {  	v18 =	vld [tilespmem:s20+$0xFFFFFFE0]  }
0x38: {  	v19 =	vld [tilespmem:s20+$0xFFFFFFF0]  }
0x39: {  	v4 =	vmax.f32 v4, v20;
	v24 =	vmax.f32 v24, v25;
	v20 =	vld [tilespmem:s20+$0x70];
	s20 =	sadd.s32 $0x100, s20  }
0x3a: {  	v9 =	vmax.f32 v24, v9;
	v11 =	vmax.f32 v11, v21  }
0x3b: {  	v16 =	vmax.f32 v16, v23;
	v7 =	vmax.f32 v11, v7;
	(xrf1) =	vsort.dscd.msk.f32 $0xffff, v9, v9  }
0x3c: {  	v32 =	vmax.f32 v14, v22;
	v8 =	vmax.f32 v16, v8;
	(xrf1) =	vsort.dscd.msk.f32 $0xffff, v7, v7  }
0x3d: {  	v33 =	vmax.f32 v15, v17;
	v7 =	vmax.f32 v32, v10;
	(xrf1) =	vsort.dscd.msk.f32 $0xffff, v8, v8  }
0x3e: {  	v6 =	vmax.f32 v33, v6;
	v8 =	vmax.f32 v13, v18;
	(xrf1) =	vsort.dscd.msk.f32 $0xffff, v7, v7  }
0x3f: {  	v7 =	vmax.f32 v12, v19;
	v5 =	vmax.f32 v8, v5;
	(xrf1) =	vsort.dscd.msk.f32 $0xffff, v6, v6  }
0x40: {  	v6 =	vmax.f32 v7, v20;
	(xrf1) =	vsort.dscd.msk.f32 $0xffff, v5, v5  }
0x41: {  	(xrf1) =	vsort.dscd.msk.f32 $0xffff, v6, v6;
	_ =	sdelay $0x6  }
0x42: {  	v6 =	vlaneseq.u32  }
0x43: {  	v7 =	vmul.u32 $0xFFFFFFFF, v6;
	v5, _, _ =	vpop (xrf1)  }
0x44: {  	v8, _, _ =	vpop (xrf1)  }
0x45: {  	v7 =	vadd.s32 $0xF, v7;
	v34, _, _ =	vpop (xrf1)  }
0x46: {  	v35, _, _ =	vpop (xrf1);
	v9 =	vperm.xlane v34, v7  }
0x47: {  	v36, _, _ =	vpop (xrf1)  }
0x48: {  	v37, _, _ =	vpop (xrf1);
	v38 =	vmax.f32 v8, v9;
	v11 =	vperm.xlane v36, v7  }
0x49: {  	v8 =	vmin.f32 v8, v9;
	v39, _, _ =	vpop (xrf1);
	(xrf1) =	vsort.dscd.msk.f32 $0xffff, v38, v38  }
0x4a: {  	(xrf1) =	vsort.dscd.msk.f32 $0xffff, v8, v8;
	v8 =	vmax.f32 v35, v11;
	v40 =	vperm.xlane v39, v7  }
0x4b: {  	(xrf1) =	vsort.dscd.msk.f32 $0xffff, v8, v8;
	v8 =	vmin.f32 v35, v11  }
0x4c: {  	(xrf1) =	vsort.dscd.msk.f32 $0xffff, v8, v8;
	v8 =	vmax.f32 v37, v40  }
0x4d: {  	(xrf1) =	vsort.dscd.msk.f32 $0xffff, v8, v8;
	v8 =	vmin.f32 v37, v40  }
0x4e: {  	(xrf1) =	vsort.dscd.msk.f32 $0xffff, v8, v8;
	_ =	sdelay $0x8  }
0x4f: {  	v8, _, _ =	vpop (xrf1)  }
0x50: {  	v41, _, _ =	vpop (xrf1)  }
0x51: {  	v42, _, _ =	vpop (xrf1)  }
0x52: {  	v43, _, _ =	vpop (xrf1)  }
0x53: {  	v44, _, _ =	vpop (xrf1)  }
0x54: {  	v45, _, _ =	vpop (xrf1)  }
0x55: {  	v12 =	vperm.xlane v44, v7;
	v13 =	vperm.xlane v45, v7;
	_ =	sdelay $0x1  }
0x56: {  	v47 =	vmax.f32 v43, v12;
	v46 =	vmax.f32 v42, v13  }
0x57: {  	v11 =	vmin.f32 v43, v12;
	v48 =	vmax.f32 v46, v47  }
0x58: {  	v10 =	vmin.f32 v42, v13;
	v49 =	vmin.f32 v46, v47;
	(xrf1) =	vsort.dscd.msk.f32 $0xffff, v48, v48  }
0x59: {  	v50 =	vmax.f32 v10, v11;
	(xrf1) =	vsort.dscd.msk.f32 $0xffff, v49, v49  }
0x5a: {  	v10 =	vmin.f32 v10, v11;
	(xrf1) =	vsort.dscd.msk.f32 $0xffff, v50, v50  }
0x5b: {  	v3 =	vmax.f32 v4, v3;
	(xrf1) =	vsort.dscd.msk.f32 $0xffff, v10, v10  }
0x5c: {  	(xrf1) =	vsort.dscd.msk.f32 $0xffff, v3, v3  }
0x5d: {  	[tilespmem:$0x10000] =	vst v0  }
0x5e: {  	[tilespmem:$0x10010] =	vst v0  }
0x5f: {  	[tilespmem:$0x10020] =	vst v0  }
0x60: {  	[tilespmem:$0x10030] =	vst v0  }
0x61: {  	[tilespmem:$0x10040] =	vst v0  }
0x62: {  	[tilespmem:$0x10050] =	vst v0  }
0x63: {  	[tilespmem:$0x10060] =	vst v0  }
0x64: {  	[tilespmem:$0x10070] =	vst v0  }
0x65: {  	[tilespmem:$0x10080] =	vst v0  }
0x66: {  	[tilespmem:$0x10090] =	vst v0;
	v3, _, _ =	vpop (xrf1)  }
0x67: {  	[tilespmem:$0x100A0] =	vst v0;
	v4, _, _ =	vpop (xrf1)  }
0x68: {  	[tilespmem:$0x100B0] =	vst v0;
	v51, _, _ =	vpop (xrf1)  }
0x69: {  	[tilespmem:$0x100C0] =	vst v0;
	v5 =	vperm.xlane v5, v7;
	v52, _, _ =	vpop (xrf1)  }
0x6a: {  	[tilespmem:$0x100D0] =	vst v0;
	v53, _, _ =	vpop (xrf1)  }
0x6b: {  	[tilespmem:$0x100E0] =	vst v0;
	v54 =	vmax.f32 v53, v5  }
0x6c: {  	[tilespmem:$0x100F0] =	vst v0;
	v5 =	vmin.f32 v53, v5;
	(xrf1) =	vsort.dscd.msk.f32 $0xffff, v54, v54  }
0x6d: {  	[tilespmem:$0x10100] =	vst v0;
	(xrf1) =	vsort.dscd.msk.f32 $0xffff, v5, v5  }
0x6e: {  	[tilespmem:$0x10110] =	vst v0  }
0x6f: {  	[tilespmem:$0x10120] =	vst v0  }
0x70: {  	[tilespmem:$0x10130] =	vst v0  }
0x71: {  	[tilespmem:$0x10140] =	vst v0  }
0x72: {  	[tilespmem:$0x10150] =	vst v0  }
0x73: {  	[tilespmem:$0x10160] =	vst v0  }
0x74: {  	[tilespmem:$0x10170] =	vst v0  }
0x75: {  	[tilespmem:$0x10180] =	vst v0  }
0x76: {  	[tilespmem:$0x10190] =	vst v0  }
0x77: {  	[tilespmem:$0x101A0] =	vst v0  }
0x78: {  	[tilespmem:$0x101B0] =	vst v0  }
0x79: {  	[tilespmem:$0x101C0] =	vst v0  }
0x7a: {  	[tilespmem:$0x101D0] =	vst v0;
	v8 =	vperm.xlane v8, v7;
	v5 =	vperm.xlane v41, v7;
	v55, _, _ =	vpop (xrf1)  }
0x7b: {  	[tilespmem:$0x101E0] =	vst v0;
	v56, _, _ =	vpop (xrf1)  }
0x7c: {  	[tilespmem:$0x101F0] =	vst v0;
	v57 =	vmax.f32 v55, v5;
	v58 =	vmax.f32 v56, v8  }
0x7d: {  	[tilespmem:$0x10200] =	vst v0;
	v5 =	vmin.f32 v55, v5;
	v59 =	vmax.f32 v57, v58  }
0x7e: {  	[tilespmem:$0x10210] =	vst v0;
	v8 =	vmin.f32 v56, v8;
	v60 =	vmin.f32 v57, v58;
	(xrf1) =	vsort.dscd.msk.f32 $0xffff, v59, v59  }
0x7f: {  	[tilespmem:$0x10220] =	vst v0;
	v61 =	vmax.f32 v5, v8;
	(xrf1) =	vsort.dscd.msk.f32 $0xffff, v60, v60  }
0x80: {  	[tilespmem:$0x10230] =	vst v0;
	v5 =	vmin.f32 v5, v8;
	(xrf1) =	vsort.dscd.msk.f32 $0xffff, v61, v61  }
0x81: {  	[tilespmem:$0x10240] =	vst v0;
	(xrf1) =	vsort.dscd.msk.f32 $0xffff, v5, v5  }
0x82: {  	[tilespmem:$0x10250] =	vst v0  }
0x83: {  	[tilespmem:$0x10260] =	vst v0  }
0x84: {  	[tilespmem:$0x10270] =	vst v0  }
0x85: {  	[tilespmem:$0x10280] =	vst v0  }
0x86: {  	[tilespmem:$0x10290] =	vst v0  }
0x87: {  	[tilespmem:$0x102A0] =	vst v0  }
0x88: {  	[tilespmem:$0x102B0] =	vst v0  }
0x89: {  	[tilespmem:$0x102C0] =	vst v0  }
0x8a: {  	[tilespmem:$0x102D0] =	vst v0  }
0x8b: {  	[tilespmem:$0x102E0] =	vst v0  }
0x8c: {  	[tilespmem:$0x102F0] =	vst v0;
	v5, _, _ =	vpop (xrf1)  }
0x8d: {  	[tilespmem:$0x10300] =	vst v0;
	v3 =	vperm.xlane v3, v7;
	v62 =	vperm.xlane v52, v7;
	v8, _, _ =	vpop (xrf1)  }
0x8e: {  	[tilespmem:$0x10310] =	vst v0;
	v4 =	vperm.xlane v4, v7;
	v10 =	vperm.xlane v51, v7;
	v63, _, _ =	vpop (xrf1)  }
0x8f: {  	[tilespmem:$0x10320] =	vst v0;
	v5 =	vmax.f32 v5, v62;
	v7, _, _ =	vpop (xrf1)  }
0x90: {  	[tilespmem:$0x10330] =	vst v0;
	v8 =	vmax.f32 v8, v10;
	v4 =	vmax.f32 v63, v4;
	v3 =	vmax.f32 v7, v3  }
0x91: {  	[tilespmem:$0x10340] =	vst v0;
	v5 =	vmin.f32 v5, v8;
	v3 =	vmin.f32 v4, v3  }
0x92: {  	[tilespmem:$0x10350] =	vst v0;
	v3 =	vmin.f32 v5, v3  }
0x93: {  	[tilespmem:$0x10360] =	vst v0;
	(xrf0) =	vmin.scan.msk.f32 $0xffff, v3  }
0x94: {  	[tilespmem:$0x10370] =	vst v0  }
0x95: {  	[tilespmem:$0x10380] =	vst v0  }
0x96: {  	[tilespmem:$0x10390] =	vst v0  }
0x97: {  	[tilespmem:$0x103A0] =	vst v0  }
0x98: {  	[tilespmem:$0x103B0] =	vst v0  }
0x99: {  	[tilespmem:$0x103C0] =	vst v0;
	v3, _, _ =	vpop (xrf0)  }
0x9a: {  	[tilespmem:$0x103D0] =	vst v0;
	v3 =	vadd.f32 $0.0e+00, v3  }
0x9b: {  	[tilespmem:$0x103E0] =	vst v0  }
0x9c: {  	[tilespmem:$0x103F0] =	vst v0;
	s19 =	simm.s32 $0xFFFFFFF8;
	s20 =	simm.s32 $0xE0;
	s21 =	simm.s32 $0x70;
	v7 =	vor.u32 $0x200, v6;
	v5 =	vbroadcast v3, $0xF  }
.LBB2_5:
0x9d: {  	v8 =	vld [tilespmem:s21+$0xFFFFFF90]  }
0x9e: {  	v9 =	vld [tilespmem:s21+$0xFFFFFFA0];
	_ =	sdelay $0x2  }
0x9f: {  	v3 =	vor.u32 $0x1F0, v1  }
0xa0: {  	v4 =	vor.u32 $0x3F0, v1;
	vm1 =	vlt.s32 v6, v3;
	vm0 =	vge.f32 v8, v5  }
0xa1: {  	vm11 =	vlt.s32 v7, v4;
	v10 =	vsel vm1, v6, v3;
	vm2 =	vge.f32 v9, v5  }
0xa2: {  	v11 =	vsel vm11, v7, v4;
	_ =	sdelay $0x3  }
0xa3: {  	[tilespmem:v10+s13+$0x0] =	vst.idx.msk vm0, v8  }
0xa4: {  	[tilespmem:v11+s13+$0x0] =	vst.idx.msk vm2, v9  }
0xa5: {  	v8 =	vld [tilespmem:s21+$0xFFFFFFB0]  }
0xa6: {  	v9 =	vld [tilespmem:s21+$0xFFFFFFC0];
	_ =	sdelay $0x1  }
0xa7: {  	v35 =	vsel vm0, $0x10, v2  }
0xa8: {  	v36 =	vsel vm2, $0x10, v2;
	v6 =	vadd.s32 v6, v35  }
0xa9: {  	v7 =	vadd.s32 v7, v36;
	vm13 =	vlt.s32 v6, v3;
	vm12 =	vge.f32 v8, v5  }
0xaa: {  	vm15 =	vlt.s32 v7, v4;
	v37 =	vsel vm13, v6, v3;
	vm14 =	vge.f32 v9, v5  }
0xab: {  	v38 =	vsel vm15, v7, v4;
	_ =	sdelay $0x3  }
0xac: {  	[tilespmem:v37+s13+$0x0] =	vst.idx.msk vm12, v8  }
0xad: {  	[tilespmem:v38+s13+$0x0] =	vst.idx.msk vm14, v9  }
0xae: {  	v8 =	vld [tilespmem:s21+$0xFFFFFFD0]  }
0xaf: {  	v9 =	vld [tilespmem:s21+$0xFFFFFFE0];
	_ =	sdelay $0x1  }
0xb0: {  	v39 =	vsel vm12, $0x10, v2  }
0xb1: {  	v40 =	vsel vm14, $0x10, v2;
	v6 =	vadd.s32 v6, v39  }
0xb2: {  	v7 =	vadd.s32 v7, v40;
	vm5 =	vlt.s32 v6, v3;
	vm4 =	vge.f32 v8, v5  }
0xb3: {  	vm7 =	vlt.s32 v7, v4;
	v41 =	vsel vm5, v6, v3;
	vm6 =	vge.f32 v9, v5  }
0xb4: {  	v42 =	vsel vm7, v7, v4;
	_ =	sdelay $0x3  }
0xb5: {  	[tilespmem:v41+s13+$0x0] =	vst.idx.msk vm4, v8  }
0xb6: {  	[tilespmem:v42+s13+$0x0] =	vst.idx.msk vm6, v9  }
0xb7: {  	v8 =	vld [tilespmem:s21+$0xFFFFFFF0]  }
0xb8: {  	v9 =	vld [tilespmem:s21+$0x0];
	_ =	sdelay $0x1  }
0xb9: {  	v43 =	vsel vm4, $0x10, v2  }
0xba: {  	v44 =	vsel vm6, $0x10, v2;
	v6 =	vadd.s32 v6, v43  }
0xbb: {  	v7 =	vadd.s32 v7, v44;
	vm9 =	vlt.s32 v6, v3;
	vm8 =	vge.f32 v8, v5  }
0xbc: {  	vm11 =	vlt.s32 v7, v4;
	v45 =	vsel vm9, v6, v3;
	vm10 =	vge.f32 v9, v5  }
0xbd: {  	v46 =	vsel vm11, v7, v4;
	_ =	sdelay $0x3  }
0xbe: {  	[tilespmem:v45+s13+$0x0] =	vst.idx.msk vm8, v8  }
0xbf: {  	[tilespmem:v46+s13+$0x0] =	vst.idx.msk vm10, v9  }
0xc0: {  	v8 =	vld [tilespmem:s21+$0x10]  }
0xc1: {  	v9 =	vld [tilespmem:s21+$0x20];
	_ =	sdelay $0x1  }
0xc2: {  	v47 =	vsel vm8, $0x10, v2  }
0xc3: {  	v48 =	vsel vm10, $0x10, v2;
	v6 =	vadd.s32 v6, v47  }
0xc4: {  	v7 =	vadd.s32 v7, v48;
	vm13 =	vlt.s32 v6, v3;
	vm12 =	vge.f32 v8, v5  }
0xc5: {  	vm15 =	vlt.s32 v7, v4;
	v49 =	vsel vm13, v6, v3;
	vm14 =	vge.f32 v9, v5  }
0xc6: {  	v50 =	vsel vm15, v7, v4;
	_ =	sdelay $0x3  }
0xc7: {  	[tilespmem:v49+s13+$0x0] =	vst.idx.msk vm12, v8  }
0xc8: {  	s22 =	sadd.s32 $0xFFFFFFC0, s20;
	[tilespmem:v50+s13+$0x0] =	vst.idx.msk vm14, v9  }
0xc9: {  	s22 =	sor.u32 $0x30, s22;
	v8 =	vld [tilespmem:s21+$0x30]  }
0xca: {  	v9 =	vld [tilespmem:s22+$0x0];
	_ =	sdelay $0x1  }
0xcb: {  	v51 =	vsel vm12, $0x10, v2  }
0xcc: {  	v52 =	vsel vm14, $0x10, v2;
	v6 =	vadd.s32 v6, v51  }
0xcd: {  	v7 =	vadd.s32 v7, v52;
	vm5 =	vlt.s32 v6, v3;
	vm4 =	vge.f32 v8, v5  }
0xce: {  	vm7 =	vlt.s32 v7, v4;
	v53 =	vsel vm5, v6, v3;
	vm6 =	vge.f32 v9, v5  }
0xcf: {  	v54 =	vsel vm7, v7, v4;
	_ =	sdelay $0x3  }
0xd0: {  	[tilespmem:v53+s13+$0x0] =	vst.idx.msk vm4, v8  }
0xd1: {  	s30 =	sadd.s32 $0xFFFFFFE0, s20;
	[tilespmem:v54+s13+$0x0] =	vst.idx.msk vm6, v9  }
0xd2: {  	s22 =	sor.u32 $0x50, s30;
	v8 =	vld [tilespmem:s21+$0x50]  }
0xd3: {  	v9 =	vld [tilespmem:s22+$0x0];
	_ =	sdelay $0x1  }
0xd4: {  	v55 =	vsel vm4, $0x10, v2  }
0xd5: {  	v56 =	vsel vm6, $0x10, v2;
	v6 =	vadd.s32 v6, v55  }
0xd6: {  	v7 =	vadd.s32 v7, v56;
	vm9 =	vlt.s32 v6, v3;
	vm8 =	vge.f32 v8, v5  }
0xd7: {  	vm11 =	vlt.s32 v7, v4;
	v57 =	vsel vm9, v6, v3;
	vm10 =	vge.f32 v9, v5  }
0xd8: {  	v58 =	vsel vm11, v7, v4;
	_ =	sdelay $0x3  }
0xd9: {  	[tilespmem:v57+s13+$0x0] =	vst.idx.msk vm8, v8  }
0xda: {  	[tilespmem:v58+s13+$0x0] =	vst.idx.msk vm10, v9  }
0xdb: {  	s31 =	sor.u32 $0x70, s20;
	v8 =	vld [tilespmem:s21+$0x70]  }
0xdc: {  	v9 =	vld [tilespmem:s31+$0x0];
	_ =	sdelay $0x1  }
0xdd: {  	v59 =	vsel vm8, $0x10, v2  }
0xde: {  	v60 =	vsel vm10, $0x10, v2;
	v6 =	vadd.s32 v6, v59  }
0xdf: {  	v7 =	vadd.s32 v7, v60;
	vm13 =	vlt.s32 v6, v3;
	vm12 =	vge.f32 v8, v5  }
0xe0: {  	s19 =	sadd.s32 $0x8, s19;
	vm15 =	vlt.s32 v7, v4;
	v61 =	vsel vm13, v6, v3;
	vm14 =	vge.f32 v9, v5  }
0xe1: {  	p0 =	slt.u32 s19, $0x3F8;
	v62 =	vsel vm15, v7, v4  }
.Ltmp3:
0xe2: {  	_ = 	snop;
	(pc) =	sbr.rel @p0 .LBB2_5-.Ltmp3, $3  }
0xe3: {  	_ =	sdelay $0x1  }
0xe4: {  	v63 =	vsel vm14, $0x10, v2;
	[tilespmem:v61+s13+$0x0] =	vst.idx.msk vm12, v8;
	v8 =	vsel vm12, $0x10, v2  }
0xe5: {  	s20 =	sadd.s32 $0x100, s20;
	s21 =	sadd.s32 $0x100, s21;
	v7 =	vadd.s32 v7, v63;
	[tilespmem:v62+s13+$0x0] =	vst.idx.msk vm14, v9;
	v6 =	vadd.s32 v6, v8  }
0xe6: {  	v5 =	vmul.u32 $0xFFFFFFFF, v1;
	_ =	sdelay $0x1  }
0xe7: {  	v6 =	vadd.s32 v5, v6  }
0xe8: {  	v6 =	vxor.u32 $0x80000000, v6  }
0xe9: {  	(xrf0) =	vmax.scan.msk.u32 $0xffff, v6;
	_ =	sdelay $0x5  }
0xea: {  	v8, _, _ =	vpop (xrf0)  }
0xeb: {  	(v2sf) =	vpush v8, $0xF;
	_ =	sdelay $0x2  }
0xec: {  	v6 =	vadd.s32 $0xFFFFFE00, v5  }
0xed: {  	v7 =	vadd.s32 v6, v7  }
0xee: {  	v7 =	vxor.u32 $0x80000000, v7  }
0xef: {  	(xrf0) =	vmax.scan.msk.u32 $0xffff, v7;
	_ =	sdelay $0x5  }
0xf0: {  	v7, _, _ =	vpop (xrf0)  }
0xf1: {  	(v2sf) =	vpush v7, $0xF;
	_ =	sdelay $0x1  }
0xf2: {  	s19 =	spop (v2sf)  }
0xf3: {  	s20 =	sxor.u32 $0x80000000, s19  }
0xf4: {  	p1 =	sgt.s32 s19, $0xFFFFFFFF;
	s19 =	sand.u32 $0xF, s19;
	p0 =	slt.s32 s20, $0x1  }
0xf5: {  	s21 =	sshra.s32 s20, $0x1F;
	p6 =	sne.s32 s19, $0x0;
	p0 =	por p1, p0  }
0xf6: {  	s31 =	sshrl.u32 s21, $0x1C;
	p0 =	por !p6, !p0  }
0xf7: {  	s19 =	sadd.s32 s31, s20;
	s20 =	simm.s32 $0x1;
	p0 =	por !p0, !p0  }
0xf8: {  	s19 =	sshra.s32 s19, $0x4;
	s20 =	simm.s32 @!p0 $0x0  }
0xf9: {  	s19 =	ssub.s32 s19, s20  }
0xfa: {  	p0 =	slt.s32 s19, $0x1  }
.Ltmp4:
0xfb: {  	_ = 	snop;
	(pc) =	sbr.rel @p0 .LBB2_7-.Ltmp4, $2  }
0xfc: {  	_ =	sdelay $0x2  }
0xfd: {  	s20 =	spop (v2sf)  }
0xfe: {  	s22 =	simm.s32 $0x10000  }
0xff: {  	v8 =	vld [tilespmem:s22+$0x0];
	_ =	sdelay $0x4  }
0x100: {  	(xrf0) =	vmax.scan.msk.f32 $0xffff, v8;
	_ =	sdelay $0x5  }
0x101: {  	v9, _, _ =	vpop (xrf0)  }
0x102: {  	(v2sf) =	vpush v9, $0xF;
	_ =	sdelay $0xe  }
0x103: {  	s21 =	smin.u32 s19, $0x20;
	s19 =	simm.f32 $-Inf;
	s31 =	spop (v2sf)  }
0x104: {  	p0 =	sge.f32 s31, s19;
	_ =	sdelay $0x1  }
0x105: {  	(xrf1) =	vsort.dscd.msk.f32 @p0 $0xffff, v8, v8;
	_ =	sdelay $0xa  }
0x106: {  	v8 =	vlaneseq.u32 @p0  }
0x107: {  	v8 =	vmul.u32 @p0 $0xFFFFFFFF, v8;
	_ =	sdelay $0x1  }
0x108: {  	v8 =	vadd.s32 @p0 $0xF, v8;
	v9, _, _ =	vpop @p0 (xrf1)  }
0x109: {  	v8 =	vperm.xlane @p0 v9, v8  }
0x10a: {  	v7 =	vimm.f32 $-Inf  }
0x10b: {  	v8 =	vmax.f32 @p0 v7, v8  }
0x10c: {  	v9 =	vmin.f32 @p0 v7, v7;
	v10 =	vmin.f32 @p0 v7, v8  }
0x10d: {  	v11 =	vmax.f32 @p0 v7, v7;
	v8 =	vmax.f32 @p0 v7, v8;
	v12 =	vmin.f32 @p0 v9, v10  }
0x10e: {  	(xrf1) =	vsort.dscd.msk.f32 @p0 $0xffff, v12, v12;
	v12 =	vmax.f32 @p0 v11, v8  }
0x10f: {  	v8 =	vmin.f32 @p0 v11, v8;
	(xrf1) =	vsort.dscd.msk.f32 @p0 $0xffff, v12, v12  }
0x110: {  	v9 =	vmax.f32 @p0 v9, v10;
	(xrf1) =	vsort.dscd.msk.f32 @p0 $0xffff, v8, v8  }
0x111: {  	(xrf1) =	vsort.dscd.msk.f32 @p0 $0xffff, v9, v9  }
0x112: {  	s21 =	sadd.s32 $0xFFFFFFFF, s21  }
0x113: {  	p1 =	seq.s32 s21, $0x0  }
.Ltmp5:
0x114: {  	_ = 	snop;
	(pc) =	sbr.rel @p1 .LBB2_26-.Ltmp5, $2  }
0x115: {  	_ =	sdelay $0x2  }
0x116: {  	s22 =	simm.s32 $0x10010;
	v10 =	vimm.f32 $-Inf;
	v11 =	vimm.f32 $-Inf;
	v8 =	vimm.f32 $-Inf  }
.LBB2_25:
0x117: {  	v9 =	vld [tilespmem:s22+$0x0];
	s21 =	sadd.s32 $0xFFFFFFFF, s21  }
0x118: {  	p1 =	seq.s32 s21, $0x0;
	_ =	sdelay $0x1  }
0x119: {  	v12, _, _ =	vpop @p0 (xrf1)  }
0x11a: {  	v7 =	vpsel p0, v12, v7;
	v13, _, _ =	vpop @p0 (xrf1);
	(xrf0) =	vmin.scan.msk.f32 @p0 $0xffff, v12  }
0x11b: {  	(xrf0) =	vmax.scan.msk.f32 $0xffff, v9;
	v8 =	vpsel p0, v13, v8;
	v12, _, _ =	vpop @p0 (xrf1)  }
0x11c: {  	v10 =	vpsel p0, v12, v10;
	v12, _, _ =	vpop @p0 (xrf1)  }
0x11d: {  	v11 =	vpsel p0, v12, v11;
	_ =	sdelay $0x2  }
0x11e: {  	v12, _, _ =	vpop @p0 (xrf0)  }
0x11f: {  	v13, _, _ =	vpop (xrf0);
	(v2sf) =	vpush @p0 v12, $0xF  }
0x120: {  	(v2sf) =	vpush v13, $0xF;
	_ =	sdelay $0xd  }
0x121: {  	s23 =	spop @p0 (v2sf)  }
0x122: {  	s24 =	spop (v2sf);
	s19 =	smov.u32 @p0 s23  }
0x123: {  	p0 =	sge.f32 s24, s19;
	_ =	sdelay $0x1  }
0x124: {  	v12 =	vmax.f32 @p0 v8, v11;
	(xrf1) =	vsort.dscd.msk.f32 @p0 $0xffff, v9, v9;
	_ =	sdelay $0xa  }
0x125: {  	v9 =	vlaneseq.u32 @p0  }
0x126: {  	v9 =	vmul.u32 @p0 $0xFFFFFFFF, v9;
	_ =	sdelay $0x1  }
0x127: {  	v9 =	vadd.s32 @p0 $0xF, v9;
	v13, _, _ =	vpop @p0 (xrf1)  }
0x128: {  	v9 =	vperm.xlane @p0 v13, v9;
	_ =	sdelay $0x1  }
0x129: {  	v9 =	vmax.f32 @p0 v7, v9  }
0x12a: {  	v13 =	vmin.f32 @p0 v8, v11;
	v14 =	vmax.f32 @p0 v10, v9;
	v9 =	vmin.f32 @p0 v10, v9  }
0x12b: {  	v15 =	vmax.f32 @p0 v12, v14;
	v12 =	vmin.f32 @p0 v12, v14;
	v14 =	vmin.f32 @p0 v13, v9  }
0x12c: {  	v9 =	vmax.f32 @p0 v13, v9;
	(xrf1) =	vsort.dscd.msk.f32 @p0 $0xffff, v14, v14  }
0x12d: {  	(xrf1) =	vsort.dscd.msk.f32 @p0 $0xffff, v15, v15  }
0x12e: {  	(xrf1) =	vsort.dscd.msk.f32 @p0 $0xffff, v12, v12  }
0x12f: {  	(xrf1) =	vsort.dscd.msk.f32 @p0 $0xffff, v9, v9;
	_ =	sdelay $0x2  }
.Ltmp6:
0x130: {  	(pc) =	sbr.rel @!p1 .LBB2_25-.Ltmp6, $2  }
0x131: {  	_ =	sdelay $0x2  }
0x132: {  	s22 =	sadd.s32 $0x10, s22  }
.LBB2_26:
0x133: {  	_ =	sdelay $0x2  }
0x134: {  	v9, _, _ =	vpop @p0 (xrf1)  }
0x135: {  	(xrf0) =	vmin.scan.msk.f32 @p0 $0xffff, v9;
	_ =	sdelay $0x5  }
0x136: {  	v12, _, _ =	vpop @p0 (xrf0)  }
0x137: {  	(v2sf) =	vpush @p0 v12, $0xF;
	_ =	sdelay $0xb  }
.Ltmp7:
0x138: {  	_ = 	snop;
	(pc) =	sbr.rel .LBB2_8-.Ltmp7, $4  }
0x139: {  	v12, _, _ =	vpop @p0 (xrf1)  }
0x13a: {  	v13, _, _ =	vpop @p0 (xrf1)  }
0x13b: {  	v7 =	vpsel p0, v9, v7;
	v14, _, _ =	vpop @p0 (xrf1);
	s21 =	spop @p0 (v2sf)  }
0x13c: {  	v9 =	vpsel p0, v12, v8;
	v10 =	vpsel p0, v13, v10;
	v8 =	vpsel p0, v14, v11;
	s19 =	smov.u32 @p0 s21  }
.LBB2_7:
0x13d: {  	v9 =	vimm.f32 $-Inf  }
0x13e: {  	s19 =	simm.f32 $-Inf;
	v10 =	vimm.f32 $-Inf;
	v8 =	vimm.f32 $-Inf;
	v7 =	vimm.f32 $-Inf  }
.LBB2_8:
0x13f: {  	s21 =	sxor.u32 $0x80000000, s20  }
0x140: {  	p1 =	sgt.s32 s20, $0xFFFFFFFF;
	s30 =	sand.u32 $0xF, s20;
	p0 =	slt.s32 s21, $0x1  }
0x141: {  	s22 =	sshra.s32 s21, $0x1F;
	p6 =	sne.s32 s30, $0x0;
	p0 =	por p1, p0  }
0x142: {  	s31 =	sshrl.u32 s22, $0x1C;
	p0 =	por !p6, !p0  }
0x143: {  	s20 =	sadd.s32 s31, s21;
	s21 =	simm.s32 $0x1;
	p0 =	por !p0, !p0  }
0x144: {  	s20 =	sshra.s32 s20, $0x4;
	s21 =	simm.s32 @!p0 $0x0  }
0x145: {  	s20 =	ssub.s32 s20, s21  }
0x146: {  	p0 =	sgt.s32 s20, $0x0  }
.Ltmp8:
0x147: {  	_ = 	snop;
	(pc) =	sbr.rel @!p0 .LBB2_12-.Ltmp8, $1  }
0x148: {  	_ =	sdelay $0x3  }
0x149: {  	s21 =	simm.s32 $0x0  }
0x14a: {  	s21 =	sand.u32 $0xFFFFFFF0, s21  }
0x14b: {  	v11 =	vld [tilespmem:s21+$0x10200];
	_ =	sdelay $0x4  }
0x14c: {  	(xrf0) =	vmax.scan.msk.f32 $0xffff, v11;
	_ =	sdelay $0x5  }
0x14d: {  	v12, _, _ =	vpop (xrf0)  }
0x14e: {  	(v2sf) =	vpush v12, $0xF;
	_ =	sdelay $0xe  }
0x14f: {  	p0 =	slt.s32 s20, $0x20;
	s31 =	spop (v2sf)  }
0x150: {  	s20 =	simm.s32 @!p0 $0x20;
	p0 =	sge.f32 s31, s19;
	_ =	sdelay $0x1  }
0x151: {  	(xrf1) =	vsort.dscd.msk.f32 @p0 $0xffff, v11, v11;
	_ =	sdelay $0xa  }
0x152: {  	v11 =	vlaneseq.u32 @p0  }
0x153: {  	v11 =	vmul.u32 @p0 $0xFFFFFFFF, v11;
	_ =	sdelay $0x1  }
0x154: {  	v11 =	vadd.s32 @p0 $0xF, v11;
	v12, _, _ =	vpop @p0 (xrf1)  }
0x155: {  	v11 =	vperm.xlane @p0 v12, v11;
	_ =	sdelay $0x1  }
0x156: {  	v11 =	vmax.f32 @p0 v7, v11  }
0x157: {  	v12 =	vmin.f32 @p0 v9, v8;
	v13 =	vmin.f32 @p0 v10, v11  }
0x158: {  	v14 =	vmax.f32 @p0 v9, v8;
	v11 =	vmax.f32 @p0 v10, v11;
	v15 =	vmin.f32 @p0 v12, v13  }
0x159: {  	(xrf1) =	vsort.dscd.msk.f32 @p0 $0xffff, v15, v15;
	v15 =	vmax.f32 @p0 v14, v11  }
0x15a: {  	v11 =	vmin.f32 @p0 v14, v11;
	(xrf1) =	vsort.dscd.msk.f32 @p0 $0xffff, v15, v15  }
0x15b: {  	v12 =	vmax.f32 @p0 v12, v13;
	(xrf1) =	vsort.dscd.msk.f32 @p0 $0xffff, v11, v11  }
0x15c: {  	s20 =	sadd.s32 $0xFFFFFFFF, s20;
	(xrf1) =	vsort.dscd.msk.f32 @p0 $0xffff, v12, v12  }
0x15d: {  	p1 =	sne.s32 s20, $0x0  }
.Ltmp9:
0x15e: {  	_ = 	snop;
	(pc) =	sbr.rel @!p1 .LBB2_11-.Ltmp9, $2  }
0x15f: {  	_ =	sdelay $0x2  }
0x160: {  	s21 =	simm.s32 $0x10  }
.LBB2_10:
0x161: {  	s22 =	sand.u32 $0xFFFFFFF0, s21;
	s20 =	sadd.s32 $0xFFFFFFFF, s20  }
0x162: {  	v11 =	vld [tilespmem:s22+$0x10200];
	p1 =	sne.s32 s20, $0x0;
	_ =	sdelay $0x2  }
0x163: {  	v12, _, _ =	vpop @p0 (xrf1)  }
0x164: {  	v7 =	vpsel p0, v12, v7;
	v13, _, _ =	vpop @p0 (xrf1);
	(xrf0) =	vmin.scan.msk.f32 @p0 $0xffff, v12  }
0x165: {  	(xrf0) =	vmax.scan.msk.f32 $0xffff, v11;
	v9 =	vpsel p0, v13, v9;
	v12, _, _ =	vpop @p0 (xrf1)  }
0x166: {  	v10 =	vpsel p0, v12, v10;
	v12, _, _ =	vpop @p0 (xrf1)  }
0x167: {  	v8 =	vpsel p0, v12, v8;
	_ =	sdelay $0x2  }
0x168: {  	v12, _, _ =	vpop @p0 (xrf0)  }
0x169: {  	v13, _, _ =	vpop (xrf0);
	(v2sf) =	vpush @p0 v12, $0xF  }
0x16a: {  	(v2sf) =	vpush v13, $0xF;
	_ =	sdelay $0xd  }
0x16b: {  	s22 =	spop @p0 (v2sf)  }
0x16c: {  	s23 =	spop (v2sf);
	s19 =	smov.u32 @p0 s22  }
0x16d: {  	p0 =	sge.f32 s23, s19;
	_ =	sdelay $0x1  }
0x16e: {  	v12 =	vmax.f32 @p0 v9, v8;
	(xrf1) =	vsort.dscd.msk.f32 @p0 $0xffff, v11, v11;
	_ =	sdelay $0xa  }
0x16f: {  	v11 =	vlaneseq.u32 @p0  }
0x170: {  	v11 =	vmul.u32 @p0 $0xFFFFFFFF, v11;
	_ =	sdelay $0x1  }
0x171: {  	v11 =	vadd.s32 @p0 $0xF, v11;
	v13, _, _ =	vpop @p0 (xrf1)  }
0x172: {  	v11 =	vperm.xlane @p0 v13, v11;
	_ =	sdelay $0x1  }
0x173: {  	v11 =	vmax.f32 @p0 v7, v11  }
0x174: {  	v13 =	vmin.f32 @p0 v9, v8;
	v14 =	vmax.f32 @p0 v10, v11;
	v11 =	vmin.f32 @p0 v10, v11  }
0x175: {  	v15 =	vmax.f32 @p0 v12, v14;
	v12 =	vmin.f32 @p0 v12, v14;
	v14 =	vmin.f32 @p0 v13, v11  }
0x176: {  	v11 =	vmax.f32 @p0 v13, v11;
	(xrf1) =	vsort.dscd.msk.f32 @p0 $0xffff, v14, v14  }
0x177: {  	(xrf1) =	vsort.dscd.msk.f32 @p0 $0xffff, v15, v15  }
0x178: {  	(xrf1) =	vsort.dscd.msk.f32 @p0 $0xffff, v12, v12  }
0x179: {  	(xrf1) =	vsort.dscd.msk.f32 @p0 $0xffff, v11, v11;
	_ =	sdelay $0x1  }
.Ltmp10:
0x17a: {  	(pc) =	sbr.rel @p1 .LBB2_10-.Ltmp10, $2  }
0x17b: {  	_ =	sdelay $0x2  }
0x17c: {  	s21 =	sadd.s32 $0x10, s21  }
.LBB2_11:
0x17d: {  	_ =	sdelay $0x3  }
0x17e: {  	v11, _, _ =	vpop @p0 (xrf1)  }
0x17f: {  	(xrf0) =	vmin.scan.msk.f32 @p0 $0xffff, v11;
	_ =	sdelay $0x5  }
0x180: {  	v12, _, _ =	vpop @p0 (xrf0)  }
0x181: {  	(v2sf) =	vpush @p0 v12, $0xF;
	_ =	sdelay $0xb  }
0x182: {  	v12, _, _ =	vpop @p0 (xrf1)  }
0x183: {  	v13, _, _ =	vpop @p0 (xrf1)  }
0x184: {  	v7 =	vpsel p0, v11, v7;
	v11, _, _ =	vpop @p0 (xrf1)  }
0x185: {  	v9 =	vpsel p0, v12, v9;
	v10 =	vpsel p0, v13, v10;
	v8 =	vpsel p0, v11, v8;
	s19 =	spop @p0 (v2sf)  }
.LBB2_12:
0x186: {  	s19 =	sshll.u32 s18, $0x1  }
0x187: {  	p0 =	seq.s32 s18, $0x1F;
	s20 =	sshll.u32 s18, $0x8;
	s19 =	sadd.s32 s4, s19  }
0x188: {  	s20 =	sand.u32 $0x3FFFFF00, s20;
	s21 =	sadd.s32 @!p0 $0x2, s19  }
0x189: {  	[tilespmem:s20+$0x10400] =	vst v9;
	s22 =	sshll.u32 @!p0 s21, $0x4  }
0x18a: {  	[tilespmem:s20+$0x10410] =	vst v10;
	s21 =	sshll.u32 @!p0 s21, $0xC;
	s22 =	sand.u32 @!p0 $0x60, s22  }
0x18b: {  	s23 =	simm.s32 @!p0 $0x400;
	[tilespmem:s20+$0x10420] =	vst v8;
	s21 =	sand.u32 @!p0 $0xFFF8000, s21;
	s22 =	sadd.s32 @!p0 s1, s22  }
0x18c: {  	s24 =	simm.s32 @!p0 $0x0;
	[tilespmem:s20+$0x10430] =	vst v7;
	s21 =	sadd.s32 @!p0 s21, s22;
	s22 =	simm.s32 @!p0 $0x80  }
0x18d: {  	[tilespmem:s24], [sflag:$0x1] =	stream.strided.gather @!p0 [hbm4b:s21+s22], $0x8000, s23, s22, $0x38;
	[tilespmem:$0x12400] =	vst v63  }
0x18e: {  	_ =	swait.ge [sflag:s14], $0x8000  }
0x18f: {  	[sflag:s14] =	ssyncset.done $0x0  }
0x190: {  	s31 =	simm.s32 $0x8080;
	[sflag:s14] =	ssyncadd.s32 $0xFFFF8000  }
0x191: {  	v8 =	vld [tilespmem:s31+$0x0]  }
0x192: {  	v13 =	vld [tilespmem:s31+$0x10]  }
0x193: {  	v11 =	vld [tilespmem:s31+$0x20]  }
0x194: {  	v12 =	vld [tilespmem:s31+$0x30]  }
0x195: {  	v14 =	vld [tilespmem:s31+$0x40]  }
0x196: {  	v10 =	vld [tilespmem:s31+$0x50]  }
0x197: {  	v7 =	vld [tilespmem:s31+$0x60]  }
0x198: {  	v9 =	vld [tilespmem:s31+$0xFFFFFF80]  }
0x199: {  	v16 =	vld [tilespmem:s31+$0xFFFFFF90]  }
0x19a: {  	v25 =	vld [tilespmem:s31+$0xFFFFFFA0]  }
0x19b: {  	v27 =	vld [tilespmem:s31+$0xFFFFFFB0]  }
0x19c: {  	v26 =	vld [tilespmem:s31+$0xFFFFFFC0]  }
0x19d: {  	v21 =	vld [tilespmem:s31+$0xFFFFFFD0]  }
0x19e: {  	v15 =	vimm.f32 $-Inf;
	v20 =	vimm.f32 $-Inf;
	v22 =	vld [tilespmem:s31+$0xFFFFFFE0]  }
0x19f: {  	v18 =	vimm.f32 $-Inf;
	v19 =	vimm.f32 $-Inf;
	v17 =	vimm.f32 $-Inf;
	v23 =	vld [tilespmem:s31+$0xFFFFFFF0]  }
0x1a0: {  	s21 =	simm.s32 $0x0;
	s22 =	simm.s32 $0x8180;
	v24 =	vld [tilespmem:s31+$0x70];
	v9 =	vmax.f32 v15, v9;
	v28 =	vmax.f32 v15, v16;
	v16 =	vimm.f32 $-Inf  }
.LBB2_13:
0x1a1: {  	v9 =	vmax.f32 v9, v8;
	v8 =	vld [tilespmem:s22+$0x0];
	v28 =	vmax.f32 v28, v13  }
0x1a2: {  	v15 =	vmax.f32 v15, v25;
	v20 =	vmax.f32 v20, v27;
	v18 =	vmax.f32 v18, v26;
	v13 =	vld [tilespmem:s22+$0x10]  }
0x1a3: {  	v15 =	vmax.f32 v15, v11;
	v20 =	vmax.f32 v20, v12;
	v18 =	vmax.f32 v18, v14;
	v11 =	vld [tilespmem:s22+$0x20]  }
0x1a4: {  	v19 =	vmax.f32 v19, v21;
	v17 =	vmax.f32 v17, v22;
	v12 =	vld [tilespmem:s22+$0x30];
	v16 =	vmax.f32 v16, v23  }
0x1a5: {  	v19 =	vmax.f32 v19, v10;
	v17 =	vmax.f32 v17, v7;
	v14 =	vld [tilespmem:s22+$0x40];
	v16 =	vmax.f32 v16, v24  }
0x1a6: {  	v10 =	vld [tilespmem:s22+$0x50]  }
0x1a7: {  	v7 =	vld [tilespmem:s22+$0x60]  }
0x1a8: {  	v24 =	vld [tilespmem:s22+$0xFFFFFF80]  }
0x1a9: {  	v29 =	vld [tilespmem:s22+$0xFFFFFF90]  }
0x1aa: {  	s21 =	sadd.s32 $0x2, s21;
	v25 =	vld [tilespmem:s22+$0xFFFFFFA0]  }
0x1ab: {  	p1 =	slt.u32 s21, $0xFE;
	v27 =	vld [tilespmem:s22+$0xFFFFFFB0]  }
.Ltmp11:
0x1ac: {  	v26 =	vld [tilespmem:s22+$0xFFFFFFC0];
	(pc) =	sbr.rel @p1 .LBB2_13-.Ltmp11, $4  }
0x1ad: {  	v21 =	vld [tilespmem:s22+$0xFFFFFFD0]  }
0x1ae: {  	v22 =	vld [tilespmem:s22+$0xFFFFFFE0]  }
0x1af: {  	v23 =	vld [tilespmem:s22+$0xFFFFFFF0]  }
0x1b0: {  	v9 =	vmax.f32 v9, v24;
	v28 =	vmax.f32 v28, v29;
	v24 =	vld [tilespmem:s22+$0x70];
	s22 =	sadd.s32 $0x100, s22  }
0x1b1: {  	v13 =	vmax.f32 v28, v13;
	v15 =	vmax.f32 v15, v25  }
0x1b2: {  	v20 =	vmax.f32 v20, v27;
	v11 =	vmax.f32 v15, v11;
	(xrf1) =	vsort.dscd.msk.f32 $0xffff, v13, v13  }
0x1b3: {  	v18 =	vmax.f32 v18, v26;
	v12 =	vmax.f32 v20, v12;
	(xrf1) =	vsort.dscd.msk.f32 $0xffff, v11, v11  }
0x1b4: {  	v25 =	vmax.f32 v19, v21;
	v11 =	vmax.f32 v18, v14;
	(xrf1) =	vsort.dscd.msk.f32 $0xffff, v12, v12  }
0x1b5: {  	v26 =	vmax.f32 v17, v22;
	v10 =	vmax.f32 v25, v10;
	(xrf1) =	vsort.dscd.msk.f32 $0xffff, v11, v11  }
0x1b6: {  	v7 =	vmax.f32 v26, v7;
	v11 =	vmax.f32 v16, v23;
	(xrf1) =	vsort.dscd.msk.f32 $0xffff, v10, v10  }
0x1b7: {  	v10 =	vmax.f32 v11, v24;
	(xrf1) =	vsort.dscd.msk.f32 $0xffff, v7, v7  }
0x1b8: {  	(xrf1) =	vsort.dscd.msk.f32 $0xffff, v10, v10;
	_ =	sdelay $0x6  }
0x1b9: {  	v7 =	vlaneseq.u32  }
0x1ba: {  	v11 =	vmul.u32 $0xFFFFFFFF, v7;
	v10, _, _ =	vpop (xrf1)  }
0x1bb: {  	v27, _, _ =	vpop (xrf1)  }
0x1bc: {  	v11 =	vadd.s32 $0xF, v11;
	v28, _, _ =	vpop (xrf1)  }
0x1bd: {  	v29, _, _ =	vpop (xrf1);
	v13 =	vperm.xlane v28, v11  }
0x1be: {  	v30, _, _ =	vpop (xrf1)  }
0x1bf: {  	v31, _, _ =	vpop (xrf1);
	v32 =	vmax.f32 v27, v13;
	v15 =	vperm.xlane v30, v11  }
0x1c0: {  	v12 =	vmin.f32 v27, v13;
	v33, _, _ =	vpop (xrf1);
	(xrf1) =	vsort.dscd.msk.f32 $0xffff, v32, v32  }
0x1c1: {  	(xrf1) =	vsort.dscd.msk.f32 $0xffff, v12, v12;
	v34 =	vmax.f32 v29, v15;
	v35 =	vperm.xlane v33, v11  }
0x1c2: {  	v36 =	vmin.f32 v29, v15;
	(xrf1) =	vsort.dscd.msk.f32 $0xffff, v34, v34  }
0x1c3: {  	(xrf1) =	vsort.dscd.msk.f32 $0xffff, v36, v36;
	v37 =	vmax.f32 v31, v35  }
0x1c4: {  	v38 =	vmin.f32 v31, v35;
	(xrf1) =	vsort.dscd.msk.f32 $0xffff, v37, v37  }
0x1c5: {  	(xrf1) =	vsort.dscd.msk.f32 $0xffff, v38, v38;
	_ =	sdelay $0x8  }
0x1c6: {  	v39, _, _ =	vpop (xrf1)  }
0x1c7: {  	v40, _, _ =	vpop (xrf1)  }
0x1c8: {  	v41, _, _ =	vpop (xrf1)  }
0x1c9: {  	v42, _, _ =	vpop (xrf1)  }
0x1ca: {  	v43, _, _ =	vpop (xrf1)  }
0x1cb: {  	v44, _, _ =	vpop (xrf1)  }
0x1cc: {  	v16 =	vperm.xlane v43, v11;
	v17 =	vperm.xlane v44, v11;
	_ =	sdelay $0x1  }
0x1cd: {  	v46 =	vmax.f32 v42, v16;
	v45 =	vmax.f32 v41, v17  }
0x1ce: {  	v15 =	vmin.f32 v42, v16;
	v47 =	vmax.f32 v45, v46  }
0x1cf: {  	v14 =	vmin.f32 v41, v17;
	v48 =	vmin.f32 v45, v46;
	(xrf1) =	vsort.dscd.msk.f32 $0xffff, v47, v47  }
0x1d0: {  	v49 =	vmax.f32 v14, v15;
	(xrf1) =	vsort.dscd.msk.f32 $0xffff, v48, v48  }
0x1d1: {  	v14 =	vmin.f32 v14, v15;
	(xrf1) =	vsort.dscd.msk.f32 $0xffff, v49, v49  }
0x1d2: {  	v8 =	vmax.f32 v9, v8;
	(xrf1) =	vsort.dscd.msk.f32 $0xffff, v14, v14  }
0x1d3: {  	(xrf1) =	vsort.dscd.msk.f32 $0xffff, v8, v8  }
0x1d4: {  	[tilespmem:$0x10000] =	vst v0  }
0x1d5: {  	[tilespmem:$0x10010] =	vst v0  }
0x1d6: {  	[tilespmem:$0x10020] =	vst v0  }
0x1d7: {  	[tilespmem:$0x10030] =	vst v0  }
0x1d8: {  	[tilespmem:$0x10040] =	vst v0  }
0x1d9: {  	[tilespmem:$0x10050] =	vst v0  }
0x1da: {  	[tilespmem:$0x10060] =	vst v0  }
0x1db: {  	[tilespmem:$0x10070] =	vst v0  }
0x1dc: {  	[tilespmem:$0x10080] =	vst v0  }
0x1dd: {  	[tilespmem:$0x10090] =	vst v0;
	v8, _, _ =	vpop (xrf1)  }
0x1de: {  	[tilespmem:$0x100A0] =	vst v0;
	v9, _, _ =	vpop (xrf1)  }
0x1df: {  	[tilespmem:$0x100B0] =	vst v0;
	v50, _, _ =	vpop (xrf1)  }
0x1e0: {  	[tilespmem:$0x100C0] =	vst v0;
	v10 =	vperm.xlane v10, v11;
	v51, _, _ =	vpop (xrf1)  }
0x1e1: {  	[tilespmem:$0x100D0] =	vst v0;
	v52, _, _ =	vpop (xrf1)  }
0x1e2: {  	[tilespmem:$0x100E0] =	vst v0;
	v53 =	vmax.f32 v52, v10  }
0x1e3: {  	[tilespmem:$0x100F0] =	vst v0;
	v10 =	vmin.f32 v52, v10;
	(xrf1) =	vsort.dscd.msk.f32 $0xffff, v53, v53  }
0x1e4: {  	[tilespmem:$0x10100] =	vst v0;
	(xrf1) =	vsort.dscd.msk.f32 $0xffff, v10, v10  }
0x1e5: {  	[tilespmem:$0x10110] =	vst v0  }
0x1e6: {  	[tilespmem:$0x10120] =	vst v0  }
0x1e7: {  	[tilespmem:$0x10130] =	vst v0  }
0x1e8: {  	[tilespmem:$0x10140] =	vst v0  }
0x1e9: {  	[tilespmem:$0x10150] =	vst v0  }
0x1ea: {  	[tilespmem:$0x10160] =	vst v0  }
0x1eb: {  	[tilespmem:$0x10170] =	vst v0  }
0x1ec: {  	[tilespmem:$0x10180] =	vst v0  }
0x1ed: {  	[tilespmem:$0x10190] =	vst v0  }
0x1ee: {  	[tilespmem:$0x101A0] =	vst v0  }
0x1ef: {  	[tilespmem:$0x101B0] =	vst v0  }
0x1f0: {  	[tilespmem:$0x101C0] =	vst v0  }
0x1f1: {  	[tilespmem:$0x101D0] =	vst v0;
	v12 =	vperm.xlane v39, v11;
	v10 =	vperm.xlane v40, v11;
	v54, _, _ =	vpop (xrf1)  }
0x1f2: {  	[tilespmem:$0x101E0] =	vst v0;
	v55, _, _ =	vpop (xrf1)  }
0x1f3: {  	[tilespmem:$0x101F0] =	vst v0;
	v56 =	vmax.f32 v54, v10;
	v57 =	vmax.f32 v55, v12  }
0x1f4: {  	[tilespmem:$0x10200] =	vst v0;
	v10 =	vmin.f32 v54, v10;
	v58 =	vmax.f32 v56, v57  }
0x1f5: {  	[tilespmem:$0x10210] =	vst v0;
	v12 =	vmin.f32 v55, v12;
	v59 =	vmin.f32 v56, v57;
	(xrf1) =	vsort.dscd.msk.f32 $0xffff, v58, v58  }
0x1f6: {  	[tilespmem:$0x10220] =	vst v0;
	v60 =	vmax.f32 v10, v12;
	(xrf1) =	vsort.dscd.msk.f32 $0xffff, v59, v59  }
0x1f7: {  	[tilespmem:$0x10230] =	vst v0;
	v10 =	vmin.f32 v10, v12;
	(xrf1) =	vsort.dscd.msk.f32 $0xffff, v60, v60  }
0x1f8: {  	[tilespmem:$0x10240] =	vst v0;
	(xrf1) =	vsort.dscd.msk.f32 $0xffff, v10, v10  }
0x1f9: {  	[tilespmem:$0x10250] =	vst v0  }
0x1fa: {  	[tilespmem:$0x10260] =	vst v0  }
0x1fb: {  	[tilespmem:$0x10270] =	vst v0  }
0x1fc: {  	[tilespmem:$0x10280] =	vst v0  }
0x1fd: {  	[tilespmem:$0x10290] =	vst v0  }
0x1fe: {  	[tilespmem:$0x102A0] =	vst v0  }
0x1ff: {  	[tilespmem:$0x102B0] =	vst v0  }
0x200: {  	[tilespmem:$0x102C0] =	vst v0  }
0x201: {  	[tilespmem:$0x102D0] =	vst v0  }
0x202: {  	[tilespmem:$0x102E0] =	vst v0  }
0x203: {  	[tilespmem:$0x102F0] =	vst v0;
	v10, _, _ =	vpop (xrf1)  }
0x204: {  	[tilespmem:$0x10300] =	vst v0;
	v8 =	vperm.xlane v8, v11;
	v62 =	vperm.xlane v51, v11;
	v61, _, _ =	vpop (xrf1)  }
0x205: {  	[tilespmem:$0x10310] =	vst v0;
	v9 =	vperm.xlane v9, v11;
	v14 =	vperm.xlane v50, v11;
	v63, _, _ =	vpop (xrf1)  }
0x206: {  	[tilespmem:$0x10320] =	vst v0;
	v10 =	vmax.f32 v10, v62;
	v11, _, _ =	vpop (xrf1)  }
0x207: {  	[tilespmem:$0x10330] =	vst v0;
	v12 =	vmax.f32 v61, v14;
	v9 =	vmax.f32 v63, v9;
	v8 =	vmax.f32 v11, v8  }
0x208: {  	[tilespmem:$0x10340] =	vst v0;
	v10 =	vmin.f32 v10, v12;
	v8 =	vmin.f32 v9, v8  }
0x209: {  	[tilespmem:$0x10350] =	vst v0;
	v8 =	vmin.f32 v10, v8  }
0x20a: {  	[tilespmem:$0x10360] =	vst v0;
	(xrf0) =	vmin.scan.msk.f32 $0xffff, v8  }
0x20b: {  	[tilespmem:$0x10370] =	vst v0  }
0x20c: {  	[tilespmem:$0x10380] =	vst v0  }
0x20d: {  	[tilespmem:$0x10390] =	vst v0  }
0x20e: {  	[tilespmem:$0x103A0] =	vst v0  }
0x20f: {  	[tilespmem:$0x103B0] =	vst v0  }
0x210: {  	[tilespmem:$0x103C0] =	vst v0;
	v8, _, _ =	vpop (xrf0)  }
0x211: {  	[tilespmem:$0x103D0] =	vst v0;
	v8 =	vadd.f32 $0.0e+00, v8  }
0x212: {  	[tilespmem:$0x103E0] =	vst v0  }
0x213: {  	[tilespmem:$0x103F0] =	vst v0;
	s21 =	simm.s32 $0xFFFFFFF8;
	s22 =	simm.s32 $0xE0;
	s23 =	simm.s32 $0x8070;
	v9 =	vor.u32 $0x200, v7;
	v8 =	vbroadcast v8, $0xF  }
.LBB2_15:
0x214: {  	v10 =	vld [tilespmem:s23+$0xFFFFFF90]  }
0x215: {  	v11 =	vld [tilespmem:s23+$0xFFFFFFA0];
	_ =	sdelay $0x3  }
0x216: {  	vm1 =	vlt.s32 v7, v3;
	vm0 =	vge.f32 v10, v8  }
0x217: {  	vm11 =	vlt.s32 v9, v4;
	v12 =	vsel vm1, v7, v3;
	vm2 =	vge.f32 v11, v8  }
0x218: {  	v13 =	vsel vm11, v9, v4;
	_ =	sdelay $0x3  }
0x219: {  	[tilespmem:v12+s13+$0x0] =	vst.idx.msk vm0, v10  }
0x21a: {  	[tilespmem:v13+s13+$0x0] =	vst.idx.msk vm2, v11  }
0x21b: {  	v10 =	vld [tilespmem:s23+$0xFFFFFFB0]  }
0x21c: {  	v11 =	vld [tilespmem:s23+$0xFFFFFFC0];
	_ =	sdelay $0x1  }
0x21d: {  	v35 =	vsel vm0, $0x10, v2  }
0x21e: {  	v36 =	vsel vm2, $0x10, v2;
	v7 =	vadd.s32 v7, v35  }
0x21f: {  	v9 =	vadd.s32 v9, v36;
	vm13 =	vlt.s32 v7, v3;
	vm12 =	vge.f32 v10, v8  }
0x220: {  	vm15 =	vlt.s32 v9, v4;
	v37 =	vsel vm13, v7, v3;
	vm14 =	vge.f32 v11, v8  }
0x221: {  	v38 =	vsel vm15, v9, v4;
	_ =	sdelay $0x3  }
0x222: {  	[tilespmem:v37+s13+$0x0] =	vst.idx.msk vm12, v10  }
0x223: {  	[tilespmem:v38+s13+$0x0] =	vst.idx.msk vm14, v11  }
0x224: {  	v10 =	vld [tilespmem:s23+$0xFFFFFFD0]  }
0x225: {  	v11 =	vld [tilespmem:s23+$0xFFFFFFE0];
	_ =	sdelay $0x1  }
0x226: {  	v39 =	vsel vm12, $0x10, v2  }
0x227: {  	v40 =	vsel vm14, $0x10, v2;
	v7 =	vadd.s32 v7, v39  }
0x228: {  	v9 =	vadd.s32 v9, v40;
	vm5 =	vlt.s32 v7, v3;
	vm4 =	vge.f32 v10, v8  }
0x229: {  	vm7 =	vlt.s32 v9, v4;
	v41 =	vsel vm5, v7, v3;
	vm6 =	vge.f32 v11, v8  }
0x22a: {  	v42 =	vsel vm7, v9, v4;
	_ =	sdelay $0x3  }
0x22b: {  	[tilespmem:v41+s13+$0x0] =	vst.idx.msk vm4, v10  }
0x22c: {  	[tilespmem:v42+s13+$0x0] =	vst.idx.msk vm6, v11  }
0x22d: {  	v10 =	vld [tilespmem:s23+$0xFFFFFFF0]  }
0x22e: {  	v11 =	vld [tilespmem:s23+$0x0];
	_ =	sdelay $0x1  }
0x22f: {  	v43 =	vsel vm4, $0x10, v2  }
0x230: {  	v44 =	vsel vm6, $0x10, v2;
	v7 =	vadd.s32 v7, v43  }
0x231: {  	v9 =	vadd.s32 v9, v44;
	vm9 =	vlt.s32 v7, v3;
	vm8 =	vge.f32 v10, v8  }
0x232: {  	vm11 =	vlt.s32 v9, v4;
	v45 =	vsel vm9, v7, v3;
	vm10 =	vge.f32 v11, v8  }
0x233: {  	v46 =	vsel vm11, v9, v4;
	_ =	sdelay $0x3  }
0x234: {  	[tilespmem:v45+s13+$0x0] =	vst.idx.msk vm8, v10  }
0x235: {  	[tilespmem:v46+s13+$0x0] =	vst.idx.msk vm10, v11  }
0x236: {  	v10 =	vld [tilespmem:s23+$0x10]  }
0x237: {  	v11 =	vld [tilespmem:s23+$0x20];
	_ =	sdelay $0x1  }
0x238: {  	v47 =	vsel vm8, $0x10, v2  }
0x239: {  	v48 =	vsel vm10, $0x10, v2;
	v7 =	vadd.s32 v7, v47  }
0x23a: {  	v9 =	vadd.s32 v9, v48;
	vm13 =	vlt.s32 v7, v3;
	vm12 =	vge.f32 v10, v8  }
0x23b: {  	vm15 =	vlt.s32 v9, v4;
	v49 =	vsel vm13, v7, v3;
	vm14 =	vge.f32 v11, v8  }
0x23c: {  	v50 =	vsel vm15, v9, v4;
	_ =	sdelay $0x3  }
0x23d: {  	[tilespmem:v49+s13+$0x0] =	vst.idx.msk vm12, v10  }
0x23e: {  	s24 =	sadd.s32 $0xFFFFFFC0, s22;
	[tilespmem:v50+s13+$0x0] =	vst.idx.msk vm14, v11  }
0x23f: {  	s24 =	sor.u32 $0x30, s24;
	v10 =	vld [tilespmem:s23+$0x30]  }
0x240: {  	v11 =	vld [tilespmem:s24+$0x8000];
	_ =	sdelay $0x1  }
0x241: {  	v51 =	vsel vm12, $0x10, v2  }
0x242: {  	v52 =	vsel vm14, $0x10, v2;
	v7 =	vadd.s32 v7, v51  }
0x243: {  	v9 =	vadd.s32 v9, v52;
	vm5 =	vlt.s32 v7, v3;
	vm4 =	vge.f32 v10, v8  }
0x244: {  	vm7 =	vlt.s32 v9, v4;
	v53 =	vsel vm5, v7, v3;
	vm6 =	vge.f32 v11, v8  }
0x245: {  	v54 =	vsel vm7, v9, v4;
	_ =	sdelay $0x3  }
0x246: {  	[tilespmem:v53+s13+$0x0] =	vst.idx.msk vm4, v10  }
0x247: {  	s30 =	sadd.s32 $0xFFFFFFE0, s22;
	[tilespmem:v54+s13+$0x0] =	vst.idx.msk vm6, v11  }
0x248: {  	s24 =	sor.u32 $0x50, s30;
	v10 =	vld [tilespmem:s23+$0x50]  }
0x249: {  	v11 =	vld [tilespmem:s24+$0x8000];
	_ =	sdelay $0x1  }
0x24a: {  	v55 =	vsel vm4, $0x10, v2  }
0x24b: {  	v56 =	vsel vm6, $0x10, v2;
	v7 =	vadd.s32 v7, v55  }
0x24c: {  	v9 =	vadd.s32 v9, v56;
	vm9 =	vlt.s32 v7, v3;
	vm8 =	vge.f32 v10, v8  }
0x24d: {  	vm11 =	vlt.s32 v9, v4;
	v57 =	vsel vm9, v7, v3;
	vm10 =	vge.f32 v11, v8  }
0x24e: {  	v58 =	vsel vm11, v9, v4;
	_ =	sdelay $0x3  }
0x24f: {  	[tilespmem:v57+s13+$0x0] =	vst.idx.msk vm8, v10  }
0x250: {  	[tilespmem:v58+s13+$0x0] =	vst.idx.msk vm10, v11  }
0x251: {  	s31 =	sor.u32 $0x70, s22;
	v10 =	vld [tilespmem:s23+$0x70]  }
0x252: {  	v11 =	vld [tilespmem:s31+$0x8000];
	_ =	sdelay $0x1  }
0x253: {  	v59 =	vsel vm8, $0x10, v2  }
0x254: {  	v60 =	vsel vm10, $0x10, v2;
	v7 =	vadd.s32 v7, v59  }
0x255: {  	v9 =	vadd.s32 v9, v60;
	vm13 =	vlt.s32 v7, v3;
	vm12 =	vge.f32 v10, v8  }
0x256: {  	s21 =	sadd.s32 $0x8, s21;
	vm15 =	vlt.s32 v9, v4;
	v61 =	vsel vm13, v7, v3;
	vm14 =	vge.f32 v11, v8  }
0x257: {  	p1 =	slt.u32 s21, $0x3F8;
	v62 =	vsel vm15, v9, v4  }
.Ltmp12:
0x258: {  	_ = 	snop;
	(pc) =	sbr.rel @p1 .LBB2_15-.Ltmp12, $3  }
0x259: {  	_ =	sdelay $0x1  }
0x25a: {  	v63 =	vsel vm14, $0x10, v2;
	[tilespmem:v61+s13+$0x0] =	vst.idx.msk vm12, v10;
	v10 =	vsel vm12, $0x10, v2  }
0x25b: {  	s22 =	sadd.s32 $0x100, s22;
	s23 =	sadd.s32 $0x100, s23;
	v9 =	vadd.s32 v9, v63;
	[tilespmem:v62+s13+$0x0] =	vst.idx.msk vm14, v11;
	v7 =	vadd.s32 v7, v10  }
0x25c: {  	v3 =	vadd.s32 v5, v7  }
0x25d: {  	v3 =	vxor.u32 $0x80000000, v3  }
0x25e: {  	(xrf0) =	vmax.scan.msk.u32 $0xffff, v3;
	_ =	sdelay $0x5  }
0x25f: {  	v3, _, _ =	vpop (xrf0)  }
0x260: {  	(v2sf) =	vpush v3, $0xF;
	_ =	sdelay $0x3  }
0x261: {  	v3 =	vadd.s32 v6, v9  }
0x262: {  	v3 =	vxor.u32 $0x80000000, v3  }
0x263: {  	(xrf0) =	vmax.scan.msk.u32 $0xffff, v3;
	_ =	sdelay $0x5  }
0x264: {  	v3, _, _ =	vpop (xrf0)  }
0x265: {  	(v2sf) =	vpush v3, $0xF;
	_ =	sdelay $0x1  }
0x266: {  	s21 =	spop (v2sf)  }
0x267: {  	s22 =	sxor.u32 $0x80000000, s21  }
0x268: {  	p2 =	sgt.s32 s21, $0xFFFFFFFF;
	s21 =	sand.u32 $0xF, s21;
	p1 =	slt.s32 s22, $0x1  }
0x269: {  	s23 =	sshra.s32 s22, $0x1F;
	p6 =	sne.s32 s21, $0x0;
	p1 =	por p2, p1  }
0x26a: {  	s31 =	sshrl.u32 s23, $0x1C;
	p1 =	por !p6, !p1  }
0x26b: {  	s21 =	sadd.s32 s31, s22;
	s22 =	simm.s32 $0x1;
	p1 =	por !p1, !p1  }
0x26c: {  	s21 =	sshra.s32 s21, $0x4;
	s22 =	simm.s32 @!p1 $0x0  }
0x26d: {  	s21 =	ssub.s32 s21, s22  }
0x26e: {  	p1 =	slt.s32 s21, $0x1  }
.Ltmp13:
0x26f: {  	_ = 	snop;
	(pc) =	sbr.rel @p1 .LBB2_17-.Ltmp13, $2  }
0x270: {  	_ =	sdelay $0x2  }
0x271: {  	s22 =	spop (v2sf)  }
0x272: {  	s24 =	simm.s32 $0x10000  }
0x273: {  	v4 =	vld [tilespmem:s24+$0x0];
	_ =	sdelay $0x4  }
0x274: {  	(xrf0) =	vmax.scan.msk.f32 $0xffff, v4;
	_ =	sdelay $0x5  }
0x275: {  	v5, _, _ =	vpop (xrf0)  }
0x276: {  	(v2sf) =	vpush v5, $0xF;
	_ =	sdelay $0xe  }
0x277: {  	s23 =	smin.u32 s21, $0x20;
	s21 =	simm.f32 $-Inf;
	s31 =	spop (v2sf)  }
0x278: {  	p1 =	sge.f32 s31, s21;
	_ =	sdelay $0x1  }
0x279: {  	(xrf1) =	vsort.dscd.msk.f32 @p1 $0xffff, v4, v4;
	_ =	sdelay $0xa  }
0x27a: {  	v4 =	vlaneseq.u32 @p1  }
0x27b: {  	v4 =	vmul.u32 @p1 $0xFFFFFFFF, v4;
	_ =	sdelay $0x1  }
0x27c: {  	v4 =	vadd.s32 @p1 $0xF, v4;
	v5, _, _ =	vpop @p1 (xrf1)  }
0x27d: {  	v4 =	vperm.xlane @p1 v5, v4  }
0x27e: {  	v3 =	vimm.f32 $-Inf  }
0x27f: {  	v4 =	vmax.f32 @p1 v3, v4  }
0x280: {  	v5 =	vmin.f32 @p1 v3, v3;
	v6 =	vmin.f32 @p1 v3, v4  }
0x281: {  	v7 =	vmax.f32 @p1 v3, v3;
	v4 =	vmax.f32 @p1 v3, v4;
	v8 =	vmin.f32 @p1 v5, v6  }
0x282: {  	(xrf1) =	vsort.dscd.msk.f32 @p1 $0xffff, v8, v8;
	v8 =	vmax.f32 @p1 v7, v4  }
0x283: {  	v4 =	vmin.f32 @p1 v7, v4;
	(xrf1) =	vsort.dscd.msk.f32 @p1 $0xffff, v8, v8  }
0x284: {  	v5 =	vmax.f32 @p1 v5, v6;
	(xrf1) =	vsort.dscd.msk.f32 @p1 $0xffff, v4, v4  }
0x285: {  	(xrf1) =	vsort.dscd.msk.f32 @p1 $0xffff, v5, v5  }
0x286: {  	s23 =	sadd.s32 $0xFFFFFFFF, s23  }
0x287: {  	p2 =	seq.s32 s23, $0x0  }
.Ltmp14:
0x288: {  	_ = 	snop;
	(pc) =	sbr.rel @p2 .LBB2_29-.Ltmp14, $2  }
0x289: {  	_ =	sdelay $0x2  }
0x28a: {  	s24 =	simm.s32 $0x10010;
	v6 =	vimm.f32 $-Inf;
	v4 =	vimm.f32 $-Inf;
	v5 =	vimm.f32 $-Inf  }
.LBB2_28:
0x28b: {  	v7 =	vld [tilespmem:s24+$0x0];
	s23 =	sadd.s32 $0xFFFFFFFF, s23  }
0x28c: {  	p2 =	seq.s32 s23, $0x0;
	_ =	sdelay $0x1  }
0x28d: {  	v8, _, _ =	vpop @p1 (xrf1)  }
0x28e: {  	v3 =	vpsel p1, v8, v3;
	v9, _, _ =	vpop @p1 (xrf1);
	(xrf0) =	vmin.scan.msk.f32 @p1 $0xffff, v8  }
0x28f: {  	(xrf0) =	vmax.scan.msk.f32 $0xffff, v7;
	v4 =	vpsel p1, v9, v4;
	v8, _, _ =	vpop @p1 (xrf1)  }
0x290: {  	v5 =	vpsel p1, v8, v5;
	v8, _, _ =	vpop @p1 (xrf1)  }
0x291: {  	v6 =	vpsel p1, v8, v6;
	_ =	sdelay $0x2  }
0x292: {  	v8, _, _ =	vpop @p1 (xrf0)  }
0x293: {  	v9, _, _ =	vpop (xrf0);
	(v2sf) =	vpush @p1 v8, $0xF  }
0x294: {  	(v2sf) =	vpush v9, $0xF;
	_ =	sdelay $0xd  }
0x295: {  	s25 =	spop @p1 (v2sf)  }
0x296: {  	s26 =	spop (v2sf);
	s21 =	smov.u32 @p1 s25  }
0x297: {  	p1 =	sge.f32 s26, s21;
	_ =	sdelay $0x1  }
0x298: {  	v8 =	vmax.f32 @p1 v4, v6;
	(xrf1) =	vsort.dscd.msk.f32 @p1 $0xffff, v7, v7;
	_ =	sdelay $0xa  }
0x299: {  	v7 =	vlaneseq.u32 @p1  }
0x29a: {  	v7 =	vmul.u32 @p1 $0xFFFFFFFF, v7;
	_ =	sdelay $0x1  }
0x29b: {  	v7 =	vadd.s32 @p1 $0xF, v7;
	v9, _, _ =	vpop @p1 (xrf1)  }
0x29c: {  	v7 =	vperm.xlane @p1 v9, v7;
	_ =	sdelay $0x1  }
0x29d: {  	v7 =	vmax.f32 @p1 v3, v7  }
0x29e: {  	v9 =	vmin.f32 @p1 v4, v6;
	v10 =	vmax.f32 @p1 v5, v7;
	v7 =	vmin.f32 @p1 v5, v7  }
0x29f: {  	v11 =	vmax.f32 @p1 v8, v10;
	v8 =	vmin.f32 @p1 v8, v10;
	v10 =	vmin.f32 @p1 v9, v7  }
0x2a0: {  	v7 =	vmax.f32 @p1 v9, v7;
	(xrf1) =	vsort.dscd.msk.f32 @p1 $0xffff, v10, v10  }
0x2a1: {  	(xrf1) =	vsort.dscd.msk.f32 @p1 $0xffff, v11, v11  }
0x2a2: {  	(xrf1) =	vsort.dscd.msk.f32 @p1 $0xffff, v8, v8  }
0x2a3: {  	(xrf1) =	vsort.dscd.msk.f32 @p1 $0xffff, v7, v7;
	_ =	sdelay $0x2  }
.Ltmp15:
0x2a4: {  	(pc) =	sbr.rel @!p2 .LBB2_28-.Ltmp15, $2  }
0x2a5: {  	_ =	sdelay $0x2  }
0x2a6: {  	s24 =	sadd.s32 $0x10, s24  }
.LBB2_29:
0x2a7: {  	_ =	sdelay $0x2  }
0x2a8: {  	v7, _, _ =	vpop @p1 (xrf1)  }
0x2a9: {  	(xrf0) =	vmin.scan.msk.f32 @p1 $0xffff, v7;
	_ =	sdelay $0x5  }
0x2aa: {  	v8, _, _ =	vpop @p1 (xrf0)  }
0x2ab: {  	(v2sf) =	vpush @p1 v8, $0xF;
	_ =	sdelay $0xb  }
.Ltmp16:
0x2ac: {  	_ = 	snop;
	(pc) =	sbr.rel .LBB2_18-.Ltmp16, $4  }
0x2ad: {  	v8, _, _ =	vpop @p1 (xrf1)  }
0x2ae: {  	v9, _, _ =	vpop @p1 (xrf1)  }
0x2af: {  	v3 =	vpsel p1, v7, v3;
	v7, _, _ =	vpop @p1 (xrf1);
	s23 =	spop @p1 (v2sf)  }
0x2b0: {  	v4 =	vpsel p1, v8, v4;
	v5 =	vpsel p1, v9, v5;
	v6 =	vpsel p1, v7, v6;
	s21 =	smov.u32 @p1 s23  }
.LBB2_17:
0x2b1: {  	v4 =	vimm.f32 $-Inf  }
0x2b2: {  	s21 =	simm.f32 $-Inf;
	v5 =	vimm.f32 $-Inf;
	v6 =	vimm.f32 $-Inf;
	v3 =	vimm.f32 $-Inf  }
.LBB2_18:
0x2b3: {  	s23 =	sxor.u32 $0x80000000, s22  }
0x2b4: {  	p2 =	sgt.s32 s22, $0xFFFFFFFF;
	s30 =	sand.u32 $0xF, s22;
	p1 =	slt.s32 s23, $0x1  }
0x2b5: {  	s24 =	sshra.s32 s23, $0x1F;
	p6 =	sne.s32 s30, $0x0;
	p1 =	por p2, p1  }
0x2b6: {  	s31 =	sshrl.u32 s24, $0x1C;
	p1 =	por !p6, !p1  }
0x2b7: {  	s22 =	sadd.s32 s31, s23;
	s23 =	simm.s32 $0x1;
	p1 =	por !p1, !p1  }
0x2b8: {  	s22 =	sshra.s32 s22, $0x4;
	s23 =	simm.s32 @!p1 $0x0  }
0x2b9: {  	s22 =	ssub.s32 s22, s23  }
0x2ba: {  	p1 =	sgt.s32 s22, $0x0  }
.Ltmp17:
0x2bb: {  	_ = 	snop;
	(pc) =	sbr.rel @!p1 .LBB2_22-.Ltmp17, $1  }
0x2bc: {  	_ =	sdelay $0x3  }
0x2bd: {  	s23 =	simm.s32 $0x0  }
0x2be: {  	s23 =	sand.u32 $0xFFFFFFF0, s23  }
0x2bf: {  	v7 =	vld [tilespmem:s23+$0x10200];
	_ =	sdelay $0x4  }
0x2c0: {  	(xrf0) =	vmax.scan.msk.f32 $0xffff, v7;
	_ =	sdelay $0x5  }
0x2c1: {  	v8, _, _ =	vpop (xrf0)  }
0x2c2: {  	(v2sf) =	vpush v8, $0xF;
	_ =	sdelay $0xe  }
0x2c3: {  	p1 =	slt.s32 s22, $0x20;
	s31 =	spop (v2sf)  }
0x2c4: {  	s22 =	simm.s32 @!p1 $0x20;
	p1 =	sge.f32 s31, s21;
	_ =	sdelay $0x1  }
0x2c5: {  	(xrf1) =	vsort.dscd.msk.f32 @p1 $0xffff, v7, v7;
	_ =	sdelay $0xa  }
0x2c6: {  	v7 =	vlaneseq.u32 @p1  }
0x2c7: {  	v7 =	vmul.u32 @p1 $0xFFFFFFFF, v7;
	_ =	sdelay $0x1  }
0x2c8: {  	v7 =	vadd.s32 @p1 $0xF, v7;
	v8, _, _ =	vpop @p1 (xrf1)  }
0x2c9: {  	v7 =	vperm.xlane @p1 v8, v7;
	_ =	sdelay $0x1  }
0x2ca: {  	v7 =	vmax.f32 @p1 v3, v7  }
0x2cb: {  	v8 =	vmin.f32 @p1 v4, v6;
	v9 =	vmin.f32 @p1 v5, v7  }
0x2cc: {  	v10 =	vmax.f32 @p1 v4, v6;
	v7 =	vmax.f32 @p1 v5, v7;
	v11 =	vmin.f32 @p1 v8, v9  }
0x2cd: {  	(xrf1) =	vsort.dscd.msk.f32 @p1 $0xffff, v11, v11;
	v11 =	vmax.f32 @p1 v10, v7  }
0x2ce: {  	v7 =	vmin.f32 @p1 v10, v7;
	(xrf1) =	vsort.dscd.msk.f32 @p1 $0xffff, v11, v11  }
0x2cf: {  	v8 =	vmax.f32 @p1 v8, v9;
	(xrf1) =	vsort.dscd.msk.f32 @p1 $0xffff, v7, v7  }
0x2d0: {  	s22 =	sadd.s32 $0xFFFFFFFF, s22;
	(xrf1) =	vsort.dscd.msk.f32 @p1 $0xffff, v8, v8  }
0x2d1: {  	p2 =	sne.s32 s22, $0x0  }
.Ltmp18:
0x2d2: {  	_ = 	snop;
	(pc) =	sbr.rel @!p2 .LBB2_21-.Ltmp18, $2  }
0x2d3: {  	_ =	sdelay $0x2  }
0x2d4: {  	s23 =	simm.s32 $0x10  }
.LBB2_20:
0x2d5: {  	s24 =	sand.u32 $0xFFFFFFF0, s23;
	s22 =	sadd.s32 $0xFFFFFFFF, s22  }
0x2d6: {  	v7 =	vld [tilespmem:s24+$0x10200];
	p2 =	sne.s32 s22, $0x0;
	_ =	sdelay $0x2  }
0x2d7: {  	v8, _, _ =	vpop @p1 (xrf1)  }
0x2d8: {  	v3 =	vpsel p1, v8, v3;
	v9, _, _ =	vpop @p1 (xrf1);
	(xrf0) =	vmin.scan.msk.f32 @p1 $0xffff, v8  }
0x2d9: {  	(xrf0) =	vmax.scan.msk.f32 $0xffff, v7;
	v4 =	vpsel p1, v9, v4;
	v8, _, _ =	vpop @p1 (xrf1)  }
0x2da: {  	v5 =	vpsel p1, v8, v5;
	v8, _, _ =	vpop @p1 (xrf1)  }
0x2db: {  	v6 =	vpsel p1, v8, v6;
	_ =	sdelay $0x2  }
0x2dc: {  	v8, _, _ =	vpop @p1 (xrf0)  }
0x2dd: {  	v9, _, _ =	vpop (xrf0);
	(v2sf) =	vpush @p1 v8, $0xF  }
0x2de: {  	(v2sf) =	vpush v9, $0xF;
	_ =	sdelay $0xd  }
0x2df: {  	s24 =	spop @p1 (v2sf)  }
0x2e0: {  	s25 =	spop (v2sf);
	s21 =	smov.u32 @p1 s24  }
0x2e1: {  	p1 =	sge.f32 s25, s21;
	_ =	sdelay $0x1  }
0x2e2: {  	v8 =	vmax.f32 @p1 v4, v6;
	(xrf1) =	vsort.dscd.msk.f32 @p1 $0xffff, v7, v7;
	_ =	sdelay $0xa  }
0x2e3: {  	v7 =	vlaneseq.u32 @p1  }
0x2e4: {  	v7 =	vmul.u32 @p1 $0xFFFFFFFF, v7;
	_ =	sdelay $0x1  }
0x2e5: {  	v7 =	vadd.s32 @p1 $0xF, v7;
	v9, _, _ =	vpop @p1 (xrf1)  }
0x2e6: {  	v7 =	vperm.xlane @p1 v9, v7;
	_ =	sdelay $0x1  }
0x2e7: {  	v7 =	vmax.f32 @p1 v3, v7  }
0x2e8: {  	v9 =	vmin.f32 @p1 v4, v6;
	v10 =	vmax.f32 @p1 v5, v7;
	v7 =	vmin.f32 @p1 v5, v7  }
0x2e9: {  	v11 =	vmax.f32 @p1 v8, v10;
	v8 =	vmin.f32 @p1 v8, v10;
	v10 =	vmin.f32 @p1 v9, v7  }
0x2ea: {  	v7 =	vmax.f32 @p1 v9, v7;
	(xrf1) =	vsort.dscd.msk.f32 @p1 $0xffff, v10, v10  }
0x2eb: {  	(xrf1) =	vsort.dscd.msk.f32 @p1 $0xffff, v11, v11  }
0x2ec: {  	(xrf1) =	vsort.dscd.msk.f32 @p1 $0xffff, v8, v8  }
0x2ed: {  	(xrf1) =	vsort.dscd.msk.f32 @p1 $0xffff, v7, v7;
	_ =	sdelay $0x1  }
.Ltmp19:
0x2ee: {  	(pc) =	sbr.rel @p2 .LBB2_20-.Ltmp19, $2  }
0x2ef: {  	_ =	sdelay $0x2  }
0x2f0: {  	s23 =	sadd.s32 $0x10, s23  }
.LBB2_21:
0x2f1: {  	_ =	sdelay $0x3  }
0x2f2: {  	v7, _, _ =	vpop @p1 (xrf1)  }
0x2f3: {  	(xrf0) =	vmin.scan.msk.f32 @p1 $0xffff, v7;
	_ =	sdelay $0x5  }
0x2f4: {  	v8, _, _ =	vpop @p1 (xrf0)  }
0x2f5: {  	(v2sf) =	vpush @p1 v8, $0xF;
	_ =	sdelay $0xb  }
0x2f6: {  	v8, _, _ =	vpop @p1 (xrf1)  }
0x2f7: {  	v9, _, _ =	vpop @p1 (xrf1)  }
0x2f8: {  	v3 =	vpsel p1, v7, v3;
	v7, _, _ =	vpop @p1 (xrf1)  }
0x2f9: {  	v4 =	vpsel p1, v8, v4;
	v5 =	vpsel p1, v9, v5;
	v6 =	vpsel p1, v7, v6;
	s21 =	spop @p1 (v2sf)  }
.LBB2_22:
.Ltmp20:
0x2fa: {  	(pc) =	sbr.rel @p0 .LBB2_30-.Ltmp20, $4  }
0x2fb: {  	[tilespmem:s20+$0x10480] =	vst v4  }
0x2fc: {  	[tilespmem:s20+$0x10490] =	vst v5  }
0x2fd: {  	[tilespmem:s20+$0x104A0] =	vst v6  }
0x2fe: {  	[tilespmem:s20+$0x104B0] =	vst v3  }
0x2ff: {  	s19 =	sadd.s32 $0x3, s19  }
.Ltmp21:
0x300: {  	s20 =	sshll.u32 s19, $0x4;
	(pc) =	sbr.rel .LBB2_2-.Ltmp21, $4  }
0x301: {  	s19 =	sshll.u32 s19, $0xC;
	s20 =	sand.u32 $0x70, s20  }
0x302: {  	s19 =	sand.u32 $0xFFF8000, s19;
	s20 =	sadd.s32 s1, s20  }
0x303: {  	s18 =	sadd.s32 $0x1, s18;
	s19 =	sadd.s32 s19, s20  }
0x304: {  	[tilespmem:s11], [sflag:$0x2] =	stream.strided.gather [hbm4b:s19+s9], $0x8000, s10, s9, $0x38;
	[tilespmem:$0x12400] =	vst v63  }
.LBB2_31:
0x305: {  	_ =	sfence.sel $0x180000  }
0x306: {  	[bflag:$0x0] =	sbarrier.arrive $0xFFFF  }
0x307: {  	p0 =	sne.s32 s2, $0x0;
	_ =	strace $0x90000047  }
0x308: {  	s0 =	sadd.s32 @!p0 $0x100000, s0;
	[bflag:$0x2] =	sbarrier.arrive $0xFFFF  }
0x309: {  	[sflag:s0] =	ssyncadd.tile.s32 @!p0 $0x1;
	_ =	shalt  }
.Lfunc_end2:
_tile_overlayer_lowered:
.L_overlay_start_2:
0x30a: {  	(tag) =	ssettag $0x2  }
0x30b: {  	s0 =	rddreg [dreg:$0x0];
	s2 =	stileid.u32  }
0x30c: {  	s1 =	rddreg [dreg:$0x1];
	p0 =	sne.s32 s2, $0x0  }
0x30d: {  	s3 =	rddreg [dreg:$0x2];
	[bflag:$0x3] =	sbarrier.arrive $0xFFFF;
	s2 =	simm.s32 @!p0 $0x1C03  }
0x30e: {  	[timem:s3], [sflag:s2] =	dma.local @!p0 [hbm:s0], s1  }
0x30f: {  	s0 =	simm.s32 @!p0 $0x3  }
0x310: {  	_ =	swait.ge @!p0 [sflag:s0], s1  }
0x311: {  	s1 =	ssub.s32 @!p0 $0x0, s1;
	[sflag:s0] =	ssyncset.done @!p0 $0x0  }
0x312: {  	[sflag:s0] =	ssyncadd.s32 @!p0 s1  }
0x313: {  	[bflag:$0x3] =	sbarrier.arrive $0xFFFF  }
0x314: {  	_ =	shalt  }

</sc_bundles>
